<compile_context>
chip_gen: v7x
topology: tpu7x:2x2x1
jax: 0.10.2.dev20260603
libtpu: 0.0.44.dev20260713+nightly
codegen_flags: <defaults>
</compile_context>

<pallas_src>
import functools

import jax
import jax.numpy as jnp
from jax import lax
from jax.experimental import pallas as pl
from jax.experimental.pallas import tpu as pltpu
from jax.experimental.pallas import tpu_sc as plsc

N_NODES = 10000
NODE_DIM = 256
EDGE_DIM = 16
HALF = 128
E_HALF = 160000
CHUNK = 256
SUB = 64
N_CHUNKS = E_HALF // CHUNK
NS = 16
LANES = 16
ZROWS = 80
N_PIECES = N_NODES // ZROWS
N_PITER = (N_PIECES + NS - 1) // NS
N_ITER = (N_CHUNKS + NS - 1) // NS
NSUB = CHUNK // SUB


def _mm_body(x_ref, w_ref, o_ref):
    o_ref[0] = jnp.dot(x_ref[...], w_ref[...],
                       preferred_element_type=jnp.float32)


def _mm(x, w, mblk):
    m = x.shape[0]
    k = x.shape[1]
    return pl.pallas_call(
        _mm_body,
        out_shape=jax.ShapeDtypeStruct((2, m, HALF), jnp.float32),
        grid=(2, m // mblk),
        in_specs=[pl.BlockSpec((mblk, k), lambda j, i: (i, 0)),
                  pl.BlockSpec((k, HALF), lambda j, i: (0, j))],
        out_specs=pl.BlockSpec((1, mblk, HALF), lambda j, i: (j, i, 0)),
    )(x, w)


def _xe_body(a_ref, w_ref, b_ref, o_ref):
    o_ref[0] = (jnp.dot(a_ref[...], w_ref[...],
                        preferred_element_type=jnp.float32)
                + b_ref[pl.program_id(0)][None, :])


def _xe(attr, w1e, b1):
    mblk = 2000
    return pl.pallas_call(
        _xe_body,
        out_shape=jax.ShapeDtypeStruct((2, E_HALF, HALF), jnp.float32),
        grid=(2, E_HALF // mblk),
        in_specs=[pl.BlockSpec((mblk, EDGE_DIM), lambda j, i: (i, 0)),
                  pl.BlockSpec((EDGE_DIM, HALF), lambda j, i: (0, j)),
                  pl.BlockSpec((2, HALF), lambda j, i: (0, 0))],
        out_specs=pl.BlockSpec((1, mblk, HALF), lambda j, i: (j, i, 0)),
    )(attr, w1e, b1.reshape(2, HALF))


def _sc_main_body(tg, tr, xe, snd, rcv, zhbm, s2_out,
                  idx_s, idx_r, idx_rg, bg0, bg1, br0, br1, be, acc,
                  sem_g, sem_e, sem_s):
    bgs = (bg0, bg1)
    brs = (br0, br1)
    c = lax.axis_index("c")
    wid = lax.axis_index("s")
    coff = c * N_NODES

    def _zero(i, _):
        p = wid + i * NS

        @pl.when(p < N_PIECES)
        def _():
            r0 = p * ZROWS
            pltpu.sync_copy(zhbm.at[pl.ds(r0, ZROWS)],
                            acc.at[pl.ds(r0, ZROWS)])
        return 0
    lax.fori_loop(0, N_PITER, _zero, 0)
    plsc.subcore_barrier()

    def _chunk(g):
        base = g * CHUNK
        pltpu.sync_copy(snd.at[g], idx_s)
        pltpu.sync_copy(rcv.at[g], idx_r)
        for j in range(NSUB):
            for k in range(SUB // LANES):
                sl = pl.ds(k * LANES, LANES)
                idx_s[j, sl] = idx_s[j, sl] + coff
                idx_rg[j, sl] = idx_r[j, sl] + coff
        nd = [pltpu.async_copy(tg.at[idx_s.at[0]], bgs[0], sem_g),
              pltpu.async_copy(tr.at[idx_rg.at[0]], brs[0], sem_g)]
        sds = [None] * NSUB
        for j in range(NSUB):
            cur = j % 2
            bg, br = bgs[cur], brs[cur]
            ed = pltpu.async_copy(
                xe.at[pl.ds(c * E_HALF + base + j * SUB, SUB)], be, sem_e)
            for d in nd:
                d.wait()
            if j + 1 < NSUB:
                if j >= 1:
                    sds[j - 1].wait()
                nxt = 1 - cur
                nd = [pltpu.async_copy(tg.at[idx_s.at[j + 1]],
                                       bgs[nxt], sem_g),
                      pltpu.async_copy(tr.at[idx_rg.at[j + 1]],
                                       brs[nxt], sem_g)]
            ed.wait()

            def _edge(e, _):
                for k in range(HALF // LANES):
                    sl = pl.ds(k * LANES, LANES)
                    x = bg[e, sl] + br[e, sl] + be[e, sl]
                    bg[e, sl] = x / (1.0 + jnp.exp(-x))
                return 0
            lax.fori_loop(0, SUB, _edge, 0)

            sds[j] = pltpu.async_copy(bg, acc.at[idx_r.at[j]], sem_s,
                                      add=True)
        sds[NSUB - 2].wait()
        sds[NSUB - 1].wait()

    def _outer(i, _):
        g = wid + i * NS

        @pl.when(g < N_CHUNKS)
        def _():
            _chunk(g)
        return 0
    lax.fori_loop(0, N_ITER, _outer, 0)
    plsc.subcore_barrier()

    def _drain(i, _):
        p = wid + i * NS

        @pl.when(p < N_PIECES)
        def _():
            r0 = p * ZROWS
            pltpu.sync_copy(acc.at[pl.ds(r0, ZROWS)],
                            s2_out.at[pl.ds(c * N_NODES + r0, ZROWS)])
        return 0
    lax.fori_loop(0, N_PITER, _drain, 0)


def _sc_cnt_body(rcv, zhbm, cnt_out, idx_r, ones, cntacc):
    c = lax.axis_index("c")
    wid = lax.axis_index("s")
    w = c * NS + wid

    def _ofill(i, _):
        for k in range(HALF // LANES):
            ones[i, pl.ds(k * LANES, LANES)] = jnp.ones((LANES,),
                                                        jnp.float32)
        return 0
    lax.fori_loop(0, 128, _ofill, 0)

    def _zero(i, _):
        p = wid + i * NS

        @pl.when(p < N_PIECES)
        def _():
            r0 = p * ZROWS
            pltpu.sync_copy(zhbm.at[pl.ds(r0, ZROWS)],
                            cntacc.at[pl.ds(r0, ZROWS)])
        return 0
    lax.fori_loop(0, N_PITER, _zero, 0)
    plsc.subcore_barrier()

    n_witer = (N_CHUNKS + 2 * NS - 1) // (2 * NS)
    def _outer(i, _):
        g = w + i * 2 * NS

        @pl.when(g < N_CHUNKS)
        def _():
            pltpu.sync_copy(rcv.at[g], idx_r)
            for j in range(2):
                pltpu.sync_copy(ones, cntacc.at[idx_r.at[j]], add=True)
        return 0
    lax.fori_loop(0, n_witer, _outer, 0)
    plsc.subcore_barrier()

    def _drain(i, _):
        p = wid + i * NS

        @pl.when(p < N_PIECES)
        def _():
            r0 = p * ZROWS
            pltpu.sync_copy(cntacc.at[pl.ds(r0, ZROWS)],
                            cnt_out.at[pl.ds(c * N_NODES + r0, ZROWS)])
        return 0
    lax.fori_loop(0, N_PITER, _drain, 0)


@functools.lru_cache(maxsize=None)
def _sc_calls():
    mesh = plsc.VectorSubcoreMesh(core_axis_name="c", subcore_axis_name="s")
    main_call = functools.partial(
        pl.kernel,
        out_type=jax.ShapeDtypeStruct((2 * N_NODES, HALF), jnp.float32),
        mesh=mesh,
        scratch_types=[
            pltpu.VMEM((CHUNK // SUB, SUB), jnp.int32),
            pltpu.VMEM((CHUNK // SUB, SUB), jnp.int32),
            pltpu.VMEM((CHUNK // SUB, SUB), jnp.int32),
            pltpu.VMEM((SUB, HALF), jnp.float32),
            pltpu.VMEM((SUB, HALF), jnp.float32),
            pltpu.VMEM((SUB, HALF), jnp.float32),
            pltpu.VMEM((SUB, HALF), jnp.float32),
            pltpu.VMEM((SUB, HALF), jnp.float32),
            pltpu.VMEM_SHARED((N_NODES, HALF), jnp.float32),
            pltpu.SemaphoreType.DMA,
            pltpu.SemaphoreType.DMA,
            pltpu.SemaphoreType.DMA,
        ],
    )(_sc_main_body)
    cnt_call = functools.partial(
        pl.kernel,
        out_type=jax.ShapeDtypeStruct((2 * N_NODES, HALF), jnp.float32),
        mesh=mesh,
        scratch_types=[
            pltpu.VMEM((2, 128), jnp.int32),
            pltpu.VMEM((128, HALF), jnp.float32),
            pltpu.VMEM_SHARED((N_NODES, HALF), jnp.float32),
        ],
    )(_sc_cnt_body)
    return main_call, cnt_call


def _fin_body(s_ref, cnt_ref, hr_ref, w2_ref, b2_ref, g_ref, be_ref, o_ref):
    cnt = cnt_ref[0][:, 0:1] + cnt_ref[1][:, 0:1]
    msum = (jnp.dot(s_ref[0], w2_ref[:HALF],
                    preferred_element_type=jnp.float32)
            + jnp.dot(s_ref[1], w2_ref[HALF:],
                      preferred_element_type=jnp.float32)
            + cnt * b2_ref[...])
    x = hr_ref[...] + msum / jnp.maximum(cnt, 1.0)
    mu = jnp.mean(x, axis=-1, keepdims=True)
    var = jnp.mean((x - mu) ** 2, axis=-1, keepdims=True)
    o_ref[...] = (x - mu) * lax.rsqrt(var + 1e-5) * g_ref[...] + be_ref[...]


def _fin(s2, cnt2, h_regional, w2, b2, gamma, beta):
    mblk = 2000
    return pl.pallas_call(
        _fin_body,
        out_shape=jax.ShapeDtypeStruct((N_NODES, NODE_DIM), jnp.float32),
        grid=(N_NODES // mblk,),
        in_specs=[pl.BlockSpec((2, mblk, HALF), lambda i: (0, i, 0)),
                  pl.BlockSpec((2, mblk, HALF), lambda i: (0, i, 0)),
                  pl.BlockSpec((mblk, NODE_DIM), lambda i: (i, 0)),
                  pl.BlockSpec((NODE_DIM, NODE_DIM), lambda i: (0, 0)),
                  pl.BlockSpec((1, NODE_DIM), lambda i: (0, 0)),
                  pl.BlockSpec((1, NODE_DIM), lambda i: (0, 0)),
                  pl.BlockSpec((1, NODE_DIM), lambda i: (0, 0))],
        out_specs=pl.BlockSpec((mblk, NODE_DIM), lambda i: (i, 0)),
    )(s2, cnt2, h_regional, w2, b2.reshape(1, NODE_DIM),
      gamma.reshape(1, NODE_DIM), beta.reshape(1, NODE_DIM))


def kernel(h_global, h_regional, cross_edge_index, cross_edge_attr,
           n_global, W1, b1, W2, b2, gamma, beta):
    senders = cross_edge_index[0, :E_HALF].astype(jnp.int32)
    receivers = cross_edge_index[1, :E_HALF].astype(jnp.int32)
    attr = cross_edge_attr[:E_HALF]

    tg = _mm(h_global, W1[:NODE_DIM], 2000).reshape(2 * N_NODES, HALF)
    tr = _mm(h_regional, W1[NODE_DIM:2 * NODE_DIM], 2000).reshape(
        2 * N_NODES, HALF)
    xe = _xe(attr, W1[2 * NODE_DIM:], b1).reshape(2 * E_HALF, HALF)

    snd = senders.reshape(N_CHUNKS, CHUNK // SUB, SUB)
    rcv = receivers.reshape(N_CHUNKS, CHUNK // SUB, SUB)
    rcv2 = receivers.reshape(N_CHUNKS, 2, 128)

    zhbm = jnp.zeros((N_NODES, HALF), jnp.float32)
    main_call, cnt_call = _sc_calls()
    cnt2 = cnt_call(rcv2, zhbm)
    s2 = main_call(tg, tr, xe, snd, rcv, zhbm)
    return _fin(s2.reshape(2, N_NODES, HALF), cnt2.reshape(2, N_NODES, HALF),
                h_regional, W2, b2, gamma, beta)

# --- scband reference (transcript-rebuilt; emitter-appended) ---
"""Pipeline reference for scband-cross-message-layer-90305982366361 (READ-ONLY COPY).

The authoritative reference and input builder live on the scoring server;
editing this copy changes nothing except your own understanding.
"""

import jax, jax.numpy as jnp
import numpy as np

N_G = 10000
N_R = 10000
E = 320000
NODE_DIM = 256
EDGE_DIM = 16
HIDDEN = 256
G_DIM = 256


def setup_inputs(seed: int = 0) -> dict:
    key = jax.random.key(seed)
    ks = jax.random.split(key, 8)
    h_global = jax.random.normal(ks[0], (N_G, NODE_DIM), dtype=jnp.float32)
    h_regional = jax.random.normal(ks[1], (N_R, NODE_DIM), dtype=jnp.float32)
    cross_edge_index = jax.random.randint(ks[2], (2, E), 0, N_G, dtype=jnp.int64 if jax.config.read('jax_enable_x64') else jnp.int32)
    cross_edge_attr = jax.random.normal(ks[3], (E, EDGE_DIM), dtype=jnp.float32)
    in_dim = G_DIM + NODE_DIM + EDGE_DIM
    W1 = jax.random.normal(ks[4], (in_dim, HIDDEN), dtype=jnp.float32) / np.sqrt(in_dim)
    b1 = jnp.zeros((HIDDEN,), dtype=jnp.float32)
    W2 = jax.random.normal(ks[5], (HIDDEN, NODE_DIM), dtype=jnp.float32) / np.sqrt(HIDDEN)
    b2 = jnp.zeros((NODE_DIM,), dtype=jnp.float32)
    gamma = jnp.ones((NODE_DIM,), dtype=jnp.float32)
    beta = jnp.zeros((NODE_DIM,), dtype=jnp.float32)
    return {
        'h_global': h_global,
        'h_regional': h_regional,
        'cross_edge_index': cross_edge_index,
        'cross_edge_attr': cross_edge_attr,
        'n_global': N_G,
        'W1': W1, 'b1': b1, 'W2': W2, 'b2': b2,
        'gamma': gamma, 'beta': beta,
    }


def reference(h_global, h_regional, cross_edge_index, cross_edge_attr, n_global, W1, b1, W2, b2, gamma, beta):
    n_reg = h_regional.shape[0]
    E_tot = cross_edge_index.shape[1]
    half_E = E_tot // 2
    g2r_senders = cross_edge_index[0, :half_E]
    g2r_receivers = cross_edge_index[1, :half_E]
    g2r_edge_attr = cross_edge_attr[:half_E]
    # gather + edge MLP
    g2r_input = jnp.concatenate([
        jnp.take(h_global, g2r_senders, axis=0),
        jnp.take(h_regional, g2r_receivers, axis=0),
        g2r_edge_attr,
    ], axis=-1)
    hdn = jax.nn.silu(g2r_input @ W1 + b1)
    g2r_msg = hdn @ W2 + b2
    # scatter-mean over receivers
    s = jax.ops.segment_sum(g2r_msg, g2r_receivers, num_segments=n_reg)
    cnt = jax.ops.segment_sum(jnp.ones((half_E,), dtype=g2r_msg.dtype), g2r_receivers, num_segments=n_reg)
    agg = s / jnp.maximum(cnt, 1.0)[:, None]
    # residual + LayerNorm over feature dim (node mode)
    x = h_regional + agg
    mu = jnp.mean(x, axis=-1, keepdims=True)
    var = jnp.mean((x - mu) ** 2, axis=-1, keepdims=True)
    out = (x - mu) / jnp.sqrt(var + 1e-5) * gamma + beta
    return out

if __name__ == "__main__":
    import jax
    _d = setup_inputs()
    print(jax.jit(kernel)(*tuple(_d.values())))

</pallas_src>

<mosaic_0001>
#map = affine_map<(d0, d1) -> (0, 0)>
#map1 = affine_map<(d0, d1) -> (0, 0, 0)>
module attributes {stable_mosaic.version = 14 : i64} {
  func.func @_sc_main_body(%arg0: i32, %arg1: i32, %arg2: memref<20000x128xf32, #tpu.memory_space<hbm>>, %arg3: memref<20000x128xf32, #tpu.memory_space<hbm>>, %arg4: memref<320000x128xf32, #tpu.memory_space<hbm>>, %arg5: memref<625x4x64xi32, #tpu.memory_space<hbm>>, %arg6: memref<625x4x64xi32, #tpu.memory_space<hbm>>, %arg7: memref<10000x128xf32, #tpu.memory_space<hbm>>, %arg8: memref<20000x128xf32, #tpu.memory_space<hbm>>, %arg9: memref<4x64xi32, #tpu.memory_space<vmem>>, %arg10: memref<4x64xi32, #tpu.memory_space<vmem>>, %arg11: memref<4x64xi32, #tpu.memory_space<vmem>>, %arg12: memref<64x128xf32, #tpu.memory_space<vmem>>, %arg13: memref<64x128xf32, #tpu.memory_space<vmem>>, %arg14: memref<64x128xf32, #tpu.memory_space<vmem>>, %arg15: memref<64x128xf32, #tpu.memory_space<vmem>>, %arg16: memref<64x128xf32, #tpu.memory_space<vmem>>, %arg17: memref<10000x128xf32, #tpu.memory_space<vmem_shared>>, %arg18: memref<!tpu.dma_semaphore, #tpu.memory_space<semaphore_mem>>, %arg19: memref<!tpu.dma_semaphore, #tpu.memory_space<semaphore_mem>>, %arg20: memref<!tpu.dma_semaphore, #tpu.memory_space<semaphore_mem>>) attributes {dimension_semantics = [#tpu.dimension_semantics<core_parallel>, #tpu.dimension_semantics<subcore_parallel>], iteration_bounds = array<i64: 2, 16>, scalar_prefetch = 0 : i64, scratch_operands = 12 : i64, tpu.core_type = #tpu.core_type<sc_vector_subcore>, window_params = [{transform_indices = #map}, {transform_indices = #map}, {transform_indices = #map}, {transform_indices = #map1}, {transform_indices = #map1}, {transform_indices = #map}, {transform_indices = #map}]} {
    %mul3A = arith.constant 10000 : i32
    %mul3A_0 = arith.muli %arg0, %mul3A : i32
    %scan3A = arith.constant 0 : i32
    %scan3A_1 = arith.constant 0 : i32
    %scan3A_2 = arith.constant 8 : i32
    %scan3A_3 = arith.addi %scan3A_1, %scan3A_2 : i32
    %scan3A_4 = arith.constant 1 : i32
    %scan3A_5 = scf.for %scan3A_22 = %scan3A_1 to %scan3A_3 step %scan3A_4 iter_args(%scan3A_23 = %scan3A) -> (i32)  : i32 {
      %mul3A_24 = arith.constant 16 : i32
      %mul3A_25 = arith.muli %scan3A_22, %mul3A_24 : i32
      %add3A = arith.addi %arg1, %mul3A_25 : i32
      %lt3A = arith.constant 125 : i32
      %lt3A_26 = arith.cmpi slt, %add3A, %lt3A : i32
      %convert_element_type3A = arith.extui %lt3A_26 : i1 to i32
      %cond3A = arith.constant 0 : i32
      %cond3A_27 = arith.cmpi ne, %convert_element_type3A, %cond3A : i32
      scf.if %cond3A_27 {
        %mul3A_29 = arith.constant 80 : i32
        %mul3A_30 = arith.muli %add3A, %mul3A_29 : i32
        "tpu.region"() ({
          %run_scoped3A = tpu.sem_alloc : memref<!tpu.dma_semaphore, #tpu.memory_space<semaphore_mem>>
          %dma_start3A = arith.constant 0 : i32
          %dma_start3A_31 = tpu.memref_slice %arg17[%mul3A_30, %dma_start3A] : memref<10000x128xf32, #tpu.memory_space<vmem_shared>> -> memref<80x128xf32, #tpu.memory_space<vmem_shared>>
          %dma_start3A_32 = arith.constant 0 : i32
          %dma_start3A_33 = tpu.memref_slice %arg7[%mul3A_30, %dma_start3A_32] : memref<10000x128xf32, #tpu.memory_space<hbm>> -> memref<80x128xf32, #tpu.memory_space<hbm>>
          tpu.enqueue_dma source(%dma_start3A_33 : memref<80x128xf32, #tpu.memory_space<hbm>>) target(%dma_start3A_31 : memref<80x128xf32, #tpu.memory_space<vmem_shared>>) target_semaphore(%run_scoped3A : memref<!tpu.dma_semaphore, #tpu.memory_space<semaphore_mem>>)
          %dma_wait3A = arith.constant 0 : i32
          %dma_wait3A_34 = tpu.memref_slice %arg17[%mul3A_30, %dma_wait3A] : memref<10000x128xf32, #tpu.memory_space<vmem_shared>> -> memref<80x128xf32, #tpu.memory_space<vmem_shared>>
          %dma_wait3A_35 = arith.constant 0 : i32
          %dma_wait3A_36 = tpu.memref_slice %arg7[%mul3A_30, %dma_wait3A_35] : memref<10000x128xf32, #tpu.memory_space<hbm>> -> memref<80x128xf32, #tpu.memory_space<hbm>>
          tpu.wait_dma2 semaphore(%run_scoped3A : memref<!tpu.dma_semaphore, #tpu.memory_space<semaphore_mem>>) src(%dma_wait3A_36 : memref<80x128xf32, #tpu.memory_space<hbm>>) dst(%dma_wait3A_34 : memref<80x128xf32, #tpu.memory_space<vmem_shared>>)
          tpu.yield
        }) : () -> ()
      } else {
      }
      %scan3A_28 = arith.constant 0 : i32
      scf.yield %scan3A_28 : i32
    }
    %scan3A_6 = arith.constant 8 : i32
    %barrier3A = arith.constant 0 : index
    tpu.barrier barrier_id(%barrier3A)
    %scan3A_7 = arith.constant 0 : i32
    %scan3A_8 = arith.constant 0 : i32
    %scan3A_9 = arith.constant 40 : i32
    %scan3A_10 = arith.addi %scan3A_8, %scan3A_9 : i32
    %scan3A_11 = arith.constant 1 : i32
    %scan3A_12 = scf.for %scan3A_22 = %scan3A_8 to %scan3A_10 step %scan3A_11 iter_args(%scan3A_23 = %scan3A_7) -> (i32)  : i32 {
      %mul3A_24 = arith.constant 16 : i32
      %mul3A_25 = arith.muli %scan3A_22, %mul3A_24 : i32
      %add3A = arith.addi %arg1, %mul3A_25 : i32
      %lt3A = arith.constant 625 : i32
      %lt3A_26 = arith.cmpi slt, %add3A, %lt3A : i32
      %convert_element_type3A = arith.extui %lt3A_26 : i1 to i32
      %cond3A = arith.constant 0 : i32
      %cond3A_27 = arith.cmpi ne, %convert_element_type3A, %cond3A : i32
      scf.if %cond3A_27 {
        %mul3A_29 = arith.constant 256 : i32
        %mul3A_30 = arith.muli %add3A, %mul3A_29 : i32
        "tpu.region"() ({
          %run_scoped3A = tpu.sem_alloc : memref<!tpu.dma_semaphore, #tpu.memory_space<semaphore_mem>>
          %dma_start3A_691 = arith.constant 0 : i32
          %dma_start3A_692 = arith.constant 0 : i32
          %dma_start3A_693 = tpu.memref_slice %arg5[%add3A, %dma_start3A_691, %dma_start3A_692] : memref<625x4x64xi32, #tpu.memory_space<hbm>> -> memref<1x4x64xi32, #tpu.memory_space<hbm>>
          %dma_start3A_694 = tpu.memref_squeeze %dma_start3A_693 : memref<1x4x64xi32, #tpu.memory_space<hbm>> -> memref<4x64xi32, #tpu.memory_space<hbm>>
          %dma_start3A_695 = arith.constant 0 : i32
          %dma_start3A_696 = arith.constant 0 : i32
          %dma_start3A_697 = tpu.memref_slice %arg5[%add3A, %dma_start3A_695, %dma_start3A_696] : memref<625x4x64xi32, #tpu.memory_space<hbm>> -> memref<1x4x64xi32, #tpu.memory_space<hbm>>
          %dma_start3A_698 = tpu.memref_squeeze %dma_start3A_697 : memref<1x4x64xi32, #tpu.memory_space<hbm>> -> memref<4x64xi32, #tpu.memory_space<hbm>>
          tpu.enqueue_dma source(%dma_start3A_698 : memref<4x64xi32, #tpu.memory_space<hbm>>) target(%arg9 : memref<4x64xi32, #tpu.memory_space<vmem>>) target_semaphore(%run_scoped3A : memref<!tpu.dma_semaphore, #tpu.memory_space<semaphore_mem>>)
          %dma_wait3A_699 = arith.constant 0 : i32
          %dma_wait3A_700 = arith.constant 0 : i32
          %dma_wait3A_701 = tpu.memref_slice %arg5[%add3A, %dma_wait3A_699, %dma_wait3A_700] : memref<625x4x64xi32, #tpu.memory_space<hbm>> -> memref<1x4x64xi32, #tpu.memory_space<hbm>>
          %dma_wait3A_702 = tpu.memref_squeeze %dma_wait3A_701 : memref<1x4x64xi32, #tpu.memory_space<hbm>> -> memref<4x64xi32, #tpu.memory_space<hbm>>
          %dma_wait3A_703 = arith.constant 0 : i32
          %dma_wait3A_704 = arith.constant 0 : i32
          %dma_wait3A_705 = tpu.memref_slice %arg5[%add3A, %dma_wait3A_703, %dma_wait3A_704] : memref<625x4x64xi32, #tpu.memory_space<hbm>> -> memref<1x4x64xi32, #tpu.memory_space<hbm>>
          %dma_wait3A_706 = tpu.memref_squeeze %dma_wait3A_705 : memref<1x4x64xi32, #tpu.memory_space<hbm>> -> memref<4x64xi32, #tpu.memory_space<hbm>>
          tpu.wait_dma2 semaphore(%run_scoped3A : memref<!tpu.dma_semaphore, #tpu.memory_space<semaphore_mem>>) src(%dma_wait3A_706 : memref<4x64xi32, #tpu.memory_space<hbm>>) dst(%arg9 : memref<4x64xi32, #tpu.memory_space<vmem>>)
          tpu.yield
        }) : () -> ()
        "tpu.region"() ({
          %run_scoped3A = tpu.sem_alloc : memref<!tpu.dma_semaphore, #tpu.memory_space<semaphore_mem>>
          %dma_start3A_691 = arith.constant 0 : i32
          %dma_start3A_692 = arith.constant 0 : i32
          %dma_start3A_693 = tpu.memref_slice %arg6[%add3A, %dma_start3A_691, %dma_start3A_692] : memref<625x4x64xi32, #tpu.memory_space<hbm>> -> memref<1x4x64xi32, #tpu.memory_space<hbm>>
          %dma_start3A_694 = tpu.memref_squeeze %dma_start3A_693 : memref<1x4x64xi32, #tpu.memory_space<hbm>> -> memref<4x64xi32, #tpu.memory_space<hbm>>
          %dma_start3A_695 = arith.constant 0 : i32
          %dma_start3A_696 = arith.constant 0 : i32
          %dma_start3A_697 = tpu.memref_slice %arg6[%add3A, %dma_start3A_695, %dma_start3A_696] : memref<625x4x64xi32, #tpu.memory_space<hbm>> -> memref<1x4x64xi32, #tpu.memory_space<hbm>>
          %dma_start3A_698 = tpu.memref_squeeze %dma_start3A_697 : memref<1x4x64xi32, #tpu.memory_space<hbm>> -> memref<4x64xi32, #tpu.memory_space<hbm>>
          tpu.enqueue_dma source(%dma_start3A_698 : memref<4x64xi32, #tpu.memory_space<hbm>>) target(%arg10 : memref<4x64xi32, #tpu.memory_space<vmem>>) target_semaphore(%run_scoped3A : memref<!tpu.dma_semaphore, #tpu.memory_space<semaphore_mem>>)
          %dma_wait3A_699 = arith.constant 0 : i32
          %dma_wait3A_700 = arith.constant 0 : i32
          %dma_wait3A_701 = tpu.memref_slice %arg6[%add3A, %dma_wait3A_699, %dma_wait3A_700] : memref<625x4x64xi32, #tpu.memory_space<hbm>> -> memref<1x4x64xi32, #tpu.memory_space<hbm>>
          %dma_wait3A_702 = tpu.memref_squeeze %dma_wait3A_701 : memref<1x4x64xi32, #tpu.memory_space<hbm>> -> memref<4x64xi32, #tpu.memory_space<hbm>>
          %dma_wait3A_703 = arith.constant 0 : i32
          %dma_wait3A_704 = arith.constant 0 : i32
          %dma_wait3A_705 = tpu.memref_slice %arg6[%add3A, %dma_wait3A_703, %dma_wait3A_704] : memref<625x4x64xi32, #tpu.memory_space<hbm>> -> memref<1x4x64xi32, #tpu.memory_space<hbm>>
          %dma_wait3A_706 = tpu.memref_squeeze %dma_wait3A_705 : memref<1x4x64xi32, #tpu.memory_space<hbm>> -> memref<4x64xi32, #tpu.memory_space<hbm>>
          tpu.wait_dma2 semaphore(%run_scoped3A : memref<!tpu.dma_semaphore, #tpu.memory_space<semaphore_mem>>) src(%dma_wait3A_706 : memref<4x64xi32, #tpu.memory_space<hbm>>) dst(%arg10 : memref<4x64xi32, #tpu.memory_space<vmem>>)
          tpu.yield
        }) : () -> ()
        %get3A = arith.constant 0 : i32
        %get3A_31 = arith.index_cast %get3A : i32 to index
        %get3A_32 = arith.constant 0 : index
        %get3A_33 = tpu.vector_load %arg9[%get3A_31, %get3A_32] {strides = array<i32>} : memref<4x64xi32, #tpu.memory_space<vmem>>, vector<1x16xi32>,
        %get3A_34 = vector.shape_cast %get3A_33 : vector<1x16xi32> to vector<16xi32>
        %add3A_35 = vector.broadcast %mul3A_0 : i32 to vector<16xi32>
        %add3A_36 = arith.addi %get3A_34, %add3A_35 : vector<16xi32>
        %swap3A = arith.constant 0 : i32
        %swap3A_37 = arith.index_cast %swap3A : i32 to index
        %swap3A_38 = arith.constant 0 : index
        %swap3A_39 = tpu.vector_load %arg9[%swap3A_37, %swap3A_38] {strides = array<i32>} : memref<4x64xi32, #tpu.memory_space<vmem>>, vector<1x16xi32>,
        %swap3A_40 = vector.shape_cast %swap3A_39 : vector<1x16xi32> to vector<16xi32>
        %swap3A_41 = vector.shape_cast %add3A_36 : vector<16xi32> to vector<1x16xi32>
        tpu.vector_store %arg9[%swap3A_37, %swap3A_38], %swap3A_41 {strides = array<i32>} : memref<4x64xi32, #tpu.memory_space<vmem>>, vector<1x16xi32>,
        %get3A_42 = arith.constant 0 : i32
        %get3A_43 = arith.index_cast %get3A_42 : i32 to index
        %get3A_44 = arith.constant 0 : index
        %get3A_45 = tpu.vector_load %arg10[%get3A_43, %get3A_44] {strides = array<i32>} : memref<4x64xi32, #tpu.memory_space<vmem>>, vector<1x16xi32>,
        %get3A_46 = vector.shape_cast %get3A_45 : vector<1x16xi32> to vector<16xi32>
        %add3A_47 = vector.broadcast %mul3A_0 : i32 to vector<16xi32>
        %add3A_48 = arith.addi %get3A_46, %add3A_47 : vector<16xi32>
        %swap3A_49 = arith.constant 0 : i32
        %swap3A_50 = arith.index_cast %swap3A_49 : i32 to index
        %swap3A_51 = arith.constant 0 : index
        %swap3A_52 = tpu.vector_load %arg11[%swap3A_50, %swap3A_51] {strides = array<i32>} : memref<4x64xi32, #tpu.memory_space<vmem>>, vector<1x16xi32>,
        %swap3A_53 = vector.shape_cast %swap3A_52 : vector<1x16xi32> to vector<16xi32>
        %swap3A_54 = vector.shape_cast %add3A_48 : vector<16xi32> to vector<1x16xi32>
        tpu.vector_store %arg11[%swap3A_50, %swap3A_51], %swap3A_54 {strides = array<i32>} : memref<4x64xi32, #tpu.memory_space<vmem>>, vector<1x16xi32>,
        %get3A_55 = arith.constant 0 : i32
        %get3A_56 = arith.index_cast %get3A_55 : i32 to index
        %get3A_57 = arith.constant 16 : index
        %get3A_58 = tpu.vector_load %arg9[%get3A_56, %get3A_57] {strides = array<i32>} : memref<4x64xi32, #tpu.memory_space<vmem>>, vector<1x16xi32>,
        %get3A_59 = vector.shape_cast %get3A_58 : vector<1x16xi32> to vector<16xi32>
        %add3A_60 = vector.broadcast %mul3A_0 : i32 to vector<16xi32>
        %add3A_61 = arith.addi %get3A_59, %add3A_60 : vector<16xi32>
        %swap3A_62 = arith.constant 0 : i32
        %swap3A_63 = arith.index_cast %swap3A_62 : i32 to index
        %swap3A_64 = arith.constant 16 : index
        %swap3A_65 = tpu.vector_load %arg9[%swap3A_63, %swap3A_64] {strides = array<i32>} : memref<4x64xi32, #tpu.memory_space<vmem>>, vector<1x16xi32>,
        %swap3A_66 = vector.shape_cast %swap3A_65 : vector<1x16xi32> to vector<16xi32>
        %swap3A_67 = vector.shape_cast %add3A_61 : vector<16xi32> to vector<1x16xi32>
        tpu.vector_store %arg9[%swap3A_63, %swap3A_64], %swap3A_67 {strides = array<i32>} : memref<4x64xi32, #tpu.memory_space<vmem>>, vector<1x16xi32>,
        %get3A_68 = arith.constant 0 : i32
        %get3A_69 = arith.index_cast %get3A_68 : i32 to index
        %get3A_70 = arith.constant 16 : index
        %get3A_71 = tpu.vector_load %arg10[%get3A_69, %get3A_70] {strides = array<i32>} : memref<4x64xi32, #tpu.memory_space<vmem>>, vector<1x16xi32>,
        %get3A_72 = vector.shape_cast %get3A_71 : vector<1x16xi32> to vector<16xi32>
        %add3A_73 = vector.broadcast %mul3A_0 : i32 to vector<16xi32>
        %add3A_74 = arith.addi %get3A_72, %add3A_73 : vector<16xi32>
        %swap3A_75 = arith.constant 0 : i32
        %swap3A_76 = arith.index_cast %swap3A_75 : i32 to index
        %swap3A_77 = arith.constant 16 : index
        %swap3A_78 = tpu.vector_load %arg11[%swap3A_76, %swap3A_77] {strides = array<i32>} : memref<4x64xi32, #tpu.memory_space<vmem>>, vector<1x16xi32>,
        %swap3A_79 = vector.shape_cast %swap3A_78 : vector<1x16xi32> to vector<16xi32>
        %swap3A_80 = vector.shape_cast %add3A_74 : vector<16xi32> to vector<1x16xi32>
        tpu.vector_store %arg11[%swap3A_76, %swap3A_77], %swap3A_80 {strides = array<i32>} : memref<4x64xi32, #tpu.memory_space<vmem>>, vector<1x16xi32>,
        %get3A_81 = arith.constant 0 : i32
        %get3A_82 = arith.index_cast %get3A_81 : i32 to index
        %get3A_83 = arith.constant 32 : index
        %get3A_84 = tpu.vector_load %arg9[%get3A_82, %get3A_83] {strides = array<i32>} : memref<4x64xi32, #tpu.memory_space<vmem>>, vector<1x16xi32>,
        %get3A_85 = vector.shape_cast %get3A_84 : vector<1x16xi32> to vector<16xi32>
        %add3A_86 = vector.broadcast %mul3A_0 : i32 to vector<16xi32>
        %add3A_87 = arith.addi %get3A_85, %add3A_86 : vector<16xi32>
        %swap3A_88 = arith.constant 0 : i32
        %swap3A_89 = arith.index_cast %swap3A_88 : i32 to index
        %swap3A_90 = arith.constant 32 : index
        %swap3A_91 = tpu.vector_load %arg9[%swap3A_89, %swap3A_90] {strides = array<i32>} : memref<4x64xi32, #tpu.memory_space<vmem>>, vector<1x16xi32>,
        %swap3A_92 = vector.shape_cast %swap3A_91 : vector<1x16xi32> to vector<16xi32>
        %swap3A_93 = vector.shape_cast %add3A_87 : vector<16xi32> to vector<1x16xi32>
        tpu.vector_store %arg9[%swap3A_89, %swap3A_90], %swap3A_93 {strides = array<i32>} : memref<4x64xi32, #tpu.memory_space<vmem>>, vector<1x16xi32>,
        %get3A_94 = arith.constant 0 : i32
        %get3A_95 = arith.index_cast %get3A_94 : i32 to index
        %get3A_96 = arith.constant 32 : index
        %get3A_97 = tpu.vector_load %arg10[%get3A_95, %get3A_96] {strides = array<i32>} : memref<4x64xi32, #tpu.memory_space<vmem>>, vector<1x16xi32>,
        %get3A_98 = vector.shape_cast %get3A_97 : vector<1x16xi32> to vector<16xi32>
        %add3A_99 = vector.broadcast %mul3A_0 : i32 to vector<16xi32>
        %add3A_100 = arith.addi %get3A_98, %add3A_99 : vector<16xi32>
        %swap3A_101 = arith.constant 0 : i32
        %swap3A_102 = arith.index_cast %swap3A_101 : i32 to index
        %swap3A_103 = arith.constant 32 : index
        %swap3A_104 = tpu.vector_load %arg11[%swap3A_102, %swap3A_103] {strides = array<i32>} : memref<4x64xi32, #tpu.memory_space<vmem>>, vector<1x16xi32>,
        %swap3A_105 = vector.shape_cast %swap3A_104 : vector<1x16xi32> to vector<16xi32>
        %swap3A_106 = vector.shape_cast %add3A_100 : vector<16xi32> to vector<1x16xi32>
        tpu.vector_store %arg11[%swap3A_102, %swap3A_103], %swap3A_106 {strides = array<i32>} : memref<4x64xi32, #tpu.memory_space<vmem>>, vector<1x16xi32>,
        %get3A_107 = arith.constant 0 : i32
        %get3A_108 = arith.index_cast %get3A_107 : i32 to index
        %get3A_109 = arith.constant 48 : index
        %get3A_110 = tpu.vector_load %arg9[%get3A_108, %get3A_109] {strides = array<i32>} : memref<4x64xi32, #tpu.memory_space<vmem>>, vector<1x16xi32>,
        %get3A_111 = vector.shape_cast %get3A_110 : vector<1x16xi32> to vector<16xi32>
        %add3A_112 = vector.broadcast %mul3A_0 : i32 to vector<16xi32>
        %add3A_113 = arith.addi %get3A_111, %add3A_112 : vector<16xi32>
        %swap3A_114 = arith.constant 0 : i32
        %swap3A_115 = arith.index_cast %swap3A_114 : i32 to index
        %swap3A_116 = arith.constant 48 : index
        %swap3A_117 = tpu.vector_load %arg9[%swap3A_115, %swap3A_116] {strides = array<i32>} : memref<4x64xi32, #tpu.memory_space<vmem>>, vector<1x16xi32>,
        %swap3A_118 = vector.shape_cast %swap3A_117 : vector<1x16xi32> to vector<16xi32>
        %swap3A_119 = vector.shape_cast %add3A_113 : vector<16xi32> to vector<1x16xi32>
        tpu.vector_store %arg9[%swap3A_115, %swap3A_116], %swap3A_119 {strides = array<i32>} : memref<4x64xi32, #tpu.memory_space<vmem>>, vector<1x16xi32>,
        %get3A_120 = arith.constant 0 : i32
        %get3A_121 = arith.index_cast %get3A_120 : i32 to index
        %get3A_122 = arith.constant 48 : index
        %get3A_123 = tpu.vector_load %arg10[%get3A_121, %get3A_122] {strides = array<i32>} : memref<4x64xi32, #tpu.memory_space<vmem>>, vector<1x16xi32>,
        %get3A_124 = vector.shape_cast %get3A_123 : vector<1x16xi32> to vector<16xi32>
        %add3A_125 = vector.broadcast %mul3A_0 : i32 to vector<16xi32>
        %add3A_126 = arith.addi %get3A_124, %add3A_125 : vector<16xi32>
        %swap3A_127 = arith.constant 0 : i32
        %swap3A_128 = arith.index_cast %swap3A_127 : i32 to index
        %swap3A_129 = arith.constant 48 : index
        %swap3A_130 = tpu.vector_load %arg11[%swap3A_128, %swap3A_129] {strides = array<i32>} : memref<4x64xi32, #tpu.memory_space<vmem>>, vector<1x16xi32>,
        %swap3A_131 = vector.shape_cast %swap3A_130 : vector<1x16xi32> to vector<16xi32>
        %swap3A_132 = vector.shape_cast %add3A_126 : vector<16xi32> to vector<1x16xi32>
        tpu.vector_store %arg11[%swap3A_128, %swap3A_129], %swap3A_132 {strides = array<i32>} : memref<4x64xi32, #tpu.memory_space<vmem>>, vector<1x16xi32>,
        %get3A_133 = arith.constant 1 : i32
        %get3A_134 = arith.index_cast %get3A_133 : i32 to index
        %get3A_135 = arith.constant 0 : index
        %get3A_136 = tpu.vector_load %arg9[%get3A_134, %get3A_135] {strides = array<i32>} : memref<4x64xi32, #tpu.memory_space<vmem>>, vector<1x16xi32>,
        %get3A_137 = vector.shape_cast %get3A_136 : vector<1x16xi32> to vector<16xi32>
        %add3A_138 = vector.broadcast %mul3A_0 : i32 to vector<16xi32>
        %add3A_139 = arith.addi %get3A_137, %add3A_138 : vector<16xi32>
        %swap3A_140 = arith.constant 1 : i32
        %swap3A_141 = arith.index_cast %swap3A_140 : i32 to index
        %swap3A_142 = arith.constant 0 : index
        %swap3A_143 = tpu.vector_load %arg9[%swap3A_141, %swap3A_142] {strides = array<i32>} : memref<4x64xi32, #tpu.memory_space<vmem>>, vector<1x16xi32>,
        %swap3A_144 = vector.shape_cast %swap3A_143 : vector<1x16xi32> to vector<16xi32>
        %swap3A_145 = vector.shape_cast %add3A_139 : vector<16xi32> to vector<1x16xi32>
        tpu.vector_store %arg9[%swap3A_141, %swap3A_142], %swap3A_145 {strides = array<i32>} : memref<4x64xi32, #tpu.memory_space<vmem>>, vector<1x16xi32>,
        %get3A_146 = arith.constant 1 : i32
        %get3A_147 = arith.index_cast %get3A_146 : i32 to index
        %get3A_148 = arith.constant 0 : index
        %get3A_149 = tpu.vector_load %arg10[%get3A_147, %get3A_148] {strides = array<i32>} : memref<4x64xi32, #tpu.memory_space<vmem>>, vector<1x16xi32>,
        %get3A_150 = vector.shape_cast %get3A_149 : vector<1x16xi32> to vector<16xi32>
        %add3A_151 = vector.broadcast %mul3A_0 : i32 to vector<16xi32>
        %add3A_152 = arith.addi %get3A_150, %add3A_151 : vector<16xi32>
        %swap3A_153 = arith.constant 1 : i32
        %swap3A_154 = arith.index_cast %swap3A_153 : i32 to index
        %swap3A_155 = arith.constant 0 : index
        %swap3A_156 = tpu.vector_load %arg11[%swap3A_154, %swap3A_155] {strides = array<i32>} : memref<4x64xi32, #tpu.memory_space<vmem>>, vector<1x16xi32>,
        %swap3A_157 = vector.shape_cast %swap3A_156 : vector<1x16xi32> to vector<16xi32>
        %swap3A_158 = vector.shape_cast %add3A_152 : vector<16xi32> to vector<1x16xi32>
        tpu.vector_store %arg11[%swap3A_154, %swap3A_155], %swap3A_158 {strides = array<i32>} : memref<4x64xi32, #tpu.memory_space<vmem>>, vector<1x16xi32>,
        %get3A_159 = arith.constant 1 : i32
        %get3A_160 = arith.index_cast %get3A_159 : i32 to index
        %get3A_161 = arith.constant 16 : index
        %get3A_162 = tpu.vector_load %arg9[%get3A_160, %get3A_161] {strides = array<i32>} : memref<4x64xi32, #tpu.memory_space<vmem>>, vector<1x16xi32>,
        %get3A_163 = vector.shape_cast %get3A_162 : vector<1x16xi32> to vector<16xi32>
        %add3A_164 = vector.broadcast %mul3A_0 : i32 to vector<16xi32>
        %add3A_165 = arith.addi %get3A_163, %add3A_164 : vector<16xi32>
        %swap3A_166 = arith.constant 1 : i32
        %swap3A_167 = arith.index_cast %swap3A_166 : i32 to index
        %swap3A_168 = arith.constant 16 : index
        %swap3A_169 = tpu.vector_load %arg9[%swap3A_167, %swap3A_168] {strides = array<i32>} : memref<4x64xi32, #tpu.memory_space<vmem>>, vector<1x16xi32>,
        %swap3A_170 = vector.shape_cast %swap3A_169 : vector<1x16xi32> to vector<16xi32>
        %swap3A_171 = vector.shape_cast %add3A_165 : vector<16xi32> to vector<1x16xi32>
        tpu.vector_store %arg9[%swap3A_167, %swap3A_168], %swap3A_171 {strides = array<i32>} : memref<4x64xi32, #tpu.memory_space<vmem>>, vector<1x16xi32>,
        %get3A_172 = arith.constant 1 : i32
        %get3A_173 = arith.index_cast %get3A_172 : i32 to index
        %get3A_174 = arith.constant 16 : index
        %get3A_175 = tpu.vector_load %arg10[%get3A_173, %get3A_174] {strides = array<i32>} : memref<4x64xi32, #tpu.memory_space<vmem>>, vector<1x16xi32>,
        %get3A_176 = vector.shape_cast %get3A_175 : vector<1x16xi32> to vector<16xi32>
        %add3A_177 = vector.broadcast %mul3A_0 : i32 to vector<16xi32>
        %add3A_178 = arith.addi %get3A_176, %add3A_177 : vector<16xi32>
        %swap3A_179 = arith.constant 1 : i32
        %swap3A_180 = arith.index_cast %swap3A_179 : i32 to index
        %swap3A_181 = arith.constant 16 : index
        %swap3A_182 = tpu.vector_load %arg11[%swap3A_180, %swap3A_181] {strides = array<i32>} : memref<4x64xi32, #tpu.memory_space<vmem>>, vector<1x16xi32>,
        %swap3A_183 = vector.shape_cast %swap3A_182 : vector<1x16xi32> to vector<16xi32>
        %swap3A_184 = vector.shape_cast %add3A_178 : vector<16xi32> to vector<1x16xi32>
        tpu.vector_store %arg11[%swap3A_180, %swap3A_181], %swap3A_184 {strides = array<i32>} : memref<4x64xi32, #tpu.memory_space<vmem>>, vector<1x16xi32>,
        %get3A_185 = arith.constant 1 : i32
        %get3A_186 = arith.index_cast %get3A_185 : i32 to index
        %get3A_187 = arith.constant 32 : index
        %get3A_188 = tpu.vector_load %arg9[%get3A_186, %get3A_187] {strides = array<i32>} : memref<4x64xi32, #tpu.memory_space<vmem>>, vector<1x16xi32>,
        %get3A_189 = vector.shape_cast %get3A_188 : vector<1x16xi32> to vector<16xi32>
        %add3A_190 = vector.broadcast %mul3A_0 : i32 to vector<16xi32>
        %add3A_191 = arith.addi %get3A_189, %add3A_190 : vector<16xi32>
        %swap3A_192 = arith.constant 1 : i32
        %swap3A_193 = arith.index_cast %swap3A_192 : i32 to index
        %swap3A_194 = arith.constant 32 : index
        %swap3A_195 = tpu.vector_load %arg9[%swap3A_193, %swap3A_194] {strides = array<i32>} : memref<4x64xi32, #tpu.memory_space<vmem>>, vector<1x16xi32>,
        %swap3A_196 = vector.shape_cast %swap3A_195 : vector<1x16xi32> to vector<16xi32>
        %swap3A_197 = vector.shape_cast %add3A_191 : vector<16xi32> to vector<1x16xi32>
        tpu.vector_store %arg9[%swap3A_193, %swap3A_194], %swap3A_197 {strides = array<i32>} : memref<4x64xi32, #tpu.memory_space<vmem>>, vector<1x16xi32>,
        %get3A_198 = arith.constant 1 : i32
        %get3A_199 = arith.index_cast %get3A_198 : i32 to index
        %get3A_200 = arith.constant 32 : index
        %get3A_201 = tpu.vector_load %arg10[%get3A_199, %get3A_200] {strides = array<i32>} : memref<4x64xi32, #tpu.memory_space<vmem>>, vector<1x16xi32>,
        %get3A_202 = vector.shape_cast %get3A_201 : vector<1x16xi32> to vector<16xi32>
        %add3A_203 = vector.broadcast %mul3A_0 : i32 to vector<16xi32>
        %add3A_204 = arith.addi %get3A_202, %add3A_203 : vector<16xi32>
        %swap3A_205 = arith.constant 1 : i32
        %swap3A_206 = arith.index_cast %swap3A_205 : i32 to index
        %swap3A_207 = arith.constant 32 : index
        %swap3A_208 = tpu.vector_load %arg11[%swap3A_206, %swap3A_207] {strides = array<i32>} : memref<4x64xi32, #tpu.memory_space<vmem>>, vector<1x16xi32>,
        %swap3A_209 = vector.shape_cast %swap3A_208 : vector<1x16xi32> to vector<16xi32>
        %swap3A_210 = vector.shape_cast %add3A_204 : vector<16xi32> to vector<1x16xi32>
        tpu.vector_store %arg11[%swap3A_206, %swap3A_207], %swap3A_210 {strides = array<i32>} : memref<4x64xi32, #tpu.memory_space<vmem>>, vector<1x16xi32>,
        %get3A_211 = arith.constant 1 : i32
        %get3A_212 = arith.index_cast %get3A_211 : i32 to index
        %get3A_213 = arith.constant 48 : index
        %get3A_214 = tpu.vector_load %arg9[%get3A_212, %get3A_213] {strides = array<i32>} : memref<4x64xi32, #tpu.memory_space<vmem>>, vector<1x16xi32>,
        %get3A_215 = vector.shape_cast %get3A_214 : vector<1x16xi32> to vector<16xi32>
        %add3A_216 = vector.broadcast %mul3A_0 : i32 to vector<16xi32>
        %add3A_217 = arith.addi %get3A_215, %add3A_216 : vector<16xi32>
        %swap3A_218 = arith.constant 1 : i32
        %swap3A_219 = arith.index_cast %swap3A_218 : i32 to index
        %swap3A_220 = arith.constant 48 : index
        %swap3A_221 = tpu.vector_load %arg9[%swap3A_219, %swap3A_220] {strides = array<i32>} : memref<4x64xi32, #tpu.memory_space<vmem>>, vector<1x16xi32>,
        %swap3A_222 = vector.shape_cast %swap3A_221 : vector<1x16xi32> to vector<16xi32>
        %swap3A_223 = vector.shape_cast %add3A_217 : vector<16xi32> to vector<1x16xi32>
        tpu.vector_store %arg9[%swap3A_219, %swap3A_220], %swap3A_223 {strides = array<i32>} : memref<4x64xi32, #tpu.memory_space<vmem>>, vector<1x16xi32>,
        %get3A_224 = arith.constant 1 : i32
        %get3A_225 = arith.index_cast %get3A_224 : i32 to index
        %get3A_226 = arith.constant 48 : index
        %get3A_227 = tpu.vector_load %arg10[%get3A_225, %get3A_226] {strides = array<i32>} : memref<4x64xi32, #tpu.memory_space<vmem>>, vector<1x16xi32>,
        %get3A_228 = vector.shape_cast %get3A_227 : vector<1x16xi32> to vector<16xi32>
        %add3A_229 = vector.broadcast %mul3A_0 : i32 to vector<16xi32>
        %add3A_230 = arith.addi %get3A_228, %add3A_229 : vector<16xi32>
        %swap3A_231 = arith.constant 1 : i32
        %swap3A_232 = arith.index_cast %swap3A_231 : i32 to index
        %swap3A_233 = arith.constant 48 : index
        %swap3A_234 = tpu.vector_load %arg11[%swap3A_232, %swap3A_233] {strides = array<i32>} : memref<4x64xi32, #tpu.memory_space<vmem>>, vector<1x16xi32>,
        %swap3A_235 = vector.shape_cast %swap3A_234 : vector<1x16xi32> to vector<16xi32>
        %swap3A_236 = vector.shape_cast %add3A_230 : vector<16xi32> to vector<1x16xi32>
        tpu.vector_store %arg11[%swap3A_232, %swap3A_233], %swap3A_236 {strides = array<i32>} : memref<4x64xi32, #tpu.memory_space<vmem>>, vector<1x16xi32>,
        %get3A_237 = arith.constant 2 : i32
        %get3A_238 = arith.index_cast %get3A_237 : i32 to index
        %get3A_239 = arith.constant 0 : index
        %get3A_240 = tpu.vector_load %arg9[%get3A_238, %get3A_239] {strides = array<i32>} : memref<4x64xi32, #tpu.memory_space<vmem>>, vector<1x16xi32>,
        %get3A_241 = vector.shape_cast %get3A_240 : vector<1x16xi32> to vector<16xi32>
        %add3A_242 = vector.broadcast %mul3A_0 : i32 to vector<16xi32>
        %add3A_243 = arith.addi %get3A_241, %add3A_242 : vector<16xi32>
        %swap3A_244 = arith.constant 2 : i32
        %swap3A_245 = arith.index_cast %swap3A_244 : i32 to index
        %swap3A_246 = arith.constant 0 : index
        %swap3A_247 = tpu.vector_load %arg9[%swap3A_245, %swap3A_246] {strides = array<i32>} : memref<4x64xi32, #tpu.memory_space<vmem>>, vector<1x16xi32>,
        %swap3A_248 = vector.shape_cast %swap3A_247 : vector<1x16xi32> to vector<16xi32>
        %swap3A_249 = vector.shape_cast %add3A_243 : vector<16xi32> to vector<1x16xi32>
        tpu.vector_store %arg9[%swap3A_245, %swap3A_246], %swap3A_249 {strides = array<i32>} : memref<4x64xi32, #tpu.memory_space<vmem>>, vector<1x16xi32>,
        %get3A_250 = arith.constant 2 : i32
        %get3A_251 = arith.index_cast %get3A_250 : i32 to index
        %get3A_252 = arith.constant 0 : index
        %get3A_253 = tpu.vector_load %arg10[%get3A_251, %get3A_252] {strides = array<i32>} : memref<4x64xi32, #tpu.memory_space<vmem>>, vector<1x16xi32>,
        %get3A_254 = vector.shape_cast %get3A_253 : vector<1x16xi32> to vector<16xi32>
        %add3A_255 = vector.broadcast %mul3A_0 : i32 to vector<16xi32>
        %add3A_256 = arith.addi %get3A_254, %add3A_255 : vector<16xi32>
        %swap3A_257 = arith.constant 2 : i32
        %swap3A_258 = arith.index_cast %swap3A_257 : i32 to index
        %swap3A_259 = arith.constant 0 : index
        %swap3A_260 = tpu.vector_load %arg11[%swap3A_258, %swap3A_259] {strides = array<i32>} : memref<4x64xi32, #tpu.memory_space<vmem>>, vector<1x16xi32>,
        %swap3A_261 = vector.shape_cast %swap3A_260 : vector<1x16xi32> to vector<16xi32>
        %swap3A_262 = vector.shape_cast %add3A_256 : vector<16xi32> to vector<1x16xi32>
        tpu.vector_store %arg11[%swap3A_258, %swap3A_259], %swap3A_262 {strides = array<i32>} : memref<4x64xi32, #tpu.memory_space<vmem>>, vector<1x16xi32>,
        %get3A_263 = arith.constant 2 : i32
        %get3A_264 = arith.index_cast %get3A_263 : i32 to index
        %get3A_265 = arith.constant 16 : index
        %get3A_266 = tpu.vector_load %arg9[%get3A_264, %get3A_265] {strides = array<i32>} : memref<4x64xi32, #tpu.memory_space<vmem>>, vector<1x16xi32>,
        %get3A_267 = vector.shape_cast %get3A_266 : vector<1x16xi32> to vector<16xi32>
        %add3A_268 = vector.broadcast %mul3A_0 : i32 to vector<16xi32>
        %add3A_269 = arith.addi %get3A_267, %add3A_268 : vector<16xi32>
        %swap3A_270 = arith.constant 2 : i32
        %swap3A_271 = arith.index_cast %swap3A_270 : i32 to index
        %swap3A_272 = arith.constant 16 : index
        %swap3A_273 = tpu.vector_load %arg9[%swap3A_271, %swap3A_272] {strides = array<i32>} : memref<4x64xi32, #tpu.memory_space<vmem>>, vector<1x16xi32>,
        %swap3A_274 = vector.shape_cast %swap3A_273 : vector<1x16xi32> to vector<16xi32>
        %swap3A_275 = vector.shape_cast %add3A_269 : vector<16xi32> to vector<1x16xi32>
        tpu.vector_store %arg9[%swap3A_271, %swap3A_272], %swap3A_275 {strides = array<i32>} : memref<4x64xi32, #tpu.memory_space<vmem>>, vector<1x16xi32>,
        %get3A_276 = arith.constant 2 : i32
        %get3A_277 = arith.index_cast %get3A_276 : i32 to index
        %get3A_278 = arith.constant 16 : index
        %get3A_279 = tpu.vector_load %arg10[%get3A_277, %get3A_278] {strides = array<i32>} : memref<4x64xi32, #tpu.memory_space<vmem>>, vector<1x16xi32>,
        %get3A_280 = vector.shape_cast %get3A_279 : vector<1x16xi32> to vector<16xi32>
        %add3A_281 = vector.broadcast %mul3A_0 : i32 to vector<16xi32>
        %add3A_282 = arith.addi %get3A_280, %add3A_281 : vector<16xi32>
        %swap3A_283 = arith.constant 2 : i32
        %swap3A_284 = arith.index_cast %swap3A_283 : i32 to index
        %swap3A_285 = arith.constant 16 : index
        %swap3A_286 = tpu.vector_load %arg11[%swap3A_284, %swap3A_285] {strides = array<i32>} : memref<4x64xi32, #tpu.memory_space<vmem>>, vector<1x16xi32>,
        %swap3A_287 = vector.shape_cast %swap3A_286 : vector<1x16xi32> to vector<16xi32>
        %swap3A_288 = vector.shape_cast %add3A_282 : vector<16xi32> to vector<1x16xi32>
        tpu.vector_store %arg11[%swap3A_284, %swap3A_285], %swap3A_288 {strides = array<i32>} : memref<4x64xi32, #tpu.memory_space<vmem>>, vector<1x16xi32>,
        %get3A_289 = arith.constant 2 : i32
        %get3A_290 = arith.index_cast %get3A_289 : i32 to index
        %get3A_291 = arith.constant 32 : index
        %get3A_292 = tpu.vector_load %arg9[%get3A_290, %get3A_291] {strides = array<i32>} : memref<4x64xi32, #tpu.memory_space<vmem>>, vector<1x16xi32>,
        %get3A_293 = vector.shape_cast %get3A_292 : vector<1x16xi32> to vector<16xi32>
        %add3A_294 = vector.broadcast %mul3A_0 : i32 to vector<16xi32>
        %add3A_295 = arith.addi %get3A_293, %add3A_294 : vector<16xi32>
        %swap3A_296 = arith.constant 2 : i32
        %swap3A_297 = arith.index_cast %swap3A_296 : i32 to index
        %swap3A_298 = arith.constant 32 : index
        %swap3A_299 = tpu.vector_load %arg9[%swap3A_297, %swap3A_298] {strides = array<i32>} : memref<4x64xi32, #tpu.memory_space<vmem>>, vector<1x16xi32>,
        %swap3A_300 = vector.shape_cast %swap3A_299 : vector<1x16xi32> to vector<16xi32>
        %swap3A_301 = vector.shape_cast %add3A_295 : vector<16xi32> to vector<1x16xi32>
        tpu.vector_store %arg9[%swap3A_297, %swap3A_298], %swap3A_301 {strides = array<i32>} : memref<4x64xi32, #tpu.memory_space<vmem>>, vector<1x16xi32>,
        %get3A_302 = arith.constant 2 : i32
        %get3A_303 = arith.index_cast %get3A_302 : i32 to index
        %get3A_304 = arith.constant 32 : index
        %get3A_305 = tpu.vector_load %arg10[%get3A_303, %get3A_304] {strides = array<i32>} : memref<4x64xi32, #tpu.memory_space<vmem>>, vector<1x16xi32>,
        %get3A_306 = vector.shape_cast %get3A_305 : vector<1x16xi32> to vector<16xi32>
        %add3A_307 = vector.broadcast %mul3A_0 : i32 to vector<16xi32>
        %add3A_308 = arith.addi %get3A_306, %add3A_307 : vector<16xi32>
        %swap3A_309 = arith.constant 2 : i32
        %swap3A_310 = arith.index_cast %swap3A_309 : i32 to index
        %swap3A_311 = arith.constant 32 : index
        %swap3A_312 = tpu.vector_load %arg11[%swap3A_310, %swap3A_311] {strides = array<i32>} : memref<4x64xi32, #tpu.memory_space<vmem>>, vector<1x16xi32>,
        %swap3A_313 = vector.shape_cast %swap3A_312 : vector<1x16xi32> to vector<16xi32>
        %swap3A_314 = vector.shape_cast %add3A_308 : vector<16xi32> to vector<1x16xi32>
        tpu.vector_store %arg11[%swap3A_310, %swap3A_311], %swap3A_314 {strides = array<i32>} : memref<4x64xi32, #tpu.memory_space<vmem>>, vector<1x16xi32>,
        %get3A_315 = arith.constant 2 : i32
        %get3A_316 = arith.index_cast %get3A_315 : i32 to index
        %get3A_317 = arith.constant 48 : index
        %get3A_318 = tpu.vector_load %arg9[%get3A_316, %get3A_317] {strides = array<i32>} : memref<4x64xi32, #tpu.memory_space<vmem>>, vector<1x16xi32>,
        %get3A_319 = vector.shape_cast %get3A_318 : vector<1x16xi32> to vector<16xi32>
        %add3A_320 = vector.broadcast %mul3A_0 : i32 to vector<16xi32>
        %add3A_321 = arith.addi %get3A_319, %add3A_320 : vector<16xi32>
        %swap3A_322 = arith.constant 2 : i32
        %swap3A_323 = arith.index_cast %swap3A_322 : i32 to index
        %swap3A_324 = arith.constant 48 : index
        %swap3A_325 = tpu.vector_load %arg9[%swap3A_323, %swap3A_324] {strides = array<i32>} : memref<4x64xi32, #tpu.memory_space<vmem>>, vector<1x16xi32>,
        %swap3A_326 = vector.shape_cast %swap3A_325 : vector<1x16xi32> to vector<16xi32>
        %swap3A_327 = vector.shape_cast %add3A_321 : vector<16xi32> to vector<1x16xi32>
        tpu.vector_store %arg9[%swap3A_323, %swap3A_324], %swap3A_327 {strides = array<i32>} : memref<4x64xi32, #tpu.memory_space<vmem>>, vector<1x16xi32>,
        %get3A_328 = arith.constant 2 : i32
        %get3A_329 = arith.index_cast %get3A_328 : i32 to index
        %get3A_330 = arith.constant 48 : index
        %get3A_331 = tpu.vector_load %arg10[%get3A_329, %get3A_330] {strides = array<i32>} : memref<4x64xi32, #tpu.memory_space<vmem>>, vector<1x16xi32>,
        %get3A_332 = vector.shape_cast %get3A_331 : vector<1x16xi32> to vector<16xi32>
        %add3A_333 = vector.broadcast %mul3A_0 : i32 to vector<16xi32>
        %add3A_334 = arith.addi %get3A_332, %add3A_333 : vector<16xi32>
        %swap3A_335 = arith.constant 2 : i32
        %swap3A_336 = arith.index_cast %swap3A_335 : i32 to index
        %swap3A_337 = arith.constant 48 : index
        %swap3A_338 = tpu.vector_load %arg11[%swap3A_336, %swap3A_337] {strides = array<i32>} : memref<4x64xi32, #tpu.memory_space<vmem>>, vector<1x16xi32>,
        %swap3A_339 = vector.shape_cast %swap3A_338 : vector<1x16xi32> to vector<16xi32>
        %swap3A_340 = vector.shape_cast %add3A_334 : vector<16xi32> to vector<1x16xi32>
        tpu.vector_store %arg11[%swap3A_336, %swap3A_337], %swap3A_340 {strides = array<i32>} : memref<4x64xi32, #tpu.memory_space<vmem>>, vector<1x16xi32>,
        %get3A_341 = arith.constant 3 : i32
        %get3A_342 = arith.index_cast %get3A_341 : i32 to index
        %get3A_343 = arith.constant 0 : index
        %get3A_344 = tpu.vector_load %arg9[%get3A_342, %get3A_343] {strides = array<i32>} : memref<4x64xi32, #tpu.memory_space<vmem>>, vector<1x16xi32>,
        %get3A_345 = vector.shape_cast %get3A_344 : vector<1x16xi32> to vector<16xi32>
        %add3A_346 = vector.broadcast %mul3A_0 : i32 to vector<16xi32>
        %add3A_347 = arith.addi %get3A_345, %add3A_346 : vector<16xi32>
        %swap3A_348 = arith.constant 3 : i32
        %swap3A_349 = arith.index_cast %swap3A_348 : i32 to index
        %swap3A_350 = arith.constant 0 : index
        %swap3A_351 = tpu.vector_load %arg9[%swap3A_349, %swap3A_350] {strides = array<i32>} : memref<4x64xi32, #tpu.memory_space<vmem>>, vector<1x16xi32>,
        %swap3A_352 = vector.shape_cast %swap3A_351 : vector<1x16xi32> to vector<16xi32>
        %swap3A_353 = vector.shape_cast %add3A_347 : vector<16xi32> to vector<1x16xi32>
        tpu.vector_store %arg9[%swap3A_349, %swap3A_350], %swap3A_353 {strides = array<i32>} : memref<4x64xi32, #tpu.memory_space<vmem>>, vector<1x16xi32>,
        %get3A_354 = arith.constant 3 : i32
        %get3A_355 = arith.index_cast %get3A_354 : i32 to index
        %get3A_356 = arith.constant 0 : index
        %get3A_357 = tpu.vector_load %arg10[%get3A_355, %get3A_356] {strides = array<i32>} : memref<4x64xi32, #tpu.memory_space<vmem>>, vector<1x16xi32>,
        %get3A_358 = vector.shape_cast %get3A_357 : vector<1x16xi32> to vector<16xi32>
        %add3A_359 = vector.broadcast %mul3A_0 : i32 to vector<16xi32>
        %add3A_360 = arith.addi %get3A_358, %add3A_359 : vector<16xi32>
        %swap3A_361 = arith.constant 3 : i32
        %swap3A_362 = arith.index_cast %swap3A_361 : i32 to index
        %swap3A_363 = arith.constant 0 : index
        %swap3A_364 = tpu.vector_load %arg11[%swap3A_362, %swap3A_363] {strides = array<i32>} : memref<4x64xi32, #tpu.memory_space<vmem>>, vector<1x16xi32>,
        %swap3A_365 = vector.shape_cast %swap3A_364 : vector<1x16xi32> to vector<16xi32>
        %swap3A_366 = vector.shape_cast %add3A_360 : vector<16xi32> to vector<1x16xi32>
        tpu.vector_store %arg11[%swap3A_362, %swap3A_363], %swap3A_366 {strides = array<i32>} : memref<4x64xi32, #tpu.memory_space<vmem>>, vector<1x16xi32>,
        %get3A_367 = arith.constant 3 : i32
        %get3A_368 = arith.index_cast %get3A_367 : i32 to index
        %get3A_369 = arith.constant 16 : index
        %get3A_370 = tpu.vector_load %arg9[%get3A_368, %get3A_369] {strides = array<i32>} : memref<4x64xi32, #tpu.memory_space<vmem>>, vector<1x16xi32>,
        %get3A_371 = vector.shape_cast %get3A_370 : vector<1x16xi32> to vector<16xi32>
        %add3A_372 = vector.broadcast %mul3A_0 : i32 to vector<16xi32>
        %add3A_373 = arith.addi %get3A_371, %add3A_372 : vector<16xi32>
        %swap3A_374 = arith.constant 3 : i32
        %swap3A_375 = arith.index_cast %swap3A_374 : i32 to index
        %swap3A_376 = arith.constant 16 : index
        %swap3A_377 = tpu.vector_load %arg9[%swap3A_375, %swap3A_376] {strides = array<i32>} : memref<4x64xi32, #tpu.memory_space<vmem>>, vector<1x16xi32>,
        %swap3A_378 = vector.shape_cast %swap3A_377 : vector<1x16xi32> to vector<16xi32>
        %swap3A_379 = vector.shape_cast %add3A_373 : vector<16xi32> to vector<1x16xi32>
        tpu.vector_store %arg9[%swap3A_375, %swap3A_376], %swap3A_379 {strides = array<i32>} : memref<4x64xi32, #tpu.memory_space<vmem>>, vector<1x16xi32>,
        %get3A_380 = arith.constant 3 : i32
        %get3A_381 = arith.index_cast %get3A_380 : i32 to index
        %get3A_382 = arith.constant 16 : index
        %get3A_383 = tpu.vector_load %arg10[%get3A_381, %get3A_382] {strides = array<i32>} : memref<4x64xi32, #tpu.memory_space<vmem>>, vector<1x16xi32>,
        %get3A_384 = vector.shape_cast %get3A_383 : vector<1x16xi32> to vector<16xi32>
        %add3A_385 = vector.broadcast %mul3A_0 : i32 to vector<16xi32>
        %add3A_386 = arith.addi %get3A_384, %add3A_385 : vector<16xi32>
        %swap3A_387 = arith.constant 3 : i32
        %swap3A_388 = arith.index_cast %swap3A_387 : i32 to index
        %swap3A_389 = arith.constant 16 : index
        %swap3A_390 = tpu.vector_load %arg11[%swap3A_388, %swap3A_389] {strides = array<i32>} : memref<4x64xi32, #tpu.memory_space<vmem>>, vector<1x16xi32>,
        %swap3A_391 = vector.shape_cast %swap3A_390 : vector<1x16xi32> to vector<16xi32>
        %swap3A_392 = vector.shape_cast %add3A_386 : vector<16xi32> to vector<1x16xi32>
        tpu.vector_store %arg11[%swap3A_388, %swap3A_389], %swap3A_392 {strides = array<i32>} : memref<4x64xi32, #tpu.memory_space<vmem>>, vector<1x16xi32>,
        %get3A_393 = arith.constant 3 : i32
        %get3A_394 = arith.index_cast %get3A_393 : i32 to index
        %get3A_395 = arith.constant 32 : index
        %get3A_396 = tpu.vector_load %arg9[%get3A_394, %get3A_395] {strides = array<i32>} : memref<4x64xi32, #tpu.memory_space<vmem>>, vector<1x16xi32>,
        %get3A_397 = vector.shape_cast %get3A_396 : vector<1x16xi32> to vector<16xi32>
        %add3A_398 = vector.broadcast %mul3A_0 : i32 to vector<16xi32>
        %add3A_399 = arith.addi %get3A_397, %add3A_398 : vector<16xi32>
        %swap3A_400 = arith.constant 3 : i32
        %swap3A_401 = arith.index_cast %swap3A_400 : i32 to index
        %swap3A_402 = arith.constant 32 : index
        %swap3A_403 = tpu.vector_load %arg9[%swap3A_401, %swap3A_402] {strides = array<i32>} : memref<4x64xi32, #tpu.memory_space<vmem>>, vector<1x16xi32>,
        %swap3A_404 = vector.shape_cast %swap3A_403 : vector<1x16xi32> to vector<16xi32>
        %swap3A_405 = vector.shape_cast %add3A_399 : vector<16xi32> to vector<1x16xi32>
        tpu.vector_store %arg9[%swap3A_401, %swap3A_402], %swap3A_405 {strides = array<i32>} : memref<4x64xi32, #tpu.memory_space<vmem>>, vector<1x16xi32>,
        %get3A_406 = arith.constant 3 : i32
        %get3A_407 = arith.index_cast %get3A_406 : i32 to index
        %get3A_408 = arith.constant 32 : index
        %get3A_409 = tpu.vector_load %arg10[%get3A_407, %get3A_408] {strides = array<i32>} : memref<4x64xi32, #tpu.memory_space<vmem>>, vector<1x16xi32>,
        %get3A_410 = vector.shape_cast %get3A_409 : vector<1x16xi32> to vector<16xi32>
        %add3A_411 = vector.broadcast %mul3A_0 : i32 to vector<16xi32>
        %add3A_412 = arith.addi %get3A_410, %add3A_411 : vector<16xi32>
        %swap3A_413 = arith.constant 3 : i32
        %swap3A_414 = arith.index_cast %swap3A_413 : i32 to index
        %swap3A_415 = arith.constant 32 : index
        %swap3A_416 = tpu.vector_load %arg11[%swap3A_414, %swap3A_415] {strides = array<i32>} : memref<4x64xi32, #tpu.memory_space<vmem>>, vector<1x16xi32>,
        %swap3A_417 = vector.shape_cast %swap3A_416 : vector<1x16xi32> to vector<16xi32>
        %swap3A_418 = vector.shape_cast %add3A_412 : vector<16xi32> to vector<1x16xi32>
        tpu.vector_store %arg11[%swap3A_414, %swap3A_415], %swap3A_418 {strides = array<i32>} : memref<4x64xi32, #tpu.memory_space<vmem>>, vector<1x16xi32>,
        %get3A_419 = arith.constant 3 : i32
        %get3A_420 = arith.index_cast %get3A_419 : i32 to index
        %get3A_421 = arith.constant 48 : index
        %get3A_422 = tpu.vector_load %arg9[%get3A_420, %get3A_421] {strides = array<i32>} : memref<4x64xi32, #tpu.memory_space<vmem>>, vector<1x16xi32>,
        %get3A_423 = vector.shape_cast %get3A_422 : vector<1x16xi32> to vector<16xi32>
        %add3A_424 = vector.broadcast %mul3A_0 : i32 to vector<16xi32>
        %add3A_425 = arith.addi %get3A_423, %add3A_424 : vector<16xi32>
        %swap3A_426 = arith.constant 3 : i32
        %swap3A_427 = arith.index_cast %swap3A_426 : i32 to index
        %swap3A_428 = arith.constant 48 : index
        %swap3A_429 = tpu.vector_load %arg9[%swap3A_427, %swap3A_428] {strides = array<i32>} : memref<4x64xi32, #tpu.memory_space<vmem>>, vector<1x16xi32>,
        %swap3A_430 = vector.shape_cast %swap3A_429 : vector<1x16xi32> to vector<16xi32>
        %swap3A_431 = vector.shape_cast %add3A_425 : vector<16xi32> to vector<1x16xi32>
        tpu.vector_store %arg9[%swap3A_427, %swap3A_428], %swap3A_431 {strides = array<i32>} : memref<4x64xi32, #tpu.memory_space<vmem>>, vector<1x16xi32>,
        %get3A_432 = arith.constant 3 : i32
        %get3A_433 = arith.index_cast %get3A_432 : i32 to index
        %get3A_434 = arith.constant 48 : index
        %get3A_435 = tpu.vector_load %arg10[%get3A_433, %get3A_434] {strides = array<i32>} : memref<4x64xi32, #tpu.memory_space<vmem>>, vector<1x16xi32>,
        %get3A_436 = vector.shape_cast %get3A_435 : vector<1x16xi32> to vector<16xi32>
        %add3A_437 = vector.broadcast %mul3A_0 : i32 to vector<16xi32>
        %add3A_438 = arith.addi %get3A_436, %add3A_437 : vector<16xi32>
        %swap3A_439 = arith.constant 3 : i32
        %swap3A_440 = arith.index_cast %swap3A_439 : i32 to index
        %swap3A_441 = arith.constant 48 : index
        %swap3A_442 = tpu.vector_load %arg11[%swap3A_440, %swap3A_441] {strides = array<i32>} : memref<4x64xi32, #tpu.memory_space<vmem>>, vector<1x16xi32>,
        %swap3A_443 = vector.shape_cast %swap3A_442 : vector<1x16xi32> to vector<16xi32>
        %swap3A_444 = vector.shape_cast %add3A_438 : vector<16xi32> to vector<1x16xi32>
        tpu.vector_store %arg11[%swap3A_440, %swap3A_441], %swap3A_444 {strides = array<i32>} : memref<4x64xi32, #tpu.memory_space<vmem>>, vector<1x16xi32>,
        %dma_start3A = arith.constant 0 : i32
        %dma_start3A_445 = arith.constant 0 : i32
        %dma_start3A_446 = tpu.memref_slice %arg9[%dma_start3A, %dma_start3A_445] : memref<4x64xi32, #tpu.memory_space<vmem>> -> memref<1x64xi32, #tpu.memory_space<vmem>>
        %dma_start3A_447 = tpu.memref_squeeze %dma_start3A_446 : memref<1x64xi32, #tpu.memory_space<vmem>> -> memref<64xi32, #tpu.memory_space<vmem>>
        %dma_start3A_448 = arith.constant 0 : i32
        %dma_start3A_449 = arith.constant 0 : i32
        %dma_start3A_450 = tpu.memref_slice %arg2[%dma_start3A_448, %dma_start3A_449] : memref<20000x128xf32, #tpu.memory_space<hbm>> -> memref<20000x128xf32, #tpu.memory_space<hbm>>
        tpu.enqueue_indirect_dma source(%dma_start3A_450 : memref<20000x128xf32, #tpu.memory_space<hbm>>) target(%arg12 : memref<64x128xf32, #tpu.memory_space<vmem>>) offsets(%dma_start3A_447 : memref<64xi32, #tpu.memory_space<vmem>>) semaphore(%arg18 : memref<!tpu.dma_semaphore, #tpu.memory_space<semaphore_mem>>)
        %dma_start3A_451 = arith.constant 0 : i32
        %dma_start3A_452 = arith.constant 0 : i32
        %dma_start3A_453 = tpu.memref_slice %arg11[%dma_start3A_451, %dma_start3A_452] : memref<4x64xi32, #tpu.memory_space<vmem>> -> memref<1x64xi32, #tpu.memory_space<vmem>>
        %dma_start3A_454 = tpu.memref_squeeze %dma_start3A_453 : memref<1x64xi32, #tpu.memory_space<vmem>> -> memref<64xi32, #tpu.memory_space<vmem>>
        %dma_start3A_455 = arith.constant 0 : i32
        %dma_start3A_456 = arith.constant 0 : i32
        %dma_start3A_457 = tpu.memref_slice %arg3[%dma_start3A_455, %dma_start3A_456] : memref<20000x128xf32, #tpu.memory_space<hbm>> -> memref<20000x128xf32, #tpu.memory_space<hbm>>
        tpu.enqueue_indirect_dma source(%dma_start3A_457 : memref<20000x128xf32, #tpu.memory_space<hbm>>) target(%arg14 : memref<64x128xf32, #tpu.memory_space<vmem>>) offsets(%dma_start3A_454 : memref<64xi32, #tpu.memory_space<vmem>>) semaphore(%arg18 : memref<!tpu.dma_semaphore, #tpu.memory_space<semaphore_mem>>)
        %mul3A_458 = arith.constant 160000 : i32
        %mul3A_459 = arith.muli %arg0, %mul3A_458 : i32
        %add3A_460 = arith.addi %mul3A_459, %mul3A_30 : i32
        %add3A_461 = arith.constant 0 : i32
        %add3A_462 = arith.addi %add3A_460, %add3A_461 : i32
        %dma_start3A_463 = arith.constant 0 : i32
        %dma_start3A_464 = tpu.memref_slice %arg4[%add3A_462, %dma_start3A_463] : memref<320000x128xf32, #tpu.memory_space<hbm>> -> memref<64x128xf32, #tpu.memory_space<hbm>>
        %dma_start3A_465 = arith.constant 0 : i32
        %dma_start3A_466 = tpu.memref_slice %arg4[%add3A_462, %dma_start3A_465] : memref<320000x128xf32, #tpu.memory_space<hbm>> -> memref<64x128xf32, #tpu.memory_space<hbm>>
        tpu.enqueue_dma source(%dma_start3A_466 : memref<64x128xf32, #tpu.memory_space<hbm>>) target(%arg16 : memref<64x128xf32, #tpu.memory_space<vmem>>) target_semaphore(%arg19 : memref<!tpu.dma_semaphore, #tpu.memory_space<semaphore_mem>>)
        %dma_wait3A = arith.constant 0 : i32
        %dma_wait3A_467 = arith.constant 0 : i32
        %dma_wait3A_468 = tpu.memref_slice %arg9[%dma_wait3A, %dma_wait3A_467] : memref<4x64xi32, #tpu.memory_space<vmem>> -> memref<1x64xi32, #tpu.memory_space<vmem>>
        %dma_wait3A_469 = tpu.memref_squeeze %dma_wait3A_468 : memref<1x64xi32, #tpu.memory_space<vmem>> -> memref<64xi32, #tpu.memory_space<vmem>>
        %dma_wait3A_470 = arith.constant 0 : i32
        %dma_wait3A_471 = arith.constant 0 : i32
        %dma_wait3A_472 = tpu.memref_slice %arg2[%dma_wait3A_470, %dma_wait3A_471] : memref<20000x128xf32, #tpu.memory_space<hbm>> -> memref<20000x128xf32, #tpu.memory_space<hbm>>
        tpu.wait_indirect_dma semaphore(%arg18 : memref<!tpu.dma_semaphore, #tpu.memory_space<semaphore_mem>>) src(%dma_wait3A_472 : memref<20000x128xf32, #tpu.memory_space<hbm>>) dst(%arg12 : memref<64x128xf32, #tpu.memory_space<vmem>>)
        %dma_wait3A_473 = arith.constant 0 : i32
        %dma_wait3A_474 = arith.constant 0 : i32
        %dma_wait3A_475 = tpu.memref_slice %arg11[%dma_wait3A_473, %dma_wait3A_474] : memref<4x64xi32, #tpu.memory_space<vmem>> -> memref<1x64xi32, #tpu.memory_space<vmem>>
        %dma_wait3A_476 = tpu.memref_squeeze %dma_wait3A_475 : memref<1x64xi32, #tpu.memory_space<vmem>> -> memref<64xi32, #tpu.memory_space<vmem>>
        %dma_wait3A_477 = arith.constant 0 : i32
        %dma_wait3A_478 = arith.constant 0 : i32
        %dma_wait3A_479 = tpu.memref_slice %arg3[%dma_wait3A_477, %dma_wait3A_478] : memref<20000x128xf32, #tpu.memory_space<hbm>> -> memref<20000x128xf32, #tpu.memory_space<hbm>>
        tpu.wait_indirect_dma semaphore(%arg18 : memref<!tpu.dma_semaphore, #tpu.memory_space<semaphore_mem>>) src(%dma_wait3A_479 : memref<20000x128xf32, #tpu.memory_space<hbm>>) dst(%arg14 : memref<64x128xf32, #tpu.memory_space<vmem>>)
        %dma_start3A_480 = arith.constant 1 : i32
        %dma_start3A_481 = arith.constant 0 : i32
        %dma_start3A_482 = tpu.memref_slice %arg9[%dma_start3A_480, %dma_start3A_481] : memref<4x64xi32, #tpu.memory_space<vmem>> -> memref<1x64xi32, #tpu.memory_space<vmem>>
        %dma_start3A_483 = tpu.memref_squeeze %dma_start3A_482 : memref<1x64xi32, #tpu.memory_space<vmem>> -> memref<64xi32, #tpu.memory_space<vmem>>
        %dma_start3A_484 = arith.constant 0 : i32
        %dma_start3A_485 = arith.constant 0 : i32
        %dma_start3A_486 = tpu.memref_slice %arg2[%dma_start3A_484, %dma_start3A_485] : memref<20000x128xf32, #tpu.memory_space<hbm>> -> memref<20000x128xf32, #tpu.memory_space<hbm>>
        tpu.enqueue_indirect_dma source(%dma_start3A_486 : memref<20000x128xf32, #tpu.memory_space<hbm>>) target(%arg13 : memref<64x128xf32, #tpu.memory_space<vmem>>) offsets(%dma_start3A_483 : memref<64xi32, #tpu.memory_space<vmem>>) semaphore(%arg18 : memref<!tpu.dma_semaphore, #tpu.memory_space<semaphore_mem>>)
        %dma_start3A_487 = arith.constant 1 : i32
        %dma_start3A_488 = arith.constant 0 : i32
        %dma_start3A_489 = tpu.memref_slice %arg11[%dma_start3A_487, %dma_start3A_488] : memref<4x64xi32, #tpu.memory_space<vmem>> -> memref<1x64xi32, #tpu.memory_space<vmem>>
        %dma_start3A_490 = tpu.memref_squeeze %dma_start3A_489 : memref<1x64xi32, #tpu.memory_space<vmem>> -> memref<64xi32, #tpu.memory_space<vmem>>
        %dma_start3A_491 = arith.constant 0 : i32
        %dma_start3A_492 = arith.constant 0 : i32
        %dma_start3A_493 = tpu.memref_slice %arg3[%dma_start3A_491, %dma_start3A_492] : memref<20000x128xf32, #tpu.memory_space<hbm>> -> memref<20000x128xf32, #tpu.memory_space<hbm>>
        tpu.enqueue_indirect_dma source(%dma_start3A_493 : memref<20000x128xf32, #tpu.memory_space<hbm>>) target(%arg15 : memref<64x128xf32, #tpu.memory_space<vmem>>) offsets(%dma_start3A_490 : memref<64xi32, #tpu.memory_space<vmem>>) semaphore(%arg18 : memref<!tpu.dma_semaphore, #tpu.memory_space<semaphore_mem>>)
        %dma_wait3A_494 = arith.constant 0 : i32
        %dma_wait3A_495 = tpu.memref_slice %arg4[%add3A_462, %dma_wait3A_494] : memref<320000x128xf32, #tpu.memory_space<hbm>> -> memref<64x128xf32, #tpu.memory_space<hbm>>
        %dma_wait3A_496 = arith.constant 0 : i32
        %dma_wait3A_497 = tpu.memref_slice %arg4[%add3A_462, %dma_wait3A_496] : memref<320000x128xf32, #tpu.memory_space<hbm>> -> memref<64x128xf32, #tpu.memory_space<hbm>>
        tpu.wait_dma2 semaphore(%arg19 : memref<!tpu.dma_semaphore, #tpu.memory_space<semaphore_mem>>) src(%dma_wait3A_497 : memref<64x128xf32, #tpu.memory_space<hbm>>) dst(%arg16 : memref<64x128xf32, #tpu.memory_space<vmem>>)
        %scan3A_498 = arith.constant 0 : i32
        %scan3A_499 = arith.constant 0 : i32
        %scan3A_500 = arith.constant 64 : i32
        %scan3A_501 = arith.addi %scan3A_499, %scan3A_500 : i32
        %scan3A_502 = arith.constant 1 : i32
        %scan3A_503 = scf.for %scan3A_691 = %scan3A_499 to %scan3A_501 step %scan3A_502 iter_args(%scan3A_692 = %scan3A_498) -> (i32)  : i32 {
          %get3A_693 = arith.index_cast %scan3A_691 : i32 to index
          %get3A_694 = arith.constant 0 : index
          %get3A_695 = tpu.vector_load %arg12[%get3A_693, %get3A_694] {strides = array<i32>} : memref<64x128xf32, #tpu.memory_space<vmem>>, vector<1x16xf32>,
          %get3A_696 = vector.shape_cast %get3A_695 : vector<1x16xf32> to vector<16xf32>
          %get3A_697 = arith.index_cast %scan3A_691 : i32 to index
          %get3A_698 = arith.constant 0 : index
          %get3A_699 = tpu.vector_load %arg14[%get3A_697, %get3A_698] {strides = array<i32>} : memref<64x128xf32, #tpu.memory_space<vmem>>, vector<1x16xf32>,
          %get3A_700 = vector.shape_cast %get3A_699 : vector<1x16xf32> to vector<16xf32>
          %add3A_701 = arith.addf %get3A_696, %get3A_700 : vector<16xf32>
          %get3A_702 = arith.index_cast %scan3A_691 : i32 to index
          %get3A_703 = arith.constant 0 : index
          %get3A_704 = tpu.vector_load %arg16[%get3A_702, %get3A_703] {strides = array<i32>} : memref<64x128xf32, #tpu.memory_space<vmem>>, vector<1x16xf32>,
          %get3A_705 = vector.shape_cast %get3A_704 : vector<1x16xf32> to vector<16xf32>
          %add3A_706 = arith.addf %add3A_701, %get3A_705 : vector<16xf32>
          %neg3A = arith.constant 0.000000e+00 : f32
          %neg3A_707 = vector.broadcast %neg3A : f32 to vector<16xf32>
          %neg3A_708 = arith.subf %neg3A_707, %add3A_706 : vector<16xf32>
          %exp3A = math.exp %neg3A_708 : vector<16xf32>
          %add3A_709 = arith.constant 1.000000e+00 : f32
          %add3A_710 = vector.broadcast %add3A_709 : f32 to vector<16xf32>
          %add3A_711 = arith.addf %add3A_710, %exp3A : vector<16xf32>
          %div3A = arith.divf %add3A_706, %add3A_711 : vector<16xf32>
          %swap3A_712 = arith.index_cast %scan3A_691 : i32 to index
          %swap3A_713 = arith.constant 0 : index
          %swap3A_714 = tpu.vector_load %arg12[%swap3A_712, %swap3A_713] {strides = array<i32>} : memref<64x128xf32, #tpu.memory_space<vmem>>, vector<1x16xf32>,
          %swap3A_715 = vector.shape_cast %swap3A_714 : vector<1x16xf32> to vector<16xf32>
          %swap3A_716 = vector.shape_cast %div3A : vector<16xf32> to vector<1x16xf32>
          tpu.vector_store %arg12[%swap3A_712, %swap3A_713], %swap3A_716 {strides = array<i32>} : memref<64x128xf32, #tpu.memory_space<vmem>>, vector<1x16xf32>,
          %get3A_717 = arith.index_cast %scan3A_691 : i32 to index
          %get3A_718 = arith.constant 16 : index
          %get3A_719 = tpu.vector_load %arg12[%get3A_717, %get3A_718] {strides = array<i32>} : memref<64x128xf32, #tpu.memory_space<vmem>>, vector<1x16xf32>,
          %get3A_720 = vector.shape_cast %get3A_719 : vector<1x16xf32> to vector<16xf32>
          %get3A_721 = arith.index_cast %scan3A_691 : i32 to index
          %get3A_722 = arith.constant 16 : index
          %get3A_723 = tpu.vector_load %arg14[%get3A_721, %get3A_722] {strides = array<i32>} : memref<64x128xf32, #tpu.memory_space<vmem>>, vector<1x16xf32>,
          %get3A_724 = vector.shape_cast %get3A_723 : vector<1x16xf32> to vector<16xf32>
          %add3A_725 = arith.addf %get3A_720, %get3A_724 : vector<16xf32>
          %get3A_726 = arith.index_cast %scan3A_691 : i32 to index
          %get3A_727 = arith.constant 16 : index
          %get3A_728 = tpu.vector_load %arg16[%get3A_726, %get3A_727] {strides = array<i32>} : memref<64x128xf32, #tpu.memory_space<vmem>>, vector<1x16xf32>,
          %get3A_729 = vector.shape_cast %get3A_728 : vector<1x16xf32> to vector<16xf32>
          %add3A_730 = arith.addf %add3A_725, %get3A_729 : vector<16xf32>
          %neg3A_731 = arith.constant 0.000000e+00 : f32
          %neg3A_732 = vector.broadcast %neg3A_731 : f32 to vector<16xf32>
          %neg3A_733 = arith.subf %neg3A_732, %add3A_730 : vector<16xf32>
          %exp3A_734 = math.exp %neg3A_733 : vector<16xf32>
          %add3A_735 = arith.constant 1.000000e+00 : f32
          %add3A_736 = vector.broadcast %add3A_735 : f32 to vector<16xf32>
          %add3A_737 = arith.addf %add3A_736, %exp3A_734 : vector<16xf32>
          %div3A_738 = arith.divf %add3A_730, %add3A_737 : vector<16xf32>
          %swap3A_739 = arith.index_cast %scan3A_691 : i32 to index
          %swap3A_740 = arith.constant 16 : index
          %swap3A_741 = tpu.vector_load %arg12[%swap3A_739, %swap3A_740] {strides = array<i32>} : memref<64x128xf32, #tpu.memory_space<vmem>>, vector<1x16xf32>,
          %swap3A_742 = vector.shape_cast %swap3A_741 : vector<1x16xf32> to vector<16xf32>
          %swap3A_743 = vector.shape_cast %div3A_738 : vector<16xf32> to vector<1x16xf32>
          tpu.vector_store %arg12[%swap3A_739, %swap3A_740], %swap3A_743 {strides = array<i32>} : memref<64x128xf32, #tpu.memory_space<vmem>>, vector<1x16xf32>,
          %get3A_744 = arith.index_cast %scan3A_691 : i32 to index
          %get3A_745 = arith.constant 32 : index
          %get3A_746 = tpu.vector_load %arg12[%get3A_744, %get3A_745] {strides = array<i32>} : memref<64x128xf32, #tpu.memory_space<vmem>>, vector<1x16xf32>,
          %get3A_747 = vector.shape_cast %get3A_746 : vector<1x16xf32> to vector<16xf32>
          %get3A_748 = arith.index_cast %scan3A_691 : i32 to index
          %get3A_749 = arith.constant 32 : index
          %get3A_750 = tpu.vector_load %arg14[%get3A_748, %get3A_749] {strides = array<i32>} : memref<64x128xf32, #tpu.memory_space<vmem>>, vector<1x16xf32>,
          %get3A_751 = vector.shape_cast %get3A_750 : vector<1x16xf32> to vector<16xf32>
          %add3A_752 = arith.addf %get3A_747, %get3A_751 : vector<16xf32>
          %get3A_753 = arith.index_cast %scan3A_691 : i32 to index
          %get3A_754 = arith.constant 32 : index
          %get3A_755 = tpu.vector_load %arg16[%get3A_753, %get3A_754] {strides = array<i32>} : memref<64x128xf32, #tpu.memory_space<vmem>>, vector<1x16xf32>,
          %get3A_756 = vector.shape_cast %get3A_755 : vector<1x16xf32> to vector<16xf32>
          %add3A_757 = arith.addf %add3A_752, %get3A_756 : vector<16xf32>
          %neg3A_758 = arith.constant 0.000000e+00 : f32
          %neg3A_759 = vector.broadcast %neg3A_758 : f32 to vector<16xf32>
          %neg3A_760 = arith.subf %neg3A_759, %add3A_757 : vector<16xf32>
          %exp3A_761 = math.exp %neg3A_760 : vector<16xf32>
          %add3A_762 = arith.constant 1.000000e+00 : f32
          %add3A_763 = vector.broadcast %add3A_762 : f32 to vector<16xf32>
          %add3A_764 = arith.addf %add3A_763, %exp3A_761 : vector<16xf32>
          %div3A_765 = arith.divf %add3A_757, %add3A_764 : vector<16xf32>
          %swap3A_766 = arith.index_cast %scan3A_691 : i32 to index
          %swap3A_767 = arith.constant 32 : index
          %swap3A_768 = tpu.vector_load %arg12[%swap3A_766, %swap3A_767] {strides = array<i32>} : memref<64x128xf32, #tpu.memory_space<vmem>>, vector<1x16xf32>,
          %swap3A_769 = vector.shape_cast %swap3A_768 : vector<1x16xf32> to vector<16xf32>
          %swap3A_770 = vector.shape_cast %div3A_765 : vector<16xf32> to vector<1x16xf32>
          tpu.vector_store %arg12[%swap3A_766, %swap3A_767], %swap3A_770 {strides = array<i32>} : memref<64x128xf32, #tpu.memory_space<vmem>>, vector<1x16xf32>,
          %get3A_771 = arith.index_cast %scan3A_691 : i32 to index
          %get3A_772 = arith.constant 48 : index
          %get3A_773 = tpu.vector_load %arg12[%get3A_771, %get3A_772] {strides = array<i32>} : memref<64x128xf32, #tpu.memory_space<vmem>>, vector<1x16xf32>,
          %get3A_774 = vector.shape_cast %get3A_773 : vector<1x16xf32> to vector<16xf32>
          %get3A_775 = arith.index_cast %scan3A_691 : i32 to index
          %get3A_776 = arith.constant 48 : index
          %get3A_777 = tpu.vector_load %arg14[%get3A_775, %get3A_776] {strides = array<i32>} : memref<64x128xf32, #tpu.memory_space<vmem>>, vector<1x16xf32>,
          %get3A_778 = vector.shape_cast %get3A_777 : vector<1x16xf32> to vector<16xf32>
          %add3A_779 = arith.addf %get3A_774, %get3A_778 : vector<16xf32>
          %get3A_780 = arith.index_cast %scan3A_691 : i32 to index
          %get3A_781 = arith.constant 48 : index
          %get3A_782 = tpu.vector_load %arg16[%get3A_780, %get3A_781] {strides = array<i32>} : memref<64x128xf32, #tpu.memory_space<vmem>>, vector<1x16xf32>,
          %get3A_783 = vector.shape_cast %get3A_782 : vector<1x16xf32> to vector<16xf32>
          %add3A_784 = arith.addf %add3A_779, %get3A_783 : vector<16xf32>
          %neg3A_785 = arith.constant 0.000000e+00 : f32
          %neg3A_786 = vector.broadcast %neg3A_785 : f32 to vector<16xf32>
          %neg3A_787 = arith.subf %neg3A_786, %add3A_784 : vector<16xf32>
          %exp3A_788 = math.exp %neg3A_787 : vector<16xf32>
          %add3A_789 = arith.constant 1.000000e+00 : f32
          %add3A_790 = vector.broadcast %add3A_789 : f32 to vector<16xf32>
          %add3A_791 = arith.addf %add3A_790, %exp3A_788 : vector<16xf32>
          %div3A_792 = arith.divf %add3A_784, %add3A_791 : vector<16xf32>
          %swap3A_793 = arith.index_cast %scan3A_691 : i32 to index
          %swap3A_794 = arith.constant 48 : index
          %swap3A_795 = tpu.vector_load %arg12[%swap3A_793, %swap3A_794] {strides = array<i32>} : memref<64x128xf32, #tpu.memory_space<vmem>>, vector<1x16xf32>,
          %swap3A_796 = vector.shape_cast %swap3A_795 : vector<1x16xf32> to vector<16xf32>
          %swap3A_797 = vector.shape_cast %div3A_792 : vector<16xf32> to vector<1x16xf32>
          tpu.vector_store %arg12[%swap3A_793, %swap3A_794], %swap3A_797 {strides = array<i32>} : memref<64x128xf32, #tpu.memory_space<vmem>>, vector<1x16xf32>,
          %get3A_798 = arith.index_cast %scan3A_691 : i32 to index
          %get3A_799 = arith.constant 64 : index
          %get3A_800 = tpu.vector_load %arg12[%get3A_798, %get3A_799] {strides = array<i32>} : memref<64x128xf32, #tpu.memory_space<vmem>>, vector<1x16xf32>,
          %get3A_801 = vector.shape_cast %get3A_800 : vector<1x16xf32> to vector<16xf32>
          %get3A_802 = arith.index_cast %scan3A_691 : i32 to index
          %get3A_803 = arith.constant 64 : index
          %get3A_804 = tpu.vector_load %arg14[%get3A_802, %get3A_803] {strides = array<i32>} : memref<64x128xf32, #tpu.memory_space<vmem>>, vector<1x16xf32>,
          %get3A_805 = vector.shape_cast %get3A_804 : vector<1x16xf32> to vector<16xf32>
          %add3A_806 = arith.addf %get3A_801, %get3A_805 : vector<16xf32>
          %get3A_807 = arith.index_cast %scan3A_691 : i32 to index
          %get3A_808 = arith.constant 64 : index
          %get3A_809 = tpu.vector_load %arg16[%get3A_807, %get3A_808] {strides = array<i32>} : memref<64x128xf32, #tpu.memory_space<vmem>>, vector<1x16xf32>,
          %get3A_810 = vector.shape_cast %get3A_809 : vector<1x16xf32> to vector<16xf32>
          %add3A_811 = arith.addf %add3A_806, %get3A_810 : vector<16xf32>
          %neg3A_812 = arith.constant 0.000000e+00 : f32
          %neg3A_813 = vector.broadcast %neg3A_812 : f32 to vector<16xf32>
          %neg3A_814 = arith.subf %neg3A_813, %add3A_811 : vector<16xf32>
          %exp3A_815 = math.exp %neg3A_814 : vector<16xf32>
          %add3A_816 = arith.constant 1.000000e+00 : f32
          %add3A_817 = vector.broadcast %add3A_816 : f32 to vector<16xf32>
          %add3A_818 = arith.addf %add3A_817, %exp3A_815 : vector<16xf32>
          %div3A_819 = arith.divf %add3A_811, %add3A_818 : vector<16xf32>
          %swap3A_820 = arith.index_cast %scan3A_691 : i32 to index
          %swap3A_821 = arith.constant 64 : index
          %swap3A_822 = tpu.vector_load %arg12[%swap3A_820, %swap3A_821] {strides = array<i32>} : memref<64x128xf32, #tpu.memory_space<vmem>>, vector<1x16xf32>,
          %swap3A_823 = vector.shape_cast %swap3A_822 : vector<1x16xf32> to vector<16xf32>
          %swap3A_824 = vector.shape_cast %div3A_819 : vector<16xf32> to vector<1x16xf32>
          tpu.vector_store %arg12[%swap3A_820, %swap3A_821], %swap3A_824 {strides = array<i32>} : memref<64x128xf32, #tpu.memory_space<vmem>>, vector<1x16xf32>,
          %get3A_825 = arith.index_cast %scan3A_691 : i32 to index
          %get3A_826 = arith.constant 80 : index
          %get3A_827 = tpu.vector_load %arg12[%get3A_825, %get3A_826] {strides = array<i32>} : memref<64x128xf32, #tpu.memory_space<vmem>>, vector<1x16xf32>,
          %get3A_828 = vector.shape_cast %get3A_827 : vector<1x16xf32> to vector<16xf32>
          %get3A_829 = arith.index_cast %scan3A_691 : i32 to index
          %get3A_830 = arith.constant 80 : index
          %get3A_831 = tpu.vector_load %arg14[%get3A_829, %get3A_830] {strides = array<i32>} : memref<64x128xf32, #tpu.memory_space<vmem>>, vector<1x16xf32>,
          %get3A_832 = vector.shape_cast %get3A_831 : vector<1x16xf32> to vector<16xf32>
          %add3A_833 = arith.addf %get3A_828, %get3A_832 : vector<16xf32>
          %get3A_834 = arith.index_cast %scan3A_691 : i32 to index
          %get3A_835 = arith.constant 80 : index
          %get3A_836 = tpu.vector_load %arg16[%get3A_834, %get3A_835] {strides = array<i32>} : memref<64x128xf32, #tpu.memory_space<vmem>>, vector<1x16xf32>,
          %get3A_837 = vector.shape_cast %get3A_836 : vector<1x16xf32> to vector<16xf32>
          %add3A_838 = arith.addf %add3A_833, %get3A_837 : vector<16xf32>
          %neg3A_839 = arith.constant 0.000000e+00 : f32
          %neg3A_840 = vector.broadcast %neg3A_839 : f32 to vector<16xf32>
          %neg3A_841 = arith.subf %neg3A_840, %add3A_838 : vector<16xf32>
          %exp3A_842 = math.exp %neg3A_841 : vector<16xf32>
          %add3A_843 = arith.constant 1.000000e+00 : f32
          %add3A_844 = vector.broadcast %add3A_843 : f32 to vector<16xf32>
          %add3A_845 = arith.addf %add3A_844, %exp3A_842 : vector<16xf32>
          %div3A_846 = arith.divf %add3A_838, %add3A_845 : vector<16xf32>
          %swap3A_847 = arith.index_cast %scan3A_691 : i32 to index
          %swap3A_848 = arith.constant 80 : index
          %swap3A_849 = tpu.vector_load %arg12[%swap3A_847, %swap3A_848] {strides = array<i32>} : memref<64x128xf32, #tpu.memory_space<vmem>>, vector<1x16xf32>,
          %swap3A_850 = vector.shape_cast %swap3A_849 : vector<1x16xf32> to vector<16xf32>
          %swap3A_851 = vector.shape_cast %div3A_846 : vector<16xf32> to vector<1x16xf32>
          tpu.vector_store %arg12[%swap3A_847, %swap3A_848], %swap3A_851 {strides = array<i32>} : memref<64x128xf32, #tpu.memory_space<vmem>>, vector<1x16xf32>,
          %get3A_852 = arith.index_cast %scan3A_691 : i32 to index
          %get3A_853 = arith.constant 96 : index
          %get3A_854 = tpu.vector_load %arg12[%get3A_852, %get3A_853] {strides = array<i32>} : memref<64x128xf32, #tpu.memory_space<vmem>>, vector<1x16xf32>,
          %get3A_855 = vector.shape_cast %get3A_854 : vector<1x16xf32> to vector<16xf32>
          %get3A_856 = arith.index_cast %scan3A_691 : i32 to index
          %get3A_857 = arith.constant 96 : index
          %get3A_858 = tpu.vector_load %arg14[%get3A_856, %get3A_857] {strides = array<i32>} : memref<64x128xf32, #tpu.memory_space<vmem>>, vector<1x16xf32>,
          %get3A_859 = vector.shape_cast %get3A_858 : vector<1x16xf32> to vector<16xf32>
          %add3A_860 = arith.addf %get3A_855, %get3A_859 : vector<16xf32>
          %get3A_861 = arith.index_cast %scan3A_691 : i32 to index
          %get3A_862 = arith.constant 96 : index
          %get3A_863 = tpu.vector_load %arg16[%get3A_861, %get3A_862] {strides = array<i32>} : memref<64x128xf32, #tpu.memory_space<vmem>>, vector<1x16xf32>,
          %get3A_864 = vector.shape_cast %get3A_863 : vector<1x16xf32> to vector<16xf32>
          %add3A_865 = arith.addf %add3A_860, %get3A_864 : vector<16xf32>
          %neg3A_866 = arith.constant 0.000000e+00 : f32
          %neg3A_867 = vector.broadcast %neg3A_866 : f32 to vector<16xf32>
          %neg3A_868 = arith.subf %neg3A_867, %add3A_865 : vector<16xf32>
          %exp3A_869 = math.exp %neg3A_868 : vector<16xf32>
          %add3A_870 = arith.constant 1.000000e+00 : f32
          %add3A_871 = vector.broadcast %add3A_870 : f32 to vector<16xf32>
          %add3A_872 = arith.addf %add3A_871, %exp3A_869 : vector<16xf32>
          %div3A_873 = arith.divf %add3A_865, %add3A_872 : vector<16xf32>
          %swap3A_874 = arith.index_cast %scan3A_691 : i32 to index
          %swap3A_875 = arith.constant 96 : index
          %swap3A_876 = tpu.vector_load %arg12[%swap3A_874, %swap3A_875] {strides = array<i32>} : memref<64x128xf32, #tpu.memory_space<vmem>>, vector<1x16xf32>,
          %swap3A_877 = vector.shape_cast %swap3A_876 : vector<1x16xf32> to vector<16xf32>
          %swap3A_878 = vector.shape_cast %div3A_873 : vector<16xf32> to vector<1x16xf32>
          tpu.vector_store %arg12[%swap3A_874, %swap3A_875], %swap3A_878 {strides = array<i32>} : memref<64x128xf32, #tpu.memory_space<vmem>>, vector<1x16xf32>,
          %get3A_879 = arith.index_cast %scan3A_691 : i32 to index
          %get3A_880 = arith.constant 112 : index
          %get3A_881 = tpu.vector_load %arg12[%get3A_879, %get3A_880] {strides = array<i32>} : memref<64x128xf32, #tpu.memory_space<vmem>>, vector<1x16xf32>,
          %get3A_882 = vector.shape_cast %get3A_881 : vector<1x16xf32> to vector<16xf32>
          %get3A_883 = arith.index_cast %scan3A_691 : i32 to index
          %get3A_884 = arith.constant 112 : index
          %get3A_885 = tpu.vector_load %arg14[%get3A_883, %get3A_884] {strides = array<i32>} : memref<64x128xf32, #tpu.memory_space<vmem>>, vector<1x16xf32>,
          %get3A_886 = vector.shape_cast %get3A_885 : vector<1x16xf32> to vector<16xf32>
          %add3A_887 = arith.addf %get3A_882, %get3A_886 : vector<16xf32>
          %get3A_888 = arith.index_cast %scan3A_691 : i32 to index
          %get3A_889 = arith.constant 112 : index
          %get3A_890 = tpu.vector_load %arg16[%get3A_888, %get3A_889] {strides = array<i32>} : memref<64x128xf32, #tpu.memory_space<vmem>>, vector<1x16xf32>,
          %get3A_891 = vector.shape_cast %get3A_890 : vector<1x16xf32> to vector<16xf32>
          %add3A_892 = arith.addf %add3A_887, %get3A_891 : vector<16xf32>
          %neg3A_893 = arith.constant 0.000000e+00 : f32
          %neg3A_894 = vector.broadcast %neg3A_893 : f32 to vector<16xf32>
          %neg3A_895 = arith.subf %neg3A_894, %add3A_892 : vector<16xf32>
          %exp3A_896 = math.exp %neg3A_895 : vector<16xf32>
          %add3A_897 = arith.constant 1.000000e+00 : f32
          %add3A_898 = vector.broadcast %add3A_897 : f32 to vector<16xf32>
          %add3A_899 = arith.addf %add3A_898, %exp3A_896 : vector<16xf32>
          %div3A_900 = arith.divf %add3A_892, %add3A_899 : vector<16xf32>
          %swap3A_901 = arith.index_cast %scan3A_691 : i32 to index
          %swap3A_902 = arith.constant 112 : index
          %swap3A_903 = tpu.vector_load %arg12[%swap3A_901, %swap3A_902] {strides = array<i32>} : memref<64x128xf32, #tpu.memory_space<vmem>>, vector<1x16xf32>,
          %swap3A_904 = vector.shape_cast %swap3A_903 : vector<1x16xf32> to vector<16xf32>
          %swap3A_905 = vector.shape_cast %div3A_900 : vector<16xf32> to vector<1x16xf32>
          tpu.vector_store %arg12[%swap3A_901, %swap3A_902], %swap3A_905 {strides = array<i32>} : memref<64x128xf32, #tpu.memory_space<vmem>>, vector<1x16xf32>,
          %scan3A_906 = arith.constant 0 : i32
          scf.yield %scan3A_906 : i32
        }
        %scan3A_504 = arith.constant 64 : i32
        %dma_start3A_505 = arith.constant 0 : i32
        %dma_start3A_506 = arith.constant 0 : i32
        %dma_start3A_507 = tpu.memref_slice %arg10[%dma_start3A_505, %dma_start3A_506] : memref<4x64xi32, #tpu.memory_space<vmem>> -> memref<1x64xi32, #tpu.memory_space<vmem>>
        %dma_start3A_508 = tpu.memref_squeeze %dma_start3A_507 : memref<1x64xi32, #tpu.memory_space<vmem>> -> memref<64xi32, #tpu.memory_space<vmem>>
        %dma_start3A_509 = arith.constant 0 : i32
        %dma_start3A_510 = arith.constant 0 : i32
        %dma_start3A_511 = tpu.memref_slice %arg17[%dma_start3A_509, %dma_start3A_510] : memref<10000x128xf32, #tpu.memory_space<vmem_shared>> -> memref<10000x128xf32, #tpu.memory_space<vmem_shared>>
        tpu.enqueue_indirect_dma source(%arg12 : memref<64x128xf32, #tpu.memory_space<vmem>>) target(%dma_start3A_511 : memref<10000x128xf32, #tpu.memory_space<vmem_shared>>) offsets(%dma_start3A_508 : memref<64xi32, #tpu.memory_space<vmem>>) semaphore(%arg20 : memref<!tpu.dma_semaphore, #tpu.memory_space<semaphore_mem>>) {add = true}
        %mul3A_512 = arith.constant 160000 : i32
        %mul3A_513 = arith.muli %arg0, %mul3A_512 : i32
        %add3A_514 = arith.addi %mul3A_513, %mul3A_30 : i32
        %add3A_515 = arith.constant 64 : i32
        %add3A_516 = arith.addi %add3A_514, %add3A_515 : i32
        %dma_start3A_517 = arith.constant 0 : i32
        %dma_start3A_518 = tpu.memref_slice %arg4[%add3A_516, %dma_start3A_517] : memref<320000x128xf32, #tpu.memory_space<hbm>> -> memref<64x128xf32, #tpu.memory_space<hbm>>
        %dma_start3A_519 = arith.constant 0 : i32
        %dma_start3A_520 = tpu.memref_slice %arg4[%add3A_516, %dma_start3A_519] : memref<320000x128xf32, #tpu.memory_space<hbm>> -> memref<64x128xf32, #tpu.memory_space<hbm>>
        tpu.enqueue_dma source(%dma_start3A_520 : memref<64x128xf32, #tpu.memory_space<hbm>>) target(%arg16 : memref<64x128xf32, #tpu.memory_space<vmem>>) target_semaphore(%arg19 : memref<!tpu.dma_semaphore, #tpu.memory_space<semaphore_mem>>)
        %dma_wait3A_521 = arith.constant 1 : i32
        %dma_wait3A_522 = arith.constant 0 : i32
        %dma_wait3A_523 = tpu.memref_slice %arg9[%dma_wait3A_521, %dma_wait3A_522] : memref<4x64xi32, #tpu.memory_space<vmem>> -> memref<1x64xi32, #tpu.memory_space<vmem>>
        %dma_wait3A_524 = tpu.memref_squeeze %dma_wait3A_523 : memref<1x64xi32, #tpu.memory_space<vmem>> -> memref<64xi32, #tpu.memory_space<vmem>>
        %dma_wait3A_525 = arith.constant 0 : i32
        %dma_wait3A_526 = arith.constant 0 : i32
        %dma_wait3A_527 = tpu.memref_slice %arg2[%dma_wait3A_525, %dma_wait3A_526] : memref<20000x128xf32, #tpu.memory_space<hbm>> -> memref<20000x128xf32, #tpu.memory_space<hbm>>
        tpu.wait_indirect_dma semaphore(%arg18 : memref<!tpu.dma_semaphore, #tpu.memory_space<semaphore_mem>>) src(%dma_wait3A_527 : memref<20000x128xf32, #tpu.memory_space<hbm>>) dst(%arg13 : memref<64x128xf32, #tpu.memory_space<vmem>>)
        %dma_wait3A_528 = arith.constant 1 : i32
        %dma_wait3A_529 = arith.constant 0 : i32
        %dma_wait3A_530 = tpu.memref_slice %arg11[%dma_wait3A_528, %dma_wait3A_529] : memref<4x64xi32, #tpu.memory_space<vmem>> -> memref<1x64xi32, #tpu.memory_space<vmem>>
        %dma_wait3A_531 = tpu.memref_squeeze %dma_wait3A_530 : memref<1x64xi32, #tpu.memory_space<vmem>> -> memref<64xi32, #tpu.memory_space<vmem>>
        %dma_wait3A_532 = arith.constant 0 : i32
        %dma_wait3A_533 = arith.constant 0 : i32
        %dma_wait3A_534 = tpu.memref_slice %arg3[%dma_wait3A_532, %dma_wait3A_533] : memref<20000x128xf32, #tpu.memory_space<hbm>> -> memref<20000x128xf32, #tpu.memory_space<hbm>>
        tpu.wait_indirect_dma semaphore(%arg18 : memref<!tpu.dma_semaphore, #tpu.memory_space<semaphore_mem>>) src(%dma_wait3A_534 : memref<20000x128xf32, #tpu.memory_space<hbm>>) dst(%arg15 : memref<64x128xf32, #tpu.memory_space<vmem>>)
        %dma_wait3A_535 = arith.constant 0 : i32
        %dma_wait3A_536 = arith.constant 0 : i32
        %dma_wait3A_537 = tpu.memref_slice %arg10[%dma_wait3A_535, %dma_wait3A_536] : memref<4x64xi32, #tpu.memory_space<vmem>> -> memref<1x64xi32, #tpu.memory_space<vmem>>
        %dma_wait3A_538 = tpu.memref_squeeze %dma_wait3A_537 : memref<1x64xi32, #tpu.memory_space<vmem>> -> memref<64xi32, #tpu.memory_space<vmem>>
        %dma_wait3A_539 = arith.constant 0 : i32
        %dma_wait3A_540 = arith.constant 0 : i32
        %dma_wait3A_541 = tpu.memref_slice %arg17[%dma_wait3A_539, %dma_wait3A_540] : memref<10000x128xf32, #tpu.memory_space<vmem_shared>> -> memref<10000x128xf32, #tpu.memory_space<vmem_shared>>
        tpu.wait_indirect_dma semaphore(%arg20 : memref<!tpu.dma_semaphore, #tpu.memory_space<semaphore_mem>>) src(%arg12 : memref<64x128xf32, #tpu.memory_space<vmem>>) dst(%dma_wait3A_541 : memref<10000x128xf32, #tpu.memory_space<vmem_shared>>)
        %dma_start3A_542 = arith.constant 2 : i32
        %dma_start3A_543 = arith.constant 0 : i32
        %dma_start3A_544 = tpu.memref_slice %arg9[%dma_start3A_542, %dma_start3A_543] : memref<4x64xi32, #tpu.memory_space<vmem>> -> memref<1x64xi32, #tpu.memory_space<vmem>>
        %dma_start3A_545 = tpu.memref_squeeze %dma_start3A_544 : memref<1x64xi32, #tpu.memory_space<vmem>> -> memref<64xi32, #tpu.memory_space<vmem>>
        %dma_start3A_546 = arith.constant 0 : i32
        %dma_start3A_547 = arith.constant 0 : i32
        %dma_start3A_548 = tpu.memref_slice %arg2[%dma_start3A_546, %dma_start3A_547] : memref<20000x128xf32, #tpu.memory_space<hbm>> -> memref<20000x128xf32, #tpu.memory_space<hbm>>
        tpu.enqueue_indirect_dma source(%dma_start3A_548 : memref<20000x128xf32, #tpu.memory_space<hbm>>) target(%arg12 : memref<64x128xf32, #tpu.memory_space<vmem>>) offsets(%dma_start3A_545 : memref<64xi32, #tpu.memory_space<vmem>>) semaphore(%arg18 : memref<!tpu.dma_semaphore, #tpu.memory_space<semaphore_mem>>)
        %dma_start3A_549 = arith.constant 2 : i32
        %dma_start3A_550 = arith.constant 0 : i32
        %dma_start3A_551 = tpu.memref_slice %arg11[%dma_start3A_549, %dma_start3A_550] : memref<4x64xi32, #tpu.memory_space<vmem>> -> memref<1x64xi32, #tpu.memory_space<vmem>>
        %dma_start3A_552 = tpu.memref_squeeze %dma_start3A_551 : memref<1x64xi32, #tpu.memory_space<vmem>> -> memref<64xi32, #tpu.memory_space<vmem>>
        %dma_start3A_553 = arith.constant 0 : i32
        %dma_start3A_554 = arith.constant 0 : i32
        %dma_start3A_555 = tpu.memref_slice %arg3[%dma_start3A_553, %dma_start3A_554] : memref<20000x128xf32, #tpu.memory_space<hbm>> -> memref<20000x128xf32, #tpu.memory_space<hbm>>
        tpu.enqueue_indirect_dma source(%dma_start3A_555 : memref<20000x128xf32, #tpu.memory_space<hbm>>) target(%arg14 : memref<64x128xf32, #tpu.memory_space<vmem>>) offsets(%dma_start3A_552 : memref<64xi32, #tpu.memory_space<vmem>>) semaphore(%arg18 : memref<!tpu.dma_semaphore, #tpu.memory_space<semaphore_mem>>)
        %dma_wait3A_556 = arith.constant 0 : i32
        %dma_wait3A_557 = tpu.memref_slice %arg4[%add3A_516, %dma_wait3A_556] : memref<320000x128xf32, #tpu.memory_space<hbm>> -> memref<64x128xf32, #tpu.memory_space<hbm>>
        %dma_wait3A_558 = arith.constant 0 : i32
        %dma_wait3A_559 = tpu.memref_slice %arg4[%add3A_516, %dma_wait3A_558] : memref<320000x128xf32, #tpu.memory_space<hbm>> -> memref<64x128xf32, #tpu.memory_space<hbm>>
        tpu.wait_dma2 semaphore(%arg19 : memref<!tpu.dma_semaphore, #tpu.memory_space<semaphore_mem>>) src(%dma_wait3A_559 : memref<64x128xf32, #tpu.memory_space<hbm>>) dst(%arg16 : memref<64x128xf32, #tpu.memory_space<vmem>>)
        %scan3A_560 = arith.constant 0 : i32
        %scan3A_561 = arith.constant 0 : i32
        %scan3A_562 = arith.constant 64 : i32
        %scan3A_563 = arith.addi %scan3A_561, %scan3A_562 : i32
        %scan3A_564 = arith.constant 1 : i32
        %scan3A_565 = scf.for %scan3A_691 = %scan3A_561 to %scan3A_563 step %scan3A_564 iter_args(%scan3A_692 = %scan3A_560) -> (i32)  : i32 {
          %get3A_693 = arith.index_cast %scan3A_691 : i32 to index
          %get3A_694 = arith.constant 0 : index
          %get3A_695 = tpu.vector_load %arg13[%get3A_693, %get3A_694] {strides = array<i32>} : memref<64x128xf32, #tpu.memory_space<vmem>>, vector<1x16xf32>,
          %get3A_696 = vector.shape_cast %get3A_695 : vector<1x16xf32> to vector<16xf32>
          %get3A_697 = arith.index_cast %scan3A_691 : i32 to index
          %get3A_698 = arith.constant 0 : index
          %get3A_699 = tpu.vector_load %arg15[%get3A_697, %get3A_698] {strides = array<i32>} : memref<64x128xf32, #tpu.memory_space<vmem>>, vector<1x16xf32>,
          %get3A_700 = vector.shape_cast %get3A_699 : vector<1x16xf32> to vector<16xf32>
          %add3A_701 = arith.addf %get3A_696, %get3A_700 : vector<16xf32>
          %get3A_702 = arith.index_cast %scan3A_691 : i32 to index
          %get3A_703 = arith.constant 0 : index
          %get3A_704 = tpu.vector_load %arg16[%get3A_702, %get3A_703] {strides = array<i32>} : memref<64x128xf32, #tpu.memory_space<vmem>>, vector<1x16xf32>,
          %get3A_705 = vector.shape_cast %get3A_704 : vector<1x16xf32> to vector<16xf32>
          %add3A_706 = arith.addf %add3A_701, %get3A_705 : vector<16xf32>
          %neg3A = arith.constant 0.000000e+00 : f32
          %neg3A_707 = vector.broadcast %neg3A : f32 to vector<16xf32>
          %neg3A_708 = arith.subf %neg3A_707, %add3A_706 : vector<16xf32>
          %exp3A = math.exp %neg3A_708 : vector<16xf32>
          %add3A_709 = arith.constant 1.000000e+00 : f32
          %add3A_710 = vector.broadcast %add3A_709 : f32 to vector<16xf32>
          %add3A_711 = arith.addf %add3A_710, %exp3A : vector<16xf32>
          %div3A = arith.divf %add3A_706, %add3A_711 : vector<16xf32>
          %swap3A_712 = arith.index_cast %scan3A_691 : i32 to index
          %swap3A_713 = arith.constant 0 : index
          %swap3A_714 = tpu.vector_load %arg13[%swap3A_712, %swap3A_713] {strides = array<i32>} : memref<64x128xf32, #tpu.memory_space<vmem>>, vector<1x16xf32>,
          %swap3A_715 = vector.shape_cast %swap3A_714 : vector<1x16xf32> to vector<16xf32>
          %swap3A_716 = vector.shape_cast %div3A : vector<16xf32> to vector<1x16xf32>
          tpu.vector_store %arg13[%swap3A_712, %swap3A_713], %swap3A_716 {strides = array<i32>} : memref<64x128xf32, #tpu.memory_space<vmem>>, vector<1x16xf32>,
          %get3A_717 = arith.index_cast %scan3A_691 : i32 to index
          %get3A_718 = arith.constant 16 : index
          %get3A_719 = tpu.vector_load %arg13[%get3A_717, %get3A_718] {strides = array<i32>} : memref<64x128xf32, #tpu.memory_space<vmem>>, vector<1x16xf32>,
          %get3A_720 = vector.shape_cast %get3A_719 : vector<1x16xf32> to vector<16xf32>
          %get3A_721 = arith.index_cast %scan3A_691 : i32 to index
          %get3A_722 = arith.constant 16 : index
          %get3A_723 = tpu.vector_load %arg15[%get3A_721, %get3A_722] {strides = array<i32>} : memref<64x128xf32, #tpu.memory_space<vmem>>, vector<1x16xf32>,
          %get3A_724 = vector.shape_cast %get3A_723 : vector<1x16xf32> to vector<16xf32>
          %add3A_725 = arith.addf %get3A_720, %get3A_724 : vector<16xf32>
          %get3A_726 = arith.index_cast %scan3A_691 : i32 to index
          %get3A_727 = arith.constant 16 : index
          %get3A_728 = tpu.vector_load %arg16[%get3A_726, %get3A_727] {strides = array<i32>} : memref<64x128xf32, #tpu.memory_space<vmem>>, vector<1x16xf32>,
          %get3A_729 = vector.shape_cast %get3A_728 : vector<1x16xf32> to vector<16xf32>
          %add3A_730 = arith.addf %add3A_725, %get3A_729 : vector<16xf32>
          %neg3A_731 = arith.constant 0.000000e+00 : f32
          %neg3A_732 = vector.broadcast %neg3A_731 : f32 to vector<16xf32>
          %neg3A_733 = arith.subf %neg3A_732, %add3A_730 : vector<16xf32>
          %exp3A_734 = math.exp %neg3A_733 : vector<16xf32>
          %add3A_735 = arith.constant 1.000000e+00 : f32
          %add3A_736 = vector.broadcast %add3A_735 : f32 to vector<16xf32>
          %add3A_737 = arith.addf %add3A_736, %exp3A_734 : vector<16xf32>
          %div3A_738 = arith.divf %add3A_730, %add3A_737 : vector<16xf32>
          %swap3A_739 = arith.index_cast %scan3A_691 : i32 to index
          %swap3A_740 = arith.constant 16 : index
          %swap3A_741 = tpu.vector_load %arg13[%swap3A_739, %swap3A_740] {strides = array<i32>} : memref<64x128xf32, #tpu.memory_space<vmem>>, vector<1x16xf32>,
          %swap3A_742 = vector.shape_cast %swap3A_741 : vector<1x16xf32> to vector<16xf32>
          %swap3A_743 = vector.shape_cast %div3A_738 : vector<16xf32> to vector<1x16xf32>
          tpu.vector_store %arg13[%swap3A_739, %swap3A_740], %swap3A_743 {strides = array<i32>} : memref<64x128xf32, #tpu.memory_space<vmem>>, vector<1x16xf32>,
          %get3A_744 = arith.index_cast %scan3A_691 : i32 to index
          %get3A_745 = arith.constant 32 : index
          %get3A_746 = tpu.vector_load %arg13[%get3A_744, %get3A_745] {strides = array<i32>} : memref<64x128xf32, #tpu.memory_space<vmem>>, vector<1x16xf32>,
          %get3A_747 = vector.shape_cast %get3A_746 : vector<1x16xf32> to vector<16xf32>
          %get3A_748 = arith.index_cast %scan3A_691 : i32 to index
          %get3A_749 = arith.constant 32 : index
          %get3A_750 = tpu.vector_load %arg15[%get3A_748, %get3A_749] {strides = array<i32>} : memref<64x128xf32, #tpu.memory_space<vmem>>, vector<1x16xf32>,
          %get3A_751 = vector.shape_cast %get3A_750 : vector<1x16xf32> to vector<16xf32>
          %add3A_752 = arith.addf %get3A_747, %get3A_751 : vector<16xf32>
          %get3A_753 = arith.index_cast %scan3A_691 : i32 to index
          %get3A_754 = arith.constant 32 : index
          %get3A_755 = tpu.vector_load %arg16[%get3A_753, %get3A_754] {strides = array<i32>} : memref<64x128xf32, #tpu.memory_space<vmem>>, vector<1x16xf32>,
          %get3A_756 = vector.shape_cast %get3A_755 : vector<1x16xf32> to vector<16xf32>
          %add3A_757 = arith.addf %add3A_752, %get3A_756 : vector<16xf32>
          %neg3A_758 = arith.constant 0.000000e+00 : f32
          %neg3A_759 = vector.broadcast %neg3A_758 : f32 to vector<16xf32>
          %neg3A_760 = arith.subf %neg3A_759, %add3A_757 : vector<16xf32>
          %exp3A_761 = math.exp %neg3A_760 : vector<16xf32>
          %add3A_762 = arith.constant 1.000000e+00 : f32
          %add3A_763 = vector.broadcast %add3A_762 : f32 to vector<16xf32>
          %add3A_764 = arith.addf %add3A_763, %exp3A_761 : vector<16xf32>
          %div3A_765 = arith.divf %add3A_757, %add3A_764 : vector<16xf32>
          %swap3A_766 = arith.index_cast %scan3A_691 : i32 to index
          %swap3A_767 = arith.constant 32 : index
          %swap3A_768 = tpu.vector_load %arg13[%swap3A_766, %swap3A_767] {strides = array<i32>} : memref<64x128xf32, #tpu.memory_space<vmem>>, vector<1x16xf32>,
          %swap3A_769 = vector.shape_cast %swap3A_768 : vector<1x16xf32> to vector<16xf32>
          %swap3A_770 = vector.shape_cast %div3A_765 : vector<16xf32> to vector<1x16xf32>
          tpu.vector_store %arg13[%swap3A_766, %swap3A_767], %swap3A_770 {strides = array<i32>} : memref<64x128xf32, #tpu.memory_space<vmem>>, vector<1x16xf32>,
          %get3A_771 = arith.index_cast %scan3A_691 : i32 to index
          %get3A_772 = arith.constant 48 : index
          %get3A_773 = tpu.vector_load %arg13[%get3A_771, %get3A_772] {strides = array<i32>} : memref<64x128xf32, #tpu.memory_space<vmem>>, vector<1x16xf32>,
          %get3A_774 = vector.shape_cast %get3A_773 : vector<1x16xf32> to vector<16xf32>
          %get3A_775 = arith.index_cast %scan3A_691 : i32 to index
          %get3A_776 = arith.constant 48 : index
          %get3A_777 = tpu.vector_load %arg15[%get3A_775, %get3A_776] {strides = array<i32>} : memref<64x128xf32, #tpu.memory_space<vmem>>, vector<1x16xf32>,
          %get3A_778 = vector.shape_cast %get3A_777 : vector<1x16xf32> to vector<16xf32>
          %add3A_779 = arith.addf %get3A_774, %get3A_778 : vector<16xf32>
          %get3A_780 = arith.index_cast %scan3A_691 : i32 to index
          %get3A_781 = arith.constant 48 : index
          %get3A_782 = tpu.vector_load %arg16[%get3A_780, %get3A_781] {strides = array<i32>} : memref<64x128xf32, #tpu.memory_space<vmem>>, vector<1x16xf32>,
          %get3A_783 = vector.shape_cast %get3A_782 : vector<1x16xf32> to vector<16xf32>
          %add3A_784 = arith.addf %add3A_779, %get3A_783 : vector<16xf32>
          %neg3A_785 = arith.constant 0.000000e+00 : f32
          %neg3A_786 = vector.broadcast %neg3A_785 : f32 to vector<16xf32>
          %neg3A_787 = arith.subf %neg3A_786, %add3A_784 : vector<16xf32>
          %exp3A_788 = math.exp %neg3A_787 : vector<16xf32>
          %add3A_789 = arith.constant 1.000000e+00 : f32
          %add3A_790 = vector.broadcast %add3A_789 : f32 to vector<16xf32>
          %add3A_791 = arith.addf %add3A_790, %exp3A_788 : vector<16xf32>
          %div3A_792 = arith.divf %add3A_784, %add3A_791 : vector<16xf32>
          %swap3A_793 = arith.index_cast %scan3A_691 : i32 to index
          %swap3A_794 = arith.constant 48 : index
          %swap3A_795 = tpu.vector_load %arg13[%swap3A_793, %swap3A_794] {strides = array<i32>} : memref<64x128xf32, #tpu.memory_space<vmem>>, vector<1x16xf32>,
          %swap3A_796 = vector.shape_cast %swap3A_795 : vector<1x16xf32> to vector<16xf32>
          %swap3A_797 = vector.shape_cast %div3A_792 : vector<16xf32> to vector<1x16xf32>
          tpu.vector_store %arg13[%swap3A_793, %swap3A_794], %swap3A_797 {strides = array<i32>} : memref<64x128xf32, #tpu.memory_space<vmem>>, vector<1x16xf32>,
          %get3A_798 = arith.index_cast %scan3A_691 : i32 to index
          %get3A_799 = arith.constant 64 : index
          %get3A_800 = tpu.vector_load %arg13[%get3A_798, %get3A_799] {strides = array<i32>} : memref<64x128xf32, #tpu.memory_space<vmem>>, vector<1x16xf32>,
          %get3A_801 = vector.shape_cast %get3A_800 : vector<1x16xf32> to vector<16xf32>
          %get3A_802 = arith.index_cast %scan3A_691 : i32 to index
          %get3A_803 = arith.constant 64 : index
          %get3A_804 = tpu.vector_load %arg15[%get3A_802, %get3A_803] {strides = array<i32>} : memref<64x128xf32, #tpu.memory_space<vmem>>, vector<1x16xf32>,
          %get3A_805 = vector.shape_cast %get3A_804 : vector<1x16xf32> to vector<16xf32>
          %add3A_806 = arith.addf %get3A_801, %get3A_805 : vector<16xf32>
          %get3A_807 = arith.index_cast %scan3A_691 : i32 to index
          %get3A_808 = arith.constant 64 : index
          %get3A_809 = tpu.vector_load %arg16[%get3A_807, %get3A_808] {strides = array<i32>} : memref<64x128xf32, #tpu.memory_space<vmem>>, vector<1x16xf32>,
          %get3A_810 = vector.shape_cast %get3A_809 : vector<1x16xf32> to vector<16xf32>
          %add3A_811 = arith.addf %add3A_806, %get3A_810 : vector<16xf32>
          %neg3A_812 = arith.constant 0.000000e+00 : f32
          %neg3A_813 = vector.broadcast %neg3A_812 : f32 to vector<16xf32>
          %neg3A_814 = arith.subf %neg3A_813, %add3A_811 : vector<16xf32>
          %exp3A_815 = math.exp %neg3A_814 : vector<16xf32>
          %add3A_816 = arith.constant 1.000000e+00 : f32
          %add3A_817 = vector.broadcast %add3A_816 : f32 to vector<16xf32>
          %add3A_818 = arith.addf %add3A_817, %exp3A_815 : vector<16xf32>
          %div3A_819 = arith.divf %add3A_811, %add3A_818 : vector<16xf32>
          %swap3A_820 = arith.index_cast %scan3A_691 : i32 to index
          %swap3A_821 = arith.constant 64 : index
          %swap3A_822 = tpu.vector_load %arg13[%swap3A_820, %swap3A_821] {strides = array<i32>} : memref<64x128xf32, #tpu.memory_space<vmem>>, vector<1x16xf32>,
          %swap3A_823 = vector.shape_cast %swap3A_822 : vector<1x16xf32> to vector<16xf32>
          %swap3A_824 = vector.shape_cast %div3A_819 : vector<16xf32> to vector<1x16xf32>
          tpu.vector_store %arg13[%swap3A_820, %swap3A_821], %swap3A_824 {strides = array<i32>} : memref<64x128xf32, #tpu.memory_space<vmem>>, vector<1x16xf32>,
          %get3A_825 = arith.index_cast %scan3A_691 : i32 to index
          %get3A_826 = arith.constant 80 : index
          %get3A_827 = tpu.vector_load %arg13[%get3A_825, %get3A_826] {strides = array<i32>} : memref<64x128xf32, #tpu.memory_space<vmem>>, vector<1x16xf32>,
          %get3A_828 = vector.shape_cast %get3A_827 : vector<1x16xf32> to vector<16xf32>
          %get3A_829 = arith.index_cast %scan3A_691 : i32 to index
          %get3A_830 = arith.constant 80 : index
          %get3A_831 = tpu.vector_load %arg15[%get3A_829, %get3A_830] {strides = array<i32>} : memref<64x128xf32, #tpu.memory_space<vmem>>, vector<1x16xf32>,
          %get3A_832 = vector.shape_cast %get3A_831 : vector<1x16xf32> to vector<16xf32>
          %add3A_833 = arith.addf %get3A_828, %get3A_832 : vector<16xf32>
          %get3A_834 = arith.index_cast %scan3A_691 : i32 to index
          %get3A_835 = arith.constant 80 : index
          %get3A_836 = tpu.vector_load %arg16[%get3A_834, %get3A_835] {strides = array<i32>} : memref<64x128xf32, #tpu.memory_space<vmem>>, vector<1x16xf32>,
          %get3A_837 = vector.shape_cast %get3A_836 : vector<1x16xf32> to vector<16xf32>
          %add3A_838 = arith.addf %add3A_833, %get3A_837 : vector<16xf32>
          %neg3A_839 = arith.constant 0.000000e+00 : f32
          %neg3A_840 = vector.broadcast %neg3A_839 : f32 to vector<16xf32>
          %neg3A_841 = arith.subf %neg3A_840, %add3A_838 : vector<16xf32>
          %exp3A_842 = math.exp %neg3A_841 : vector<16xf32>
          %add3A_843 = arith.constant 1.000000e+00 : f32
          %add3A_844 = vector.broadcast %add3A_843 : f32 to vector<16xf32>
          %add3A_845 = arith.addf %add3A_844, %exp3A_842 : vector<16xf32>
          %div3A_846 = arith.divf %add3A_838, %add3A_845 : vector<16xf32>
          %swap3A_847 = arith.index_cast %scan3A_691 : i32 to index
          %swap3A_848 = arith.constant 80 : index
          %swap3A_849 = tpu.vector_load %arg13[%swap3A_847, %swap3A_848] {strides = array<i32>} : memref<64x128xf32, #tpu.memory_space<vmem>>, vector<1x16xf32>,
          %swap3A_850 = vector.shape_cast %swap3A_849 : vector<1x16xf32> to vector<16xf32>
          %swap3A_851 = vector.shape_cast %div3A_846 : vector<16xf32> to vector<1x16xf32>
          tpu.vector_store %arg13[%swap3A_847, %swap3A_848], %swap3A_851 {strides = array<i32>} : memref<64x128xf32, #tpu.memory_space<vmem>>, vector<1x16xf32>,
          %get3A_852 = arith.index_cast %scan3A_691 : i32 to index
          %get3A_853 = arith.constant 96 : index
          %get3A_854 = tpu.vector_load %arg13[%get3A_852, %get3A_853] {strides = array<i32>} : memref<64x128xf32, #tpu.memory_space<vmem>>, vector<1x16xf32>,
          %get3A_855 = vector.shape_cast %get3A_854 : vector<1x16xf32> to vector<16xf32>
          %get3A_856 = arith.index_cast %scan3A_691 : i32 to index
          %get3A_857 = arith.constant 96 : index
          %get3A_858 = tpu.vector_load %arg15[%get3A_856, %get3A_857] {strides = array<i32>} : memref<64x128xf32, #tpu.memory_space<vmem>>, vector<1x16xf32>,
          %get3A_859 = vector.shape_cast %get3A_858 : vector<1x16xf32> to vector<16xf32>
          %add3A_860 = arith.addf %get3A_855, %get3A_859 : vector<16xf32>
          %get3A_861 = arith.index_cast %scan3A_691 : i32 to index
          %get3A_862 = arith.constant 96 : index
          %get3A_863 = tpu.vector_load %arg16[%get3A_861, %get3A_862] {strides = array<i32>} : memref<64x128xf32, #tpu.memory_space<vmem>>, vector<1x16xf32>,
          %get3A_864 = vector.shape_cast %get3A_863 : vector<1x16xf32> to vector<16xf32>
          %add3A_865 = arith.addf %add3A_860, %get3A_864 : vector<16xf32>
          %neg3A_866 = arith.constant 0.000000e+00 : f32
          %neg3A_867 = vector.broadcast %neg3A_866 : f32 to vector<16xf32>
          %neg3A_868 = arith.subf %neg3A_867, %add3A_865 : vector<16xf32>
          %exp3A_869 = math.exp %neg3A_868 : vector<16xf32>
          %add3A_870 = arith.constant 1.000000e+00 : f32
          %add3A_871 = vector.broadcast %add3A_870 : f32 to vector<16xf32>
          %add3A_872 = arith.addf %add3A_871, %exp3A_869 : vector<16xf32>
          %div3A_873 = arith.divf %add3A_865, %add3A_872 : vector<16xf32>
          %swap3A_874 = arith.index_cast %scan3A_691 : i32 to index
          %swap3A_875 = arith.constant 96 : index
          %swap3A_876 = tpu.vector_load %arg13[%swap3A_874, %swap3A_875] {strides = array<i32>} : memref<64x128xf32, #tpu.memory_space<vmem>>, vector<1x16xf32>,
          %swap3A_877 = vector.shape_cast %swap3A_876 : vector<1x16xf32> to vector<16xf32>
          %swap3A_878 = vector.shape_cast %div3A_873 : vector<16xf32> to vector<1x16xf32>
          tpu.vector_store %arg13[%swap3A_874, %swap3A_875], %swap3A_878 {strides = array<i32>} : memref<64x128xf32, #tpu.memory_space<vmem>>, vector<1x16xf32>,
          %get3A_879 = arith.index_cast %scan3A_691 : i32 to index
          %get3A_880 = arith.constant 112 : index
          %get3A_881 = tpu.vector_load %arg13[%get3A_879, %get3A_880] {strides = array<i32>} : memref<64x128xf32, #tpu.memory_space<vmem>>, vector<1x16xf32>,
          %get3A_882 = vector.shape_cast %get3A_881 : vector<1x16xf32> to vector<16xf32>
          %get3A_883 = arith.index_cast %scan3A_691 : i32 to index
          %get3A_884 = arith.constant 112 : index
          %get3A_885 = tpu.vector_load %arg15[%get3A_883, %get3A_884] {strides = array<i32>} : memref<64x128xf32, #tpu.memory_space<vmem>>, vector<1x16xf32>,
          %get3A_886 = vector.shape_cast %get3A_885 : vector<1x16xf32> to vector<16xf32>
          %add3A_887 = arith.addf %get3A_882, %get3A_886 : vector<16xf32>
          %get3A_888 = arith.index_cast %scan3A_691 : i32 to index
          %get3A_889 = arith.constant 112 : index
          %get3A_890 = tpu.vector_load %arg16[%get3A_888, %get3A_889] {strides = array<i32>} : memref<64x128xf32, #tpu.memory_space<vmem>>, vector<1x16xf32>,
          %get3A_891 = vector.shape_cast %get3A_890 : vector<1x16xf32> to vector<16xf32>
          %add3A_892 = arith.addf %add3A_887, %get3A_891 : vector<16xf32>
          %neg3A_893 = arith.constant 0.000000e+00 : f32
          %neg3A_894 = vector.broadcast %neg3A_893 : f32 to vector<16xf32>
          %neg3A_895 = arith.subf %neg3A_894, %add3A_892 : vector<16xf32>
          %exp3A_896 = math.exp %neg3A_895 : vector<16xf32>
          %add3A_897 = arith.constant 1.000000e+00 : f32
          %add3A_898 = vector.broadcast %add3A_897 : f32 to vector<16xf32>
          %add3A_899 = arith.addf %add3A_898, %exp3A_896 : vector<16xf32>
          %div3A_900 = arith.divf %add3A_892, %add3A_899 : vector<16xf32>
          %swap3A_901 = arith.index_cast %scan3A_691 : i32 to index
          %swap3A_902 = arith.constant 112 : index
          %swap3A_903 = tpu.vector_load %arg13[%swap3A_901, %swap3A_902] {strides = array<i32>} : memref<64x128xf32, #tpu.memory_space<vmem>>, vector<1x16xf32>,
          %swap3A_904 = vector.shape_cast %swap3A_903 : vector<1x16xf32> to vector<16xf32>
          %swap3A_905 = vector.shape_cast %div3A_900 : vector<16xf32> to vector<1x16xf32>
          tpu.vector_store %arg13[%swap3A_901, %swap3A_902], %swap3A_905 {strides = array<i32>} : memref<64x128xf32, #tpu.memory_space<vmem>>, vector<1x16xf32>,
          %scan3A_906 = arith.constant 0 : i32
          scf.yield %scan3A_906 : i32
        }
        %scan3A_566 = arith.constant 64 : i32
        %dma_start3A_567 = arith.constant 1 : i32
        %dma_start3A_568 = arith.constant 0 : i32
        %dma_start3A_569 = tpu.memref_slice %arg10[%dma_start3A_567, %dma_start3A_568] : memref<4x64xi32, #tpu.memory_space<vmem>> -> memref<1x64xi32, #tpu.memory_space<vmem>>
        %dma_start3A_570 = tpu.memref_squeeze %dma_start3A_569 : memref<1x64xi32, #tpu.memory_space<vmem>> -> memref<64xi32, #tpu.memory_space<vmem>>
        %dma_start3A_571 = arith.constant 0 : i32
        %dma_start3A_572 = arith.constant 0 : i32
        %dma_start3A_573 = tpu.memref_slice %arg17[%dma_start3A_571, %dma_start3A_572] : memref<10000x128xf32, #tpu.memory_space<vmem_shared>> -> memref<10000x128xf32, #tpu.memory_space<vmem_shared>>
        tpu.enqueue_indirect_dma source(%arg13 : memref<64x128xf32, #tpu.memory_space<vmem>>) target(%dma_start3A_573 : memref<10000x128xf32, #tpu.memory_space<vmem_shared>>) offsets(%dma_start3A_570 : memref<64xi32, #tpu.memory_space<vmem>>) semaphore(%arg20 : memref<!tpu.dma_semaphore, #tpu.memory_space<semaphore_mem>>) {add = true}
        %mul3A_574 = arith.constant 160000 : i32
        %mul3A_575 = arith.muli %arg0, %mul3A_574 : i32
        %add3A_576 = arith.addi %mul3A_575, %mul3A_30 : i32
        %add3A_577 = arith.constant 128 : i32
        %add3A_578 = arith.addi %add3A_576, %add3A_577 : i32
        %dma_start3A_579 = arith.constant 0 : i32
        %dma_start3A_580 = tpu.memref_slice %arg4[%add3A_578, %dma_start3A_579] : memref<320000x128xf32, #tpu.memory_space<hbm>> -> memref<64x128xf32, #tpu.memory_space<hbm>>
        %dma_start3A_581 = arith.constant 0 : i32
        %dma_start3A_582 = tpu.memref_slice %arg4[%add3A_578, %dma_start3A_581] : memref<320000x128xf32, #tpu.memory_space<hbm>> -> memref<64x128xf32, #tpu.memory_space<hbm>>
        tpu.enqueue_dma source(%dma_start3A_582 : memref<64x128xf32, #tpu.memory_space<hbm>>) target(%arg16 : memref<64x128xf32, #tpu.memory_space<vmem>>) target_semaphore(%arg19 : memref<!tpu.dma_semaphore, #tpu.memory_space<semaphore_mem>>)
        %dma_wait3A_583 = arith.constant 2 : i32
        %dma_wait3A_584 = arith.constant 0 : i32
        %dma_wait3A_585 = tpu.memref_slice %arg9[%dma_wait3A_583, %dma_wait3A_584] : memref<4x64xi32, #tpu.memory_space<vmem>> -> memref<1x64xi32, #tpu.memory_space<vmem>>
        %dma_wait3A_586 = tpu.memref_squeeze %dma_wait3A_585 : memref<1x64xi32, #tpu.memory_space<vmem>> -> memref<64xi32, #tpu.memory_space<vmem>>
        %dma_wait3A_587 = arith.constant 0 : i32
        %dma_wait3A_588 = arith.constant 0 : i32
        %dma_wait3A_589 = tpu.memref_slice %arg2[%dma_wait3A_587, %dma_wait3A_588] : memref<20000x128xf32, #tpu.memory_space<hbm>> -> memref<20000x128xf32, #tpu.memory_space<hbm>>
        tpu.wait_indirect_dma semaphore(%arg18 : memref<!tpu.dma_semaphore, #tpu.memory_space<semaphore_mem>>) src(%dma_wait3A_589 : memref<20000x128xf32, #tpu.memory_space<hbm>>) dst(%arg12 : memref<64x128xf32, #tpu.memory_space<vmem>>)
        %dma_wait3A_590 = arith.constant 2 : i32
        %dma_wait3A_591 = arith.constant 0 : i32
        %dma_wait3A_592 = tpu.memref_slice %arg11[%dma_wait3A_590, %dma_wait3A_591] : memref<4x64xi32, #tpu.memory_space<vmem>> -> memref<1x64xi32, #tpu.memory_space<vmem>>
        %dma_wait3A_593 = tpu.memref_squeeze %dma_wait3A_592 : memref<1x64xi32, #tpu.memory_space<vmem>> -> memref<64xi32, #tpu.memory_space<vmem>>
        %dma_wait3A_594 = arith.constant 0 : i32
        %dma_wait3A_595 = arith.constant 0 : i32
        %dma_wait3A_596 = tpu.memref_slice %arg3[%dma_wait3A_594, %dma_wait3A_595] : memref<20000x128xf32, #tpu.memory_space<hbm>> -> memref<20000x128xf32, #tpu.memory_space<hbm>>
        tpu.wait_indirect_dma semaphore(%arg18 : memref<!tpu.dma_semaphore, #tpu.memory_space<semaphore_mem>>) src(%dma_wait3A_596 : memref<20000x128xf32, #tpu.memory_space<hbm>>) dst(%arg14 : memref<64x128xf32, #tpu.memory_space<vmem>>)
        %dma_wait3A_597 = arith.constant 1 : i32
        %dma_wait3A_598 = arith.constant 0 : i32
        %dma_wait3A_599 = tpu.memref_slice %arg10[%dma_wait3A_597, %dma_wait3A_598] : memref<4x64xi32, #tpu.memory_space<vmem>> -> memref<1x64xi32, #tpu.memory_space<vmem>>
        %dma_wait3A_600 = tpu.memref_squeeze %dma_wait3A_599 : memref<1x64xi32, #tpu.memory_space<vmem>> -> memref<64xi32, #tpu.memory_space<vmem>>
        %dma_wait3A_601 = arith.constant 0 : i32
        %dma_wait3A_602 = arith.constant 0 : i32
        %dma_wait3A_603 = tpu.memref_slice %arg17[%dma_wait3A_601, %dma_wait3A_602] : memref<10000x128xf32, #tpu.memory_space<vmem_shared>> -> memref<10000x128xf32, #tpu.memory_space<vmem_shared>>
        tpu.wait_indirect_dma semaphore(%arg20 : memref<!tpu.dma_semaphore, #tpu.memory_space<semaphore_mem>>) src(%arg13 : memref<64x128xf32, #tpu.memory_space<vmem>>) dst(%dma_wait3A_603 : memref<10000x128xf32, #tpu.memory_space<vmem_shared>>)
        %dma_start3A_604 = arith.constant 3 : i32
        %dma_start3A_605 = arith.constant 0 : i32
        %dma_start3A_606 = tpu.memref_slice %arg9[%dma_start3A_604, %dma_start3A_605] : memref<4x64xi32, #tpu.memory_space<vmem>> -> memref<1x64xi32, #tpu.memory_space<vmem>>
        %dma_start3A_607 = tpu.memref_squeeze %dma_start3A_606 : memref<1x64xi32, #tpu.memory_space<vmem>> -> memref<64xi32, #tpu.memory_space<vmem>>
        %dma_start3A_608 = arith.constant 0 : i32
        %dma_start3A_609 = arith.constant 0 : i32
        %dma_start3A_610 = tpu.memref_slice %arg2[%dma_start3A_608, %dma_start3A_609] : memref<20000x128xf32, #tpu.memory_space<hbm>> -> memref<20000x128xf32, #tpu.memory_space<hbm>>
        tpu.enqueue_indirect_dma source(%dma_start3A_610 : memref<20000x128xf32, #tpu.memory_space<hbm>>) target(%arg13 : memref<64x128xf32, #tpu.memory_space<vmem>>) offsets(%dma_start3A_607 : memref<64xi32, #tpu.memory_space<vmem>>) semaphore(%arg18 : memref<!tpu.dma_semaphore, #tpu.memory_space<semaphore_mem>>)
        %dma_start3A_611 = arith.constant 3 : i32
        %dma_start3A_612 = arith.constant 0 : i32
        %dma_start3A_613 = tpu.memref_slice %arg11[%dma_start3A_611, %dma_start3A_612] : memref<4x64xi32, #tpu.memory_space<vmem>> -> memref<1x64xi32, #tpu.memory_space<vmem>>
        %dma_start3A_614 = tpu.memref_squeeze %dma_start3A_613 : memref<1x64xi32, #tpu.memory_space<vmem>> -> memref<64xi32, #tpu.memory_space<vmem>>
        %dma_start3A_615 = arith.constant 0 : i32
        %dma_start3A_616 = arith.constant 0 : i32
        %dma_start3A_617 = tpu.memref_slice %arg3[%dma_start3A_615, %dma_start3A_616] : memref<20000x128xf32, #tpu.memory_space<hbm>> -> memref<20000x128xf32, #tpu.memory_space<hbm>>
        tpu.enqueue_indirect_dma source(%dma_start3A_617 : memref<20000x128xf32, #tpu.memory_space<hbm>>) target(%arg15 : memref<64x128xf32, #tpu.memory_space<vmem>>) offsets(%dma_start3A_614 : memref<64xi32, #tpu.memory_space<vmem>>) semaphore(%arg18 : memref<!tpu.dma_semaphore, #tpu.memory_space<semaphore_mem>>)
        %dma_wait3A_618 = arith.constant 0 : i32
        %dma_wait3A_619 = tpu.memref_slice %arg4[%add3A_578, %dma_wait3A_618] : memref<320000x128xf32, #tpu.memory_space<hbm>> -> memref<64x128xf32, #tpu.memory_space<hbm>>
        %dma_wait3A_620 = arith.constant 0 : i32
        %dma_wait3A_621 = tpu.memref_slice %arg4[%add3A_578, %dma_wait3A_620] : memref<320000x128xf32, #tpu.memory_space<hbm>> -> memref<64x128xf32, #tpu.memory_space<hbm>>
        tpu.wait_dma2 semaphore(%arg19 : memref<!tpu.dma_semaphore, #tpu.memory_space<semaphore_mem>>) src(%dma_wait3A_621 : memref<64x128xf32, #tpu.memory_space<hbm>>) dst(%arg16 : memref<64x128xf32, #tpu.memory_space<vmem>>)
        %scan3A_622 = arith.constant 0 : i32
        %scan3A_623 = arith.constant 0 : i32
        %scan3A_624 = arith.constant 64 : i32
        %scan3A_625 = arith.addi %scan3A_623, %scan3A_624 : i32
        %scan3A_626 = arith.constant 1 : i32
        %scan3A_627 = scf.for %scan3A_691 = %scan3A_623 to %scan3A_625 step %scan3A_626 iter_args(%scan3A_692 = %scan3A_622) -> (i32)  : i32 {
          %get3A_693 = arith.index_cast %scan3A_691 : i32 to index
          %get3A_694 = arith.constant 0 : index
          %get3A_695 = tpu.vector_load %arg12[%get3A_693, %get3A_694] {strides = array<i32>} : memref<64x128xf32, #tpu.memory_space<vmem>>, vector<1x16xf32>,
          %get3A_696 = vector.shape_cast %get3A_695 : vector<1x16xf32> to vector<16xf32>
          %get3A_697 = arith.index_cast %scan3A_691 : i32 to index
          %get3A_698 = arith.constant 0 : index
          %get3A_699 = tpu.vector_load %arg14[%get3A_697, %get3A_698] {strides = array<i32>} : memref<64x128xf32, #tpu.memory_space<vmem>>, vector<1x16xf32>,
          %get3A_700 = vector.shape_cast %get3A_699 : vector<1x16xf32> to vector<16xf32>
          %add3A_701 = arith.addf %get3A_696, %get3A_700 : vector<16xf32>
          %get3A_702 = arith.index_cast %scan3A_691 : i32 to index
          %get3A_703 = arith.constant 0 : index
          %get3A_704 = tpu.vector_load %arg16[%get3A_702, %get3A_703] {strides = array<i32>} : memref<64x128xf32, #tpu.memory_space<vmem>>, vector<1x16xf32>,
          %get3A_705 = vector.shape_cast %get3A_704 : vector<1x16xf32> to vector<16xf32>
          %add3A_706 = arith.addf %add3A_701, %get3A_705 : vector<16xf32>
          %neg3A = arith.constant 0.000000e+00 : f32
          %neg3A_707 = vector.broadcast %neg3A : f32 to vector<16xf32>
          %neg3A_708 = arith.subf %neg3A_707, %add3A_706 : vector<16xf32>
          %exp3A = math.exp %neg3A_708 : vector<16xf32>
          %add3A_709 = arith.constant 1.000000e+00 : f32
          %add3A_710 = vector.broadcast %add3A_709 : f32 to vector<16xf32>
          %add3A_711 = arith.addf %add3A_710, %exp3A : vector<16xf32>
          %div3A = arith.divf %add3A_706, %add3A_711 : vector<16xf32>
          %swap3A_712 = arith.index_cast %scan3A_691 : i32 to index
          %swap3A_713 = arith.constant 0 : index
          %swap3A_714 = tpu.vector_load %arg12[%swap3A_712, %swap3A_713] {strides = array<i32>} : memref<64x128xf32, #tpu.memory_space<vmem>>, vector<1x16xf32>,
          %swap3A_715 = vector.shape_cast %swap3A_714 : vector<1x16xf32> to vector<16xf32>
          %swap3A_716 = vector.shape_cast %div3A : vector<16xf32> to vector<1x16xf32>
          tpu.vector_store %arg12[%swap3A_712, %swap3A_713], %swap3A_716 {strides = array<i32>} : memref<64x128xf32, #tpu.memory_space<vmem>>, vector<1x16xf32>,
          %get3A_717 = arith.index_cast %scan3A_691 : i32 to index
          %get3A_718 = arith.constant 16 : index
          %get3A_719 = tpu.vector_load %arg12[%get3A_717, %get3A_718] {strides = array<i32>} : memref<64x128xf32, #tpu.memory_space<vmem>>, vector<1x16xf32>,
          %get3A_720 = vector.shape_cast %get3A_719 : vector<1x16xf32> to vector<16xf32>
          %get3A_721 = arith.index_cast %scan3A_691 : i32 to index
          %get3A_722 = arith.constant 16 : index
          %get3A_723 = tpu.vector_load %arg14[%get3A_721, %get3A_722] {strides = array<i32>} : memref<64x128xf32, #tpu.memory_space<vmem>>, vector<1x16xf32>,
          %get3A_724 = vector.shape_cast %get3A_723 : vector<1x16xf32> to vector<16xf32>
          %add3A_725 = arith.addf %get3A_720, %get3A_724 : vector<16xf32>
          %get3A_726 = arith.index_cast %scan3A_691 : i32 to index
          %get3A_727 = arith.constant 16 : index
          %get3A_728 = tpu.vector_load %arg16[%get3A_726, %get3A_727] {strides = array<i32>} : memref<64x128xf32, #tpu.memory_space<vmem>>, vector<1x16xf32>,
          %get3A_729 = vector.shape_cast %get3A_728 : vector<1x16xf32> to vector<16xf32>
          %add3A_730 = arith.addf %add3A_725, %get3A_729 : vector<16xf32>
          %neg3A_731 = arith.constant 0.000000e+00 : f32
          %neg3A_732 = vector.broadcast %neg3A_731 : f32 to vector<16xf32>
          %neg3A_733 = arith.subf %neg3A_732, %add3A_730 : vector<16xf32>
          %exp3A_734 = math.exp %neg3A_733 : vector<16xf32>
          %add3A_735 = arith.constant 1.000000e+00 : f32
          %add3A_736 = vector.broadcast %add3A_735 : f32 to vector<16xf32>
          %add3A_737 = arith.addf %add3A_736, %exp3A_734 : vector<16xf32>
          %div3A_738 = arith.divf %add3A_730, %add3A_737 : vector<16xf32>
          %swap3A_739 = arith.index_cast %scan3A_691 : i32 to index
          %swap3A_740 = arith.constant 16 : index
          %swap3A_741 = tpu.vector_load %arg12[%swap3A_739, %swap3A_740] {strides = array<i32>} : memref<64x128xf32, #tpu.memory_space<vmem>>, vector<1x16xf32>,
          %swap3A_742 = vector.shape_cast %swap3A_741 : vector<1x16xf32> to vector<16xf32>
          %swap3A_743 = vector.shape_cast %div3A_738 : vector<16xf32> to vector<1x16xf32>
          tpu.vector_store %arg12[%swap3A_739, %swap3A_740], %swap3A_743 {strides = array<i32>} : memref<64x128xf32, #tpu.memory_space<vmem>>, vector<1x16xf32>,
          %get3A_744 = arith.index_cast %scan3A_691 : i32 to index
          %get3A_745 = arith.constant 32 : index
          %get3A_746 = tpu.vector_load %arg12[%get3A_744, %get3A_745] {strides = array<i32>} : memref<64x128xf32, #tpu.memory_space<vmem>>, vector<1x16xf32>,
          %get3A_747 = vector.shape_cast %get3A_746 : vector<1x16xf32> to vector<16xf32>
          %get3A_748 = arith.index_cast %scan3A_691 : i32 to index
          %get3A_749 = arith.constant 32 : index
          %get3A_750 = tpu.vector_load %arg14[%get3A_748, %get3A_749] {strides = array<i32>} : memref<64x128xf32, #tpu.memory_space<vmem>>, vector<1x16xf32>,
          %get3A_751 = vector.shape_cast %get3A_750 : vector<1x16xf32> to vector<16xf32>
          %add3A_752 = arith.addf %get3A_747, %get3A_751 : vector<16xf32>
          %get3A_753 = arith.index_cast %scan3A_691 : i32 to index
          %get3A_754 = arith.constant 32 : index
          %get3A_755 = tpu.vector_load %arg16[%get3A_753, %get3A_754] {strides = array<i32>} : memref<64x128xf32, #tpu.memory_space<vmem>>, vector<1x16xf32>,
          %get3A_756 = vector.shape_cast %get3A_755 : vector<1x16xf32> to vector<16xf32>
          %add3A_757 = arith.addf %add3A_752, %get3A_756 : vector<16xf32>
          %neg3A_758 = arith.constant 0.000000e+00 : f32
          %neg3A_759 = vector.broadcast %neg3A_758 : f32 to vector<16xf32>
          %neg3A_760 = arith.subf %neg3A_759, %add3A_757 : vector<16xf32>
          %exp3A_761 = math.exp %neg3A_760 : vector<16xf32>
          %add3A_762 = arith.constant 1.000000e+00 : f32
          %add3A_763 = vector.broadcast %add3A_762 : f32 to vector<16xf32>
          %add3A_764 = arith.addf %add3A_763, %exp3A_761 : vector<16xf32>
          %div3A_765 = arith.divf %add3A_757, %add3A_764 : vector<16xf32>
          %swap3A_766 = arith.index_cast %scan3A_691 : i32 to index
          %swap3A_767 = arith.constant 32 : index
          %swap3A_768 = tpu.vector_load %arg12[%swap3A_766, %swap3A_767] {strides = array<i32>} : memref<64x128xf32, #tpu.memory_space<vmem>>, vector<1x16xf32>,
          %swap3A_769 = vector.shape_cast %swap3A_768 : vector<1x16xf32> to vector<16xf32>
          %swap3A_770 = vector.shape_cast %div3A_765 : vector<16xf32> to vector<1x16xf32>
          tpu.vector_store %arg12[%swap3A_766, %swap3A_767], %swap3A_770 {strides = array<i32>} : memref<64x128xf32, #tpu.memory_space<vmem>>, vector<1x16xf32>,
          %get3A_771 = arith.index_cast %scan3A_691 : i32 to index
          %get3A_772 = arith.constant 48 : index
          %get3A_773 = tpu.vector_load %arg12[%get3A_771, %get3A_772] {strides = array<i32>} : memref<64x128xf32, #tpu.memory_space<vmem>>, vector<1x16xf32>,
          %get3A_774 = vector.shape_cast %get3A_773 : vector<1x16xf32> to vector<16xf32>
          %get3A_775 = arith.index_cast %scan3A_691 : i32 to index
          %get3A_776 = arith.constant 48 : index
          %get3A_777 = tpu.vector_load %arg14[%get3A_775, %get3A_776] {strides = array<i32>} : memref<64x128xf32, #tpu.memory_space<vmem>>, vector<1x16xf32>,
          %get3A_778 = vector.shape_cast %get3A_777 : vector<1x16xf32> to vector<16xf32>
          %add3A_779 = arith.addf %get3A_774, %get3A_778 : vector<16xf32>
          %get3A_780 = arith.index_cast %scan3A_691 : i32 to index
          %get3A_781 = arith.constant 48 : index
          %get3A_782 = tpu.vector_load %arg16[%get3A_780, %get3A_781] {strides = array<i32>} : memref<64x128xf32, #tpu.memory_space<vmem>>, vector<1x16xf32>,
          %get3A_783 = vector.shape_cast %get3A_782 : vector<1x16xf32> to vector<16xf32>
          %add3A_784 = arith.addf %add3A_779, %get3A_783 : vector<16xf32>
          %neg3A_785 = arith.constant 0.000000e+00 : f32
          %neg3A_786 = vector.broadcast %neg3A_785 : f32 to vector<16xf32>
          %neg3A_787 = arith.subf %neg3A_786, %add3A_784 : vector<16xf32>
          %exp3A_788 = math.exp %neg3A_787 : vector<16xf32>
          %add3A_789 = arith.constant 1.000000e+00 : f32
          %add3A_790 = vector.broadcast %add3A_789 : f32 to vector<16xf32>
          %add3A_791 = arith.addf %add3A_790, %exp3A_788 : vector<16xf32>
          %div3A_792 = arith.divf %add3A_784, %add3A_791 : vector<16xf32>
          %swap3A_793 = arith.index_cast %scan3A_691 : i32 to index
          %swap3A_794 = arith.constant 48 : index
          %swap3A_795 = tpu.vector_load %arg12[%swap3A_793, %swap3A_794] {strides = array<i32>} : memref<64x128xf32, #tpu.memory_space<vmem>>, vector<1x16xf32>,
          %swap3A_796 = vector.shape_cast %swap3A_795 : vector<1x16xf32> to vector<16xf32>
          %swap3A_797 = vector.shape_cast %div3A_792 : vector<16xf32> to vector<1x16xf32>
          tpu.vector_store %arg12[%swap3A_793, %swap3A_794], %swap3A_797 {strides = array<i32>} : memref<64x128xf32, #tpu.memory_space<vmem>>, vector<1x16xf32>,
          %get3A_798 = arith.index_cast %scan3A_691 : i32 to index
          %get3A_799 = arith.constant 64 : index
          %get3A_800 = tpu.vector_load %arg12[%get3A_798, %get3A_799] {strides = array<i32>} : memref<64x128xf32, #tpu.memory_space<vmem>>, vector<1x16xf32>,
          %get3A_801 = vector.shape_cast %get3A_800 : vector<1x16xf32> to vector<16xf32>
          %get3A_802 = arith.index_cast %scan3A_691 : i32 to index
          %get3A_803 = arith.constant 64 : index
          %get3A_804 = tpu.vector_load %arg14[%get3A_802, %get3A_803] {strides = array<i32>} : memref<64x128xf32, #tpu.memory_space<vmem>>, vector<1x16xf32>,
          %get3A_805 = vector.shape_cast %get3A_804 : vector<1x16xf32> to vector<16xf32>
          %add3A_806 = arith.addf %get3A_801, %get3A_805 : vector<16xf32>
          %get3A_807 = arith.index_cast %scan3A_691 : i32 to index
          %get3A_808 = arith.constant 64 : index
          %get3A_809 = tpu.vector_load %arg16[%get3A_807, %get3A_808] {strides = array<i32>} : memref<64x128xf32, #tpu.memory_space<vmem>>, vector<1x16xf32>,
          %get3A_810 = vector.shape_cast %get3A_809 : vector<1x16xf32> to vector<16xf32>
          %add3A_811 = arith.addf %add3A_806, %get3A_810 : vector<16xf32>
          %neg3A_812 = arith.constant 0.000000e+00 : f32
          %neg3A_813 = vector.broadcast %neg3A_812 : f32 to vector<16xf32>
          %neg3A_814 = arith.subf %neg3A_813, %add3A_811 : vector<16xf32>
          %exp3A_815 = math.exp %neg3A_814 : vector<16xf32>
          %add3A_816 = arith.constant 1.000000e+00 : f32
          %add3A_817 = vector.broadcast %add3A_816 : f32 to vector<16xf32>
          %add3A_818 = arith.addf %add3A_817, %exp3A_815 : vector<16xf32>
          %div3A_819 = arith.divf %add3A_811, %add3A_818 : vector<16xf32>
          %swap3A_820 = arith.index_cast %scan3A_691 : i32 to index
          %swap3A_821 = arith.constant 64 : index
          %swap3A_822 = tpu.vector_load %arg12[%swap3A_820, %swap3A_821] {strides = array<i32>} : memref<64x128xf32, #tpu.memory_space<vmem>>, vector<1x16xf32>,
          %swap3A_823 = vector.shape_cast %swap3A_822 : vector<1x16xf32> to vector<16xf32>
          %swap3A_824 = vector.shape_cast %div3A_819 : vector<16xf32> to vector<1x16xf32>
          tpu.vector_store %arg12[%swap3A_820, %swap3A_821], %swap3A_824 {strides = array<i32>} : memref<64x128xf32, #tpu.memory_space<vmem>>, vector<1x16xf32>,
          %get3A_825 = arith.index_cast %scan3A_691 : i32 to index
          %get3A_826 = arith.constant 80 : index
          %get3A_827 = tpu.vector_load %arg12[%get3A_825, %get3A_826] {strides = array<i32>} : memref<64x128xf32, #tpu.memory_space<vmem>>, vector<1x16xf32>,
          %get3A_828 = vector.shape_cast %get3A_827 : vector<1x16xf32> to vector<16xf32>
          %get3A_829 = arith.index_cast %scan3A_691 : i32 to index
          %get3A_830 = arith.constant 80 : index
          %get3A_831 = tpu.vector_load %arg14[%get3A_829, %get3A_830] {strides = array<i32>} : memref<64x128xf32, #tpu.memory_space<vmem>>, vector<1x16xf32>,
          %get3A_832 = vector.shape_cast %get3A_831 : vector<1x16xf32> to vector<16xf32>
          %add3A_833 = arith.addf %get3A_828, %get3A_832 : vector<16xf32>
          %get3A_834 = arith.index_cast %scan3A_691 : i32 to index
          %get3A_835 = arith.constant 80 : index
          %get3A_836 = tpu.vector_load %arg16[%get3A_834, %get3A_835] {strides = array<i32>} : memref<64x128xf32, #tpu.memory_space<vmem>>, vector<1x16xf32>,
          %get3A_837 = vector.shape_cast %get3A_836 : vector<1x16xf32> to vector<16xf32>
          %add3A_838 = arith.addf %add3A_833, %get3A_837 : vector<16xf32>
          %neg3A_839 = arith.constant 0.000000e+00 : f32
          %neg3A_840 = vector.broadcast %neg3A_839 : f32 to vector<16xf32>
          %neg3A_841 = arith.subf %neg3A_840, %add3A_838 : vector<16xf32>
          %exp3A_842 = math.exp %neg3A_841 : vector<16xf32>
          %add3A_843 = arith.constant 1.000000e+00 : f32
          %add3A_844 = vector.broadcast %add3A_843 : f32 to vector<16xf32>
          %add3A_845 = arith.addf %add3A_844, %exp3A_842 : vector<16xf32>
          %div3A_846 = arith.divf %add3A_838, %add3A_845 : vector<16xf32>
          %swap3A_847 = arith.index_cast %scan3A_691 : i32 to index
          %swap3A_848 = arith.constant 80 : index
          %swap3A_849 = tpu.vector_load %arg12[%swap3A_847, %swap3A_848] {strides = array<i32>} : memref<64x128xf32, #tpu.memory_space<vmem>>, vector<1x16xf32>,
          %swap3A_850 = vector.shape_cast %swap3A_849 : vector<1x16xf32> to vector<16xf32>
          %swap3A_851 = vector.shape_cast %div3A_846 : vector<16xf32> to vector<1x16xf32>
          tpu.vector_store %arg12[%swap3A_847, %swap3A_848], %swap3A_851 {strides = array<i32>} : memref<64x128xf32, #tpu.memory_space<vmem>>, vector<1x16xf32>,
          %get3A_852 = arith.index_cast %scan3A_691 : i32 to index
          %get3A_853 = arith.constant 96 : index
          %get3A_854 = tpu.vector_load %arg12[%get3A_852, %get3A_853] {strides = array<i32>} : memref<64x128xf32, #tpu.memory_space<vmem>>, vector<1x16xf32>,
          %get3A_855 = vector.shape_cast %get3A_854 : vector<1x16xf32> to vector<16xf32>
          %get3A_856 = arith.index_cast %scan3A_691 : i32 to index
          %get3A_857 = arith.constant 96 : index
          %get3A_858 = tpu.vector_load %arg14[%get3A_856, %get3A_857] {strides = array<i32>} : memref<64x128xf32, #tpu.memory_space<vmem>>, vector<1x16xf32>,
          %get3A_859 = vector.shape_cast %get3A_858 : vector<1x16xf32> to vector<16xf32>
          %add3A_860 = arith.addf %get3A_855, %get3A_859 : vector<16xf32>
          %get3A_861 = arith.index_cast %scan3A_691 : i32 to index
          %get3A_862 = arith.constant 96 : index
          %get3A_863 = tpu.vector_load %arg16[%get3A_861, %get3A_862] {strides = array<i32>} : memref<64x128xf32, #tpu.memory_space<vmem>>, vector<1x16xf32>,
          %get3A_864 = vector.shape_cast %get3A_863 : vector<1x16xf32> to vector<16xf32>
          %add3A_865 = arith.addf %add3A_860, %get3A_864 : vector<16xf32>
          %neg3A_866 = arith.constant 0.000000e+00 : f32
          %neg3A_867 = vector.broadcast %neg3A_866 : f32 to vector<16xf32>
          %neg3A_868 = arith.subf %neg3A_867, %add3A_865 : vector<16xf32>
          %exp3A_869 = math.exp %neg3A_868 : vector<16xf32>
          %add3A_870 = arith.constant 1.000000e+00 : f32
          %add3A_871 = vector.broadcast %add3A_870 : f32 to vector<16xf32>
          %add3A_872 = arith.addf %add3A_871, %exp3A_869 : vector<16xf32>
          %div3A_873 = arith.divf %add3A_865, %add3A_872 : vector<16xf32>
          %swap3A_874 = arith.index_cast %scan3A_691 : i32 to index
          %swap3A_875 = arith.constant 96 : index
          %swap3A_876 = tpu.vector_load %arg12[%swap3A_874, %swap3A_875] {strides = array<i32>} : memref<64x128xf32, #tpu.memory_space<vmem>>, vector<1x16xf32>,
          %swap3A_877 = vector.shape_cast %swap3A_876 : vector<1x16xf32> to vector<16xf32>
          %swap3A_878 = vector.shape_cast %div3A_873 : vector<16xf32> to vector<1x16xf32>
          tpu.vector_store %arg12[%swap3A_874, %swap3A_875], %swap3A_878 {strides = array<i32>} : memref<64x128xf32, #tpu.memory_space<vmem>>, vector<1x16xf32>,
          %get3A_879 = arith.index_cast %scan3A_691 : i32 to index
          %get3A_880 = arith.constant 112 : index
          %get3A_881 = tpu.vector_load %arg12[%get3A_879, %get3A_880] {strides = array<i32>} : memref<64x128xf32, #tpu.memory_space<vmem>>, vector<1x16xf32>,
          %get3A_882 = vector.shape_cast %get3A_881 : vector<1x16xf32> to vector<16xf32>
          %get3A_883 = arith.index_cast %scan3A_691 : i32 to index
          %get3A_884 = arith.constant 112 : index
          %get3A_885 = tpu.vector_load %arg14[%get3A_883, %get3A_884] {strides = array<i32>} : memref<64x128xf32, #tpu.memory_space<vmem>>, vector<1x16xf32>,
          %get3A_886 = vector.shape_cast %get3A_885 : vector<1x16xf32> to vector<16xf32>
          %add3A_887 = arith.addf %get3A_882, %get3A_886 : vector<16xf32>
          %get3A_888 = arith.index_cast %scan3A_691 : i32 to index
          %get3A_889 = arith.constant 112 : index
          %get3A_890 = tpu.vector_load %arg16[%get3A_888, %get3A_889] {strides = array<i32>} : memref<64x128xf32, #tpu.memory_space<vmem>>, vector<1x16xf32>,
          %get3A_891 = vector.shape_cast %get3A_890 : vector<1x16xf32> to vector<16xf32>
          %add3A_892 = arith.addf %add3A_887, %get3A_891 : vector<16xf32>
          %neg3A_893 = arith.constant 0.000000e+00 : f32
          %neg3A_894 = vector.broadcast %neg3A_893 : f32 to vector<16xf32>
          %neg3A_895 = arith.subf %neg3A_894, %add3A_892 : vector<16xf32>
          %exp3A_896 = math.exp %neg3A_895 : vector<16xf32>
          %add3A_897 = arith.constant 1.000000e+00 : f32
          %add3A_898 = vector.broadcast %add3A_897 : f32 to vector<16xf32>
          %add3A_899 = arith.addf %add3A_898, %exp3A_896 : vector<16xf32>
          %div3A_900 = arith.divf %add3A_892, %add3A_899 : vector<16xf32>
          %swap3A_901 = arith.index_cast %scan3A_691 : i32 to index
          %swap3A_902 = arith.constant 112 : index
          %swap3A_903 = tpu.vector_load %arg12[%swap3A_901, %swap3A_902] {strides = array<i32>} : memref<64x128xf32, #tpu.memory_space<vmem>>, vector<1x16xf32>,
          %swap3A_904 = vector.shape_cast %swap3A_903 : vector<1x16xf32> to vector<16xf32>
          %swap3A_905 = vector.shape_cast %div3A_900 : vector<16xf32> to vector<1x16xf32>
          tpu.vector_store %arg12[%swap3A_901, %swap3A_902], %swap3A_905 {strides = array<i32>} : memref<64x128xf32, #tpu.memory_space<vmem>>, vector<1x16xf32>,
          %scan3A_906 = arith.constant 0 : i32
          scf.yield %scan3A_906 : i32
        }
        %scan3A_628 = arith.constant 64 : i32
        %dma_start3A_629 = arith.constant 2 : i32
        %dma_start3A_630 = arith.constant 0 : i32
        %dma_start3A_631 = tpu.memref_slice %arg10[%dma_start3A_629, %dma_start3A_630] : memref<4x64xi32, #tpu.memory_space<vmem>> -> memref<1x64xi32, #tpu.memory_space<vmem>>
        %dma_start3A_632 = tpu.memref_squeeze %dma_start3A_631 : memref<1x64xi32, #tpu.memory_space<vmem>> -> memref<64xi32, #tpu.memory_space<vmem>>
        %dma_start3A_633 = arith.constant 0 : i32
        %dma_start3A_634 = arith.constant 0 : i32
        %dma_start3A_635 = tpu.memref_slice %arg17[%dma_start3A_633, %dma_start3A_634] : memref<10000x128xf32, #tpu.memory_space<vmem_shared>> -> memref<10000x128xf32, #tpu.memory_space<vmem_shared>>
        tpu.enqueue_indirect_dma source(%arg12 : memref<64x128xf32, #tpu.memory_space<vmem>>) target(%dma_start3A_635 : memref<10000x128xf32, #tpu.memory_space<vmem_shared>>) offsets(%dma_start3A_632 : memref<64xi32, #tpu.memory_space<vmem>>) semaphore(%arg20 : memref<!tpu.dma_semaphore, #tpu.memory_space<semaphore_mem>>) {add = true}
        %mul3A_636 = arith.constant 160000 : i32
        %mul3A_637 = arith.muli %arg0, %mul3A_636 : i32
        %add3A_638 = arith.addi %mul3A_637, %mul3A_30 : i32
        %add3A_639 = arith.constant 192 : i32
        %add3A_640 = arith.addi %add3A_638, %add3A_639 : i32
        %dma_start3A_641 = arith.constant 0 : i32
        %dma_start3A_642 = tpu.memref_slice %arg4[%add3A_640, %dma_start3A_641] : memref<320000x128xf32, #tpu.memory_space<hbm>> -> memref<64x128xf32, #tpu.memory_space<hbm>>
        %dma_start3A_643 = arith.constant 0 : i32
        %dma_start3A_644 = tpu.memref_slice %arg4[%add3A_640, %dma_start3A_643] : memref<320000x128xf32, #tpu.memory_space<hbm>> -> memref<64x128xf32, #tpu.memory_space<hbm>>
        tpu.enqueue_dma source(%dma_start3A_644 : memref<64x128xf32, #tpu.memory_space<hbm>>) target(%arg16 : memref<64x128xf32, #tpu.memory_space<vmem>>) target_semaphore(%arg19 : memref<!tpu.dma_semaphore, #tpu.memory_space<semaphore_mem>>)
        %dma_wait3A_645 = arith.constant 3 : i32
        %dma_wait3A_646 = arith.constant 0 : i32
        %dma_wait3A_647 = tpu.memref_slice %arg9[%dma_wait3A_645, %dma_wait3A_646] : memref<4x64xi32, #tpu.memory_space<vmem>> -> memref<1x64xi32, #tpu.memory_space<vmem>>
        %dma_wait3A_648 = tpu.memref_squeeze %dma_wait3A_647 : memref<1x64xi32, #tpu.memory_space<vmem>> -> memref<64xi32, #tpu.memory_space<vmem>>
        %dma_wait3A_649 = arith.constant 0 : i32
        %dma_wait3A_650 = arith.constant 0 : i32
        %dma_wait3A_651 = tpu.memref_slice %arg2[%dma_wait3A_649, %dma_wait3A_650] : memref<20000x128xf32, #tpu.memory_space<hbm>> -> memref<20000x128xf32, #tpu.memory_space<hbm>>
        tpu.wait_indirect_dma semaphore(%arg18 : memref<!tpu.dma_semaphore, #tpu.memory_space<semaphore_mem>>) src(%dma_wait3A_651 : memref<20000x128xf32, #tpu.memory_space<hbm>>) dst(%arg13 : memref<64x128xf32, #tpu.memory_space<vmem>>)
        %dma_wait3A_652 = arith.constant 3 : i32
        %dma_wait3A_653 = arith.constant 0 : i32
        %dma_wait3A_654 = tpu.memref_slice %arg11[%dma_wait3A_652, %dma_wait3A_653] : memref<4x64xi32, #tpu.memory_space<vmem>> -> memref<1x64xi32, #tpu.memory_space<vmem>>
        %dma_wait3A_655 = tpu.memref_squeeze %dma_wait3A_654 : memref<1x64xi32, #tpu.memory_space<vmem>> -> memref<64xi32, #tpu.memory_space<vmem>>
        %dma_wait3A_656 = arith.constant 0 : i32
        %dma_wait3A_657 = arith.constant 0 : i32
        %dma_wait3A_658 = tpu.memref_slice %arg3[%dma_wait3A_656, %dma_wait3A_657] : memref<20000x128xf32, #tpu.memory_space<hbm>> -> memref<20000x128xf32, #tpu.memory_space<hbm>>
        tpu.wait_indirect_dma semaphore(%arg18 : memref<!tpu.dma_semaphore, #tpu.memory_space<semaphore_mem>>) src(%dma_wait3A_658 : memref<20000x128xf32, #tpu.memory_space<hbm>>) dst(%arg15 : memref<64x128xf32, #tpu.memory_space<vmem>>)
        %dma_wait3A_659 = arith.constant 0 : i32
        %dma_wait3A_660 = tpu.memref_slice %arg4[%add3A_640, %dma_wait3A_659] : memref<320000x128xf32, #tpu.memory_space<hbm>> -> memref<64x128xf32, #tpu.memory_space<hbm>>
        %dma_wait3A_661 = arith.constant 0 : i32
        %dma_wait3A_662 = tpu.memref_slice %arg4[%add3A_640, %dma_wait3A_661] : memref<320000x128xf32, #tpu.memory_space<hbm>> -> memref<64x128xf32, #tpu.memory_space<hbm>>
        tpu.wait_dma2 semaphore(%arg19 : memref<!tpu.dma_semaphore, #tpu.memory_space<semaphore_mem>>) src(%dma_wait3A_662 : memref<64x128xf32, #tpu.memory_space<hbm>>) dst(%arg16 : memref<64x128xf32, #tpu.memory_space<vmem>>)
        %scan3A_663 = arith.constant 0 : i32
        %scan3A_664 = arith.constant 0 : i32
        %scan3A_665 = arith.constant 64 : i32
        %scan3A_666 = arith.addi %scan3A_664, %scan3A_665 : i32
        %scan3A_667 = arith.constant 1 : i32
        %scan3A_668 = scf.for %scan3A_691 = %scan3A_664 to %scan3A_666 step %scan3A_667 iter_args(%scan3A_692 = %scan3A_663) -> (i32)  : i32 {
          %get3A_693 = arith.index_cast %scan3A_691 : i32 to index
          %get3A_694 = arith.constant 0 : index
          %get3A_695 = tpu.vector_load %arg13[%get3A_693, %get3A_694] {strides = array<i32>} : memref<64x128xf32, #tpu.memory_space<vmem>>, vector<1x16xf32>,
          %get3A_696 = vector.shape_cast %get3A_695 : vector<1x16xf32> to vector<16xf32>
          %get3A_697 = arith.index_cast %scan3A_691 : i32 to index
          %get3A_698 = arith.constant 0 : index
          %get3A_699 = tpu.vector_load %arg15[%get3A_697, %get3A_698] {strides = array<i32>} : memref<64x128xf32, #tpu.memory_space<vmem>>, vector<1x16xf32>,
          %get3A_700 = vector.shape_cast %get3A_699 : vector<1x16xf32> to vector<16xf32>
          %add3A_701 = arith.addf %get3A_696, %get3A_700 : vector<16xf32>
          %get3A_702 = arith.index_cast %scan3A_691 : i32 to index
          %get3A_703 = arith.constant 0 : index
          %get3A_704 = tpu.vector_load %arg16[%get3A_702, %get3A_703] {strides = array<i32>} : memref<64x128xf32, #tpu.memory_space<vmem>>, vector<1x16xf32>,
          %get3A_705 = vector.shape_cast %get3A_704 : vector<1x16xf32> to vector<16xf32>
          %add3A_706 = arith.addf %add3A_701, %get3A_705 : vector<16xf32>
          %neg3A = arith.constant 0.000000e+00 : f32
          %neg3A_707 = vector.broadcast %neg3A : f32 to vector<16xf32>
          %neg3A_708 = arith.subf %neg3A_707, %add3A_706 : vector<16xf32>
          %exp3A = math.exp %neg3A_708 : vector<16xf32>
          %add3A_709 = arith.constant 1.000000e+00 : f32
          %add3A_710 = vector.broadcast %add3A_709 : f32 to vector<16xf32>
          %add3A_711 = arith.addf %add3A_710, %exp3A : vector<16xf32>
          %div3A = arith.divf %add3A_706, %add3A_711 : vector<16xf32>
          %swap3A_712 = arith.index_cast %scan3A_691 : i32 to index
          %swap3A_713 = arith.constant 0 : index
          %swap3A_714 = tpu.vector_load %arg13[%swap3A_712, %swap3A_713] {strides = array<i32>} : memref<64x128xf32, #tpu.memory_space<vmem>>, vector<1x16xf32>,
          %swap3A_715 = vector.shape_cast %swap3A_714 : vector<1x16xf32> to vector<16xf32>
          %swap3A_716 = vector.shape_cast %div3A : vector<16xf32> to vector<1x16xf32>
          tpu.vector_store %arg13[%swap3A_712, %swap3A_713], %swap3A_716 {strides = array<i32>} : memref<64x128xf32, #tpu.memory_space<vmem>>, vector<1x16xf32>,
          %get3A_717 = arith.index_cast %scan3A_691 : i32 to index
          %get3A_718 = arith.constant 16 : index
          %get3A_719 = tpu.vector_load %arg13[%get3A_717, %get3A_718] {strides = array<i32>} : memref<64x128xf32, #tpu.memory_space<vmem>>, vector<1x16xf32>,
          %get3A_720 = vector.shape_cast %get3A_719 : vector<1x16xf32> to vector<16xf32>
          %get3A_721 = arith.index_cast %scan3A_691 : i32 to index
          %get3A_722 = arith.constant 16 : index
          %get3A_723 = tpu.vector_load %arg15[%get3A_721, %get3A_722] {strides = array<i32>} : memref<64x128xf32, #tpu.memory_space<vmem>>, vector<1x16xf32>,
          %get3A_724 = vector.shape_cast %get3A_723 : vector<1x16xf32> to vector<16xf32>
          %add3A_725 = arith.addf %get3A_720, %get3A_724 : vector<16xf32>
          %get3A_726 = arith.index_cast %scan3A_691 : i32 to index
          %get3A_727 = arith.constant 16 : index
          %get3A_728 = tpu.vector_load %arg16[%get3A_726, %get3A_727] {strides = array<i32>} : memref<64x128xf32, #tpu.memory_space<vmem>>, vector<1x16xf32>,
          %get3A_729 = vector.shape_cast %get3A_728 : vector<1x16xf32> to vector<16xf32>
          %add3A_730 = arith.addf %add3A_725, %get3A_729 : vector<16xf32>
          %neg3A_731 = arith.constant 0.000000e+00 : f32
          %neg3A_732 = vector.broadcast %neg3A_731 : f32 to vector<16xf32>
          %neg3A_733 = arith.subf %neg3A_732, %add3A_730 : vector<16xf32>
          %exp3A_734 = math.exp %neg3A_733 : vector<16xf32>
          %add3A_735 = arith.constant 1.000000e+00 : f32
          %add3A_736 = vector.broadcast %add3A_735 : f32 to vector<16xf32>
          %add3A_737 = arith.addf %add3A_736, %exp3A_734 : vector<16xf32>
          %div3A_738 = arith.divf %add3A_730, %add3A_737 : vector<16xf32>
          %swap3A_739 = arith.index_cast %scan3A_691 : i32 to index
          %swap3A_740 = arith.constant 16 : index
          %swap3A_741 = tpu.vector_load %arg13[%swap3A_739, %swap3A_740] {strides = array<i32>} : memref<64x128xf32, #tpu.memory_space<vmem>>, vector<1x16xf32>,
          %swap3A_742 = vector.shape_cast %swap3A_741 : vector<1x16xf32> to vector<16xf32>
          %swap3A_743 = vector.shape_cast %div3A_738 : vector<16xf32> to vector<1x16xf32>
          tpu.vector_store %arg13[%swap3A_739, %swap3A_740], %swap3A_743 {strides = array<i32>} : memref<64x128xf32, #tpu.memory_space<vmem>>, vector<1x16xf32>,
          %get3A_744 = arith.index_cast %scan3A_691 : i32 to index
          %get3A_745 = arith.constant 32 : index
          %get3A_746 = tpu.vector_load %arg13[%get3A_744, %get3A_745] {strides = array<i32>} : memref<64x128xf32, #tpu.memory_space<vmem>>, vector<1x16xf32>,
          %get3A_747 = vector.shape_cast %get3A_746 : vector<1x16xf32> to vector<16xf32>
          %get3A_748 = arith.index_cast %scan3A_691 : i32 to index
          %get3A_749 = arith.constant 32 : index
          %get3A_750 = tpu.vector_load %arg15[%get3A_748, %get3A_749] {strides = array<i32>} : memref<64x128xf32, #tpu.memory_space<vmem>>, vector<1x16xf32>,
          %get3A_751 = vector.shape_cast %get3A_750 : vector<1x16xf32> to vector<16xf32>
          %add3A_752 = arith.addf %get3A_747, %get3A_751 : vector<16xf32>
          %get3A_753 = arith.index_cast %scan3A_691 : i32 to index
          %get3A_754 = arith.constant 32 : index
          %get3A_755 = tpu.vector_load %arg16[%get3A_753, %get3A_754] {strides = array<i32>} : memref<64x128xf32, #tpu.memory_space<vmem>>, vector<1x16xf32>,
          %get3A_756 = vector.shape_cast %get3A_755 : vector<1x16xf32> to vector<16xf32>
          %add3A_757 = arith.addf %add3A_752, %get3A_756 : vector<16xf32>
          %neg3A_758 = arith.constant 0.000000e+00 : f32
          %neg3A_759 = vector.broadcast %neg3A_758 : f32 to vector<16xf32>
          %neg3A_760 = arith.subf %neg3A_759, %add3A_757 : vector<16xf32>
          %exp3A_761 = math.exp %neg3A_760 : vector<16xf32>
          %add3A_762 = arith.constant 1.000000e+00 : f32
          %add3A_763 = vector.broadcast %add3A_762 : f32 to vector<16xf32>
          %add3A_764 = arith.addf %add3A_763, %exp3A_761 : vector<16xf32>
          %div3A_765 = arith.divf %add3A_757, %add3A_764 : vector<16xf32>
          %swap3A_766 = arith.index_cast %scan3A_691 : i32 to index
          %swap3A_767 = arith.constant 32 : index
          %swap3A_768 = tpu.vector_load %arg13[%swap3A_766, %swap3A_767] {strides = array<i32>} : memref<64x128xf32, #tpu.memory_space<vmem>>, vector<1x16xf32>,
          %swap3A_769 = vector.shape_cast %swap3A_768 : vector<1x16xf32> to vector<16xf32>
          %swap3A_770 = vector.shape_cast %div3A_765 : vector<16xf32> to vector<1x16xf32>
          tpu.vector_store %arg13[%swap3A_766, %swap3A_767], %swap3A_770 {strides = array<i32>} : memref<64x128xf32, #tpu.memory_space<vmem>>, vector<1x16xf32>,
          %get3A_771 = arith.index_cast %scan3A_691 : i32 to index
          %get3A_772 = arith.constant 48 : index
          %get3A_773 = tpu.vector_load %arg13[%get3A_771, %get3A_772] {strides = array<i32>} : memref<64x128xf32, #tpu.memory_space<vmem>>, vector<1x16xf32>,
          %get3A_774 = vector.shape_cast %get3A_773 : vector<1x16xf32> to vector<16xf32>
          %get3A_775 = arith.index_cast %scan3A_691 : i32 to index
          %get3A_776 = arith.constant 48 : index
          %get3A_777 = tpu.vector_load %arg15[%get3A_775, %get3A_776] {strides = array<i32>} : memref<64x128xf32, #tpu.memory_space<vmem>>, vector<1x16xf32>,
          %get3A_778 = vector.shape_cast %get3A_777 : vector<1x16xf32> to vector<16xf32>
          %add3A_779 = arith.addf %get3A_774, %get3A_778 : vector<16xf32>
          %get3A_780 = arith.index_cast %scan3A_691 : i32 to index
          %get3A_781 = arith.constant 48 : index
          %get3A_782 = tpu.vector_load %arg16[%get3A_780, %get3A_781] {strides = array<i32>} : memref<64x128xf32, #tpu.memory_space<vmem>>, vector<1x16xf32>,
          %get3A_783 = vector.shape_cast %get3A_782 : vector<1x16xf32> to vector<16xf32>
          %add3A_784 = arith.addf %add3A_779, %get3A_783 : vector<16xf32>
          %neg3A_785 = arith.constant 0.000000e+00 : f32
          %neg3A_786 = vector.broadcast %neg3A_785 : f32 to vector<16xf32>
          %neg3A_787 = arith.subf %neg3A_786, %add3A_784 : vector<16xf32>
          %exp3A_788 = math.exp %neg3A_787 : vector<16xf32>
          %add3A_789 = arith.constant 1.000000e+00 : f32
          %add3A_790 = vector.broadcast %add3A_789 : f32 to vector<16xf32>
          %add3A_791 = arith.addf %add3A_790, %exp3A_788 : vector<16xf32>
          %div3A_792 = arith.divf %add3A_784, %add3A_791 : vector<16xf32>
          %swap3A_793 = arith.index_cast %scan3A_691 : i32 to index
          %swap3A_794 = arith.constant 48 : index
          %swap3A_795 = tpu.vector_load %arg13[%swap3A_793, %swap3A_794] {strides = array<i32>} : memref<64x128xf32, #tpu.memory_space<vmem>>, vector<1x16xf32>,
          %swap3A_796 = vector.shape_cast %swap3A_795 : vector<1x16xf32> to vector<16xf32>
          %swap3A_797 = vector.shape_cast %div3A_792 : vector<16xf32> to vector<1x16xf32>
          tpu.vector_store %arg13[%swap3A_793, %swap3A_794], %swap3A_797 {strides = array<i32>} : memref<64x128xf32, #tpu.memory_space<vmem>>, vector<1x16xf32>,
          %get3A_798 = arith.index_cast %scan3A_691 : i32 to index
          %get3A_799 = arith.constant 64 : index
          %get3A_800 = tpu.vector_load %arg13[%get3A_798, %get3A_799] {strides = array<i32>} : memref<64x128xf32, #tpu.memory_space<vmem>>, vector<1x16xf32>,
          %get3A_801 = vector.shape_cast %get3A_800 : vector<1x16xf32> to vector<16xf32>
          %get3A_802 = arith.index_cast %scan3A_691 : i32 to index
          %get3A_803 = arith.constant 64 : index
          %get3A_804 = tpu.vector_load %arg15[%get3A_802, %get3A_803] {strides = array<i32>} : memref<64x128xf32, #tpu.memory_space<vmem>>, vector<1x16xf32>,
          %get3A_805 = vector.shape_cast %get3A_804 : vector<1x16xf32> to vector<16xf32>
          %add3A_806 = arith.addf %get3A_801, %get3A_805 : vector<16xf32>
          %get3A_807 = arith.index_cast %scan3A_691 : i32 to index
          %get3A_808 = arith.constant 64 : index
          %get3A_809 = tpu.vector_load %arg16[%get3A_807, %get3A_808] {strides = array<i32>} : memref<64x128xf32, #tpu.memory_space<vmem>>, vector<1x16xf32>,
          %get3A_810 = vector.shape_cast %get3A_809 : vector<1x16xf32> to vector<16xf32>
          %add3A_811 = arith.addf %add3A_806, %get3A_810 : vector<16xf32>
          %neg3A_812 = arith.constant 0.000000e+00 : f32
          %neg3A_813 = vector.broadcast %neg3A_812 : f32 to vector<16xf32>
          %neg3A_814 = arith.subf %neg3A_813, %add3A_811 : vector<16xf32>
          %exp3A_815 = math.exp %neg3A_814 : vector<16xf32>
          %add3A_816 = arith.constant 1.000000e+00 : f32
          %add3A_817 = vector.broadcast %add3A_816 : f32 to vector<16xf32>
          %add3A_818 = arith.addf %add3A_817, %exp3A_815 : vector<16xf32>
          %div3A_819 = arith.divf %add3A_811, %add3A_818 : vector<16xf32>
          %swap3A_820 = arith.index_cast %scan3A_691 : i32 to index
          %swap3A_821 = arith.constant 64 : index
          %swap3A_822 = tpu.vector_load %arg13[%swap3A_820, %swap3A_821] {strides = array<i32>} : memref<64x128xf32, #tpu.memory_space<vmem>>, vector<1x16xf32>,
          %swap3A_823 = vector.shape_cast %swap3A_822 : vector<1x16xf32> to vector<16xf32>
          %swap3A_824 = vector.shape_cast %div3A_819 : vector<16xf32> to vector<1x16xf32>
          tpu.vector_store %arg13[%swap3A_820, %swap3A_821], %swap3A_824 {strides = array<i32>} : memref<64x128xf32, #tpu.memory_space<vmem>>, vector<1x16xf32>,
          %get3A_825 = arith.index_cast %scan3A_691 : i32 to index
          %get3A_826 = arith.constant 80 : index
          %get3A_827 = tpu.vector_load %arg13[%get3A_825, %get3A_826] {strides = array<i32>} : memref<64x128xf32, #tpu.memory_space<vmem>>, vector<1x16xf32>,
          %get3A_828 = vector.shape_cast %get3A_827 : vector<1x16xf32> to vector<16xf32>
          %get3A_829 = arith.index_cast %scan3A_691 : i32 to index
          %get3A_830 = arith.constant 80 : index
          %get3A_831 = tpu.vector_load %arg15[%get3A_829, %get3A_830] {strides = array<i32>} : memref<64x128xf32, #tpu.memory_space<vmem>>, vector<1x16xf32>,
          %get3A_832 = vector.shape_cast %get3A_831 : vector<1x16xf32> to vector<16xf32>
          %add3A_833 = arith.addf %get3A_828, %get3A_832 : vector<16xf32>
          %get3A_834 = arith.index_cast %scan3A_691 : i32 to index
          %get3A_835 = arith.constant 80 : index
          %get3A_836 = tpu.vector_load %arg16[%get3A_834, %get3A_835] {strides = array<i32>} : memref<64x128xf32, #tpu.memory_space<vmem>>, vector<1x16xf32>,
          %get3A_837 = vector.shape_cast %get3A_836 : vector<1x16xf32> to vector<16xf32>
          %add3A_838 = arith.addf %add3A_833, %get3A_837 : vector<16xf32>
          %neg3A_839 = arith.constant 0.000000e+00 : f32
          %neg3A_840 = vector.broadcast %neg3A_839 : f32 to vector<16xf32>
          %neg3A_841 = arith.subf %neg3A_840, %add3A_838 : vector<16xf32>
          %exp3A_842 = math.exp %neg3A_841 : vector<16xf32>
          %add3A_843 = arith.constant 1.000000e+00 : f32
          %add3A_844 = vector.broadcast %add3A_843 : f32 to vector<16xf32>
          %add3A_845 = arith.addf %add3A_844, %exp3A_842 : vector<16xf32>
          %div3A_846 = arith.divf %add3A_838, %add3A_845 : vector<16xf32>
          %swap3A_847 = arith.index_cast %scan3A_691 : i32 to index
          %swap3A_848 = arith.constant 80 : index
          %swap3A_849 = tpu.vector_load %arg13[%swap3A_847, %swap3A_848] {strides = array<i32>} : memref<64x128xf32, #tpu.memory_space<vmem>>, vector<1x16xf32>,
          %swap3A_850 = vector.shape_cast %swap3A_849 : vector<1x16xf32> to vector<16xf32>
          %swap3A_851 = vector.shape_cast %div3A_846 : vector<16xf32> to vector<1x16xf32>
          tpu.vector_store %arg13[%swap3A_847, %swap3A_848], %swap3A_851 {strides = array<i32>} : memref<64x128xf32, #tpu.memory_space<vmem>>, vector<1x16xf32>,
          %get3A_852 = arith.index_cast %scan3A_691 : i32 to index
          %get3A_853 = arith.constant 96 : index
          %get3A_854 = tpu.vector_load %arg13[%get3A_852, %get3A_853] {strides = array<i32>} : memref<64x128xf32, #tpu.memory_space<vmem>>, vector<1x16xf32>,
          %get3A_855 = vector.shape_cast %get3A_854 : vector<1x16xf32> to vector<16xf32>
          %get3A_856 = arith.index_cast %scan3A_691 : i32 to index
          %get3A_857 = arith.constant 96 : index
          %get3A_858 = tpu.vector_load %arg15[%get3A_856, %get3A_857] {strides = array<i32>} : memref<64x128xf32, #tpu.memory_space<vmem>>, vector<1x16xf32>,
          %get3A_859 = vector.shape_cast %get3A_858 : vector<1x16xf32> to vector<16xf32>
          %add3A_860 = arith.addf %get3A_855, %get3A_859 : vector<16xf32>
          %get3A_861 = arith.index_cast %scan3A_691 : i32 to index
          %get3A_862 = arith.constant 96 : index
          %get3A_863 = tpu.vector_load %arg16[%get3A_861, %get3A_862] {strides = array<i32>} : memref<64x128xf32, #tpu.memory_space<vmem>>, vector<1x16xf32>,
          %get3A_864 = vector.shape_cast %get3A_863 : vector<1x16xf32> to vector<16xf32>
          %add3A_865 = arith.addf %add3A_860, %get3A_864 : vector<16xf32>
          %neg3A_866 = arith.constant 0.000000e+00 : f32
          %neg3A_867 = vector.broadcast %neg3A_866 : f32 to vector<16xf32>
          %neg3A_868 = arith.subf %neg3A_867, %add3A_865 : vector<16xf32>
          %exp3A_869 = math.exp %neg3A_868 : vector<16xf32>
          %add3A_870 = arith.constant 1.000000e+00 : f32
          %add3A_871 = vector.broadcast %add3A_870 : f32 to vector<16xf32>
          %add3A_872 = arith.addf %add3A_871, %exp3A_869 : vector<16xf32>
          %div3A_873 = arith.divf %add3A_865, %add3A_872 : vector<16xf32>
          %swap3A_874 = arith.index_cast %scan3A_691 : i32 to index
          %swap3A_875 = arith.constant 96 : index
          %swap3A_876 = tpu.vector_load %arg13[%swap3A_874, %swap3A_875] {strides = array<i32>} : memref<64x128xf32, #tpu.memory_space<vmem>>, vector<1x16xf32>,
          %swap3A_877 = vector.shape_cast %swap3A_876 : vector<1x16xf32> to vector<16xf32>
          %swap3A_878 = vector.shape_cast %div3A_873 : vector<16xf32> to vector<1x16xf32>
          tpu.vector_store %arg13[%swap3A_874, %swap3A_875], %swap3A_878 {strides = array<i32>} : memref<64x128xf32, #tpu.memory_space<vmem>>, vector<1x16xf32>,
          %get3A_879 = arith.index_cast %scan3A_691 : i32 to index
          %get3A_880 = arith.constant 112 : index
          %get3A_881 = tpu.vector_load %arg13[%get3A_879, %get3A_880] {strides = array<i32>} : memref<64x128xf32, #tpu.memory_space<vmem>>, vector<1x16xf32>,
          %get3A_882 = vector.shape_cast %get3A_881 : vector<1x16xf32> to vector<16xf32>
          %get3A_883 = arith.index_cast %scan3A_691 : i32 to index
          %get3A_884 = arith.constant 112 : index
          %get3A_885 = tpu.vector_load %arg15[%get3A_883, %get3A_884] {strides = array<i32>} : memref<64x128xf32, #tpu.memory_space<vmem>>, vector<1x16xf32>,
          %get3A_886 = vector.shape_cast %get3A_885 : vector<1x16xf32> to vector<16xf32>
          %add3A_887 = arith.addf %get3A_882, %get3A_886 : vector<16xf32>
          %get3A_888 = arith.index_cast %scan3A_691 : i32 to index
          %get3A_889 = arith.constant 112 : index
          %get3A_890 = tpu.vector_load %arg16[%get3A_888, %get3A_889] {strides = array<i32>} : memref<64x128xf32, #tpu.memory_space<vmem>>, vector<1x16xf32>,
          %get3A_891 = vector.shape_cast %get3A_890 : vector<1x16xf32> to vector<16xf32>
          %add3A_892 = arith.addf %add3A_887, %get3A_891 : vector<16xf32>
          %neg3A_893 = arith.constant 0.000000e+00 : f32
          %neg3A_894 = vector.broadcast %neg3A_893 : f32 to vector<16xf32>
          %neg3A_895 = arith.subf %neg3A_894, %add3A_892 : vector<16xf32>
          %exp3A_896 = math.exp %neg3A_895 : vector<16xf32>
          %add3A_897 = arith.constant 1.000000e+00 : f32
          %add3A_898 = vector.broadcast %add3A_897 : f32 to vector<16xf32>
          %add3A_899 = arith.addf %add3A_898, %exp3A_896 : vector<16xf32>
          %div3A_900 = arith.divf %add3A_892, %add3A_899 : vector<16xf32>
          %swap3A_901 = arith.index_cast %scan3A_691 : i32 to index
          %swap3A_902 = arith.constant 112 : index
          %swap3A_903 = tpu.vector_load %arg13[%swap3A_901, %swap3A_902] {strides = array<i32>} : memref<64x128xf32, #tpu.memory_space<vmem>>, vector<1x16xf32>,
          %swap3A_904 = vector.shape_cast %swap3A_903 : vector<1x16xf32> to vector<16xf32>
          %swap3A_905 = vector.shape_cast %div3A_900 : vector<16xf32> to vector<1x16xf32>
          tpu.vector_store %arg13[%swap3A_901, %swap3A_902], %swap3A_905 {strides = array<i32>} : memref<64x128xf32, #tpu.memory_space<vmem>>, vector<1x16xf32>,
          %scan3A_906 = arith.constant 0 : i32
          scf.yield %scan3A_906 : i32
        }
        %scan3A_669 = arith.constant 64 : i32
        %dma_start3A_670 = arith.constant 3 : i32
        %dma_start3A_671 = arith.constant 0 : i32
        %dma_start3A_672 = tpu.memref_slice %arg10[%dma_start3A_670, %dma_start3A_671] : memref<4x64xi32, #tpu.memory_space<vmem>> -> memref<1x64xi32, #tpu.memory_space<vmem>>
        %dma_start3A_673 = tpu.memref_squeeze %dma_start3A_672 : memref<1x64xi32, #tpu.memory_space<vmem>> -> memref<64xi32, #tpu.memory_space<vmem>>
        %dma_start3A_674 = arith.constant 0 : i32
        %dma_start3A_675 = arith.constant 0 : i32
        %dma_start3A_676 = tpu.memref_slice %arg17[%dma_start3A_674, %dma_start3A_675] : memref<10000x128xf32, #tpu.memory_space<vmem_shared>> -> memref<10000x128xf32, #tpu.memory_space<vmem_shared>>
        tpu.enqueue_indirect_dma source(%arg13 : memref<64x128xf32, #tpu.memory_space<vmem>>) target(%dma_start3A_676 : memref<10000x128xf32, #tpu.memory_space<vmem_shared>>) offsets(%dma_start3A_673 : memref<64xi32, #tpu.memory_space<vmem>>) semaphore(%arg20 : memref<!tpu.dma_semaphore, #tpu.memory_space<semaphore_mem>>) {add = true}
        %dma_wait3A_677 = arith.constant 2 : i32
        %dma_wait3A_678 = arith.constant 0 : i32
        %dma_wait3A_679 = tpu.memref_slice %arg10[%dma_wait3A_677, %dma_wait3A_678] : memref<4x64xi32, #tpu.memory_space<vmem>> -> memref<1x64xi32, #tpu.memory_space<vmem>>
        %dma_wait3A_680 = tpu.memref_squeeze %dma_wait3A_679 : memref<1x64xi32, #tpu.memory_space<vmem>> -> memref<64xi32, #tpu.memory_space<vmem>>
        %dma_wait3A_681 = arith.constant 0 : i32
        %dma_wait3A_682 = arith.constant 0 : i32
        %dma_wait3A_683 = tpu.memref_slice %arg17[%dma_wait3A_681, %dma_wait3A_682] : memref<10000x128xf32, #tpu.memory_space<vmem_shared>> -> memref<10000x128xf32, #tpu.memory_space<vmem_shared>>
        tpu.wait_indirect_dma semaphore(%arg20 : memref<!tpu.dma_semaphore, #tpu.memory_space<semaphore_mem>>) src(%arg12 : memref<64x128xf32, #tpu.memory_space<vmem>>) dst(%dma_wait3A_683 : memref<10000x128xf32, #tpu.memory_space<vmem_shared>>)
        %dma_wait3A_684 = arith.constant 3 : i32
        %dma_wait3A_685 = arith.constant 0 : i32
        %dma_wait3A_686 = tpu.memref_slice %arg10[%dma_wait3A_684, %dma_wait3A_685] : memref<4x64xi32, #tpu.memory_space<vmem>> -> memref<1x64xi32, #tpu.memory_space<vmem>>
        %dma_wait3A_687 = tpu.memref_squeeze %dma_wait3A_686 : memref<1x64xi32, #tpu.memory_space<vmem>> -> memref<64xi32, #tpu.memory_space<vmem>>
        %dma_wait3A_688 = arith.constant 0 : i32
        %dma_wait3A_689 = arith.constant 0 : i32
        %dma_wait3A_690 = tpu.memref_slice %arg17[%dma_wait3A_688, %dma_wait3A_689] : memref<10000x128xf32, #tpu.memory_space<vmem_shared>> -> memref<10000x128xf32, #tpu.memory_space<vmem_shared>>
        tpu.wait_indirect_dma semaphore(%arg20 : memref<!tpu.dma_semaphore, #tpu.memory_space<semaphore_mem>>) src(%arg13 : memref<64x128xf32, #tpu.memory_space<vmem>>) dst(%dma_wait3A_690 : memref<10000x128xf32, #tpu.memory_space<vmem_shared>>)
      } else {
      }
      %scan3A_28 = arith.constant 0 : i32
      scf.yield %scan3A_28 : i32
    }
    %scan3A_13 = arith.constant 40 : i32
    %barrier3A_14 = arith.constant 0 : index
    tpu.barrier barrier_id(%barrier3A_14)
    %scan3A_15 = arith.constant 0 : i32
    %scan3A_16 = arith.constant 0 : i32
    %scan3A_17 = arith.constant 8 : i32
    %scan3A_18 = arith.addi %scan3A_16, %scan3A_17 : i32
    %scan3A_19 = arith.constant 1 : i32
    %scan3A_20 = scf.for %scan3A_22 = %scan3A_16 to %scan3A_18 step %scan3A_19 iter_args(%scan3A_23 = %scan3A_15) -> (i32)  : i32 {
      %mul3A_24 = arith.constant 16 : i32
      %mul3A_25 = arith.muli %scan3A_22, %mul3A_24 : i32
      %add3A = arith.addi %arg1, %mul3A_25 : i32
      %lt3A = arith.constant 125 : i32
      %lt3A_26 = arith.cmpi slt, %add3A, %lt3A : i32
      %convert_element_type3A = arith.extui %lt3A_26 : i1 to i32
      %cond3A = arith.constant 0 : i32
      %cond3A_27 = arith.cmpi ne, %convert_element_type3A, %cond3A : i32
      scf.if %cond3A_27 {
        %mul3A_29 = arith.constant 80 : i32
        %mul3A_30 = arith.muli %add3A, %mul3A_29 : i32
        %mul3A_31 = arith.constant 10000 : i32
        %mul3A_32 = arith.muli %arg0, %mul3A_31 : i32
        %add3A_33 = arith.addi %mul3A_32, %mul3A_30 : i32
        "tpu.region"() ({
          %run_scoped3A = tpu.sem_alloc : memref<!tpu.dma_semaphore, #tpu.memory_space<semaphore_mem>>
          %dma_start3A = arith.constant 0 : i32
          %dma_start3A_34 = tpu.memref_slice %arg8[%add3A_33, %dma_start3A] : memref<20000x128xf32, #tpu.memory_space<hbm>> -> memref<80x128xf32, #tpu.memory_space<hbm>>
          %dma_start3A_35 = arith.constant 0 : i32
          %dma_start3A_36 = tpu.memref_slice %arg17[%mul3A_30, %dma_start3A_35] : memref<10000x128xf32, #tpu.memory_space<vmem_shared>> -> memref<80x128xf32, #tpu.memory_space<vmem_shared>>
          tpu.enqueue_dma source(%dma_start3A_36 : memref<80x128xf32, #tpu.memory_space<vmem_shared>>) target(%dma_start3A_34 : memref<80x128xf32, #tpu.memory_space<hbm>>) target_semaphore(%run_scoped3A : memref<!tpu.dma_semaphore, #tpu.memory_space<semaphore_mem>>)
          %dma_wait3A = arith.constant 0 : i32
          %dma_wait3A_37 = tpu.memref_slice %arg8[%add3A_33, %dma_wait3A] : memref<20000x128xf32, #tpu.memory_space<hbm>> -> memref<80x128xf32, #tpu.memory_space<hbm>>
          %dma_wait3A_38 = arith.constant 0 : i32
          %dma_wait3A_39 = tpu.memref_slice %arg17[%mul3A_30, %dma_wait3A_38] : memref<10000x128xf32, #tpu.memory_space<vmem_shared>> -> memref<80x128xf32, #tpu.memory_space<vmem_shared>>
          tpu.wait_dma2 semaphore(%run_scoped3A : memref<!tpu.dma_semaphore, #tpu.memory_space<semaphore_mem>>) src(%dma_wait3A_39 : memref<80x128xf32, #tpu.memory_space<vmem_shared>>) dst(%dma_wait3A_37 : memref<80x128xf32, #tpu.memory_space<hbm>>)
          tpu.yield
        }) : () -> ()
      } else {
      }
      %scan3A_28 = arith.constant 0 : i32
      scf.yield %scan3A_28 : i32
    }
    %scan3A_21 = arith.constant 8 : i32
    return
  }
}

#map = affine_map<(d0, d1) -> (0, 0, 0)>
#map1 = affine_map<(d0, d1) -> (0, 0)>
module attributes {stable_mosaic.version = 14 : i64} {
  func.func @_sc_cnt_body(%arg0: i32, %arg1: i32, %arg2: memref<625x2x128xi32, #tpu.memory_space<hbm>>, %arg3: memref<10000x128xf32, #tpu.memory_space<hbm>>, %arg4: memref<20000x128xf32, #tpu.memory_space<hbm>>, %arg5: memref<2x128xi32, #tpu.memory_space<vmem>>, %arg6: memref<128x128xf32, #tpu.memory_space<vmem>>, %arg7: memref<10000x128xf32, #tpu.memory_space<vmem_shared>>) attributes {dimension_semantics = [#tpu.dimension_semantics<core_parallel>, #tpu.dimension_semantics<subcore_parallel>], iteration_bounds = array<i64: 2, 16>, scalar_prefetch = 0 : i64, scratch_operands = 3 : i64, tpu.core_type = #tpu.core_type<sc_vector_subcore>, window_params = [{transform_indices = #map}, {transform_indices = #map1}, {transform_indices = #map1}]} {
    %mul3A = arith.constant 16 : i32
    %mul3A_0 = arith.muli %arg0, %mul3A : i32
    %add3A = arith.addi %mul3A_0, %arg1 : i32
    %scan3A = arith.constant 0 : i32
    %scan3A_1 = arith.constant 0 : i32
    %scan3A_2 = arith.constant 128 : i32
    %scan3A_3 = arith.addi %scan3A_1, %scan3A_2 : i32
    %scan3A_4 = arith.constant 1 : i32
    %scan3A_5 = scf.for %scan3A_29 = %scan3A_1 to %scan3A_3 step %scan3A_4 iter_args(%scan3A_30 = %scan3A) -> (i32)  : i32 {
      %broadcast_in_dim3A = arith.constant 1.000000e+00 : f32
      %broadcast_in_dim3A_31 = vector.broadcast %broadcast_in_dim3A : f32 to vector<16xf32>
      %swap3A = arith.index_cast %scan3A_29 : i32 to index
      %swap3A_32 = arith.constant 0 : index
      %swap3A_33 = tpu.vector_load %arg6[%swap3A, %swap3A_32] {strides = array<i32>} : memref<128x128xf32, #tpu.memory_space<vmem>>, vector<1x16xf32>,
      %swap3A_34 = vector.shape_cast %swap3A_33 : vector<1x16xf32> to vector<16xf32>
      %swap3A_35 = vector.shape_cast %broadcast_in_dim3A_31 : vector<16xf32> to vector<1x16xf32>
      tpu.vector_store %arg6[%swap3A, %swap3A_32], %swap3A_35 {strides = array<i32>} : memref<128x128xf32, #tpu.memory_space<vmem>>, vector<1x16xf32>,
      %broadcast_in_dim3A_36 = arith.constant 1.000000e+00 : f32
      %broadcast_in_dim3A_37 = vector.broadcast %broadcast_in_dim3A_36 : f32 to vector<16xf32>
      %swap3A_38 = arith.index_cast %scan3A_29 : i32 to index
      %swap3A_39 = arith.constant 16 : index
      %swap3A_40 = tpu.vector_load %arg6[%swap3A_38, %swap3A_39] {strides = array<i32>} : memref<128x128xf32, #tpu.memory_space<vmem>>, vector<1x16xf32>,
      %swap3A_41 = vector.shape_cast %swap3A_40 : vector<1x16xf32> to vector<16xf32>
      %swap3A_42 = vector.shape_cast %broadcast_in_dim3A_37 : vector<16xf32> to vector<1x16xf32>
      tpu.vector_store %arg6[%swap3A_38, %swap3A_39], %swap3A_42 {strides = array<i32>} : memref<128x128xf32, #tpu.memory_space<vmem>>, vector<1x16xf32>,
      %broadcast_in_dim3A_43 = arith.constant 1.000000e+00 : f32
      %broadcast_in_dim3A_44 = vector.broadcast %broadcast_in_dim3A_43 : f32 to vector<16xf32>
      %swap3A_45 = arith.index_cast %scan3A_29 : i32 to index
      %swap3A_46 = arith.constant 32 : index
      %swap3A_47 = tpu.vector_load %arg6[%swap3A_45, %swap3A_46] {strides = array<i32>} : memref<128x128xf32, #tpu.memory_space<vmem>>, vector<1x16xf32>,
      %swap3A_48 = vector.shape_cast %swap3A_47 : vector<1x16xf32> to vector<16xf32>
      %swap3A_49 = vector.shape_cast %broadcast_in_dim3A_44 : vector<16xf32> to vector<1x16xf32>
      tpu.vector_store %arg6[%swap3A_45, %swap3A_46], %swap3A_49 {strides = array<i32>} : memref<128x128xf32, #tpu.memory_space<vmem>>, vector<1x16xf32>,
      %broadcast_in_dim3A_50 = arith.constant 1.000000e+00 : f32
      %broadcast_in_dim3A_51 = vector.broadcast %broadcast_in_dim3A_50 : f32 to vector<16xf32>
      %swap3A_52 = arith.index_cast %scan3A_29 : i32 to index
      %swap3A_53 = arith.constant 48 : index
      %swap3A_54 = tpu.vector_load %arg6[%swap3A_52, %swap3A_53] {strides = array<i32>} : memref<128x128xf32, #tpu.memory_space<vmem>>, vector<1x16xf32>,
      %swap3A_55 = vector.shape_cast %swap3A_54 : vector<1x16xf32> to vector<16xf32>
      %swap3A_56 = vector.shape_cast %broadcast_in_dim3A_51 : vector<16xf32> to vector<1x16xf32>
      tpu.vector_store %arg6[%swap3A_52, %swap3A_53], %swap3A_56 {strides = array<i32>} : memref<128x128xf32, #tpu.memory_space<vmem>>, vector<1x16xf32>,
      %broadcast_in_dim3A_57 = arith.constant 1.000000e+00 : f32
      %broadcast_in_dim3A_58 = vector.broadcast %broadcast_in_dim3A_57 : f32 to vector<16xf32>
      %swap3A_59 = arith.index_cast %scan3A_29 : i32 to index
      %swap3A_60 = arith.constant 64 : index
      %swap3A_61 = tpu.vector_load %arg6[%swap3A_59, %swap3A_60] {strides = array<i32>} : memref<128x128xf32, #tpu.memory_space<vmem>>, vector<1x16xf32>,
      %swap3A_62 = vector.shape_cast %swap3A_61 : vector<1x16xf32> to vector<16xf32>
      %swap3A_63 = vector.shape_cast %broadcast_in_dim3A_58 : vector<16xf32> to vector<1x16xf32>
      tpu.vector_store %arg6[%swap3A_59, %swap3A_60], %swap3A_63 {strides = array<i32>} : memref<128x128xf32, #tpu.memory_space<vmem>>, vector<1x16xf32>,
      %broadcast_in_dim3A_64 = arith.constant 1.000000e+00 : f32
      %broadcast_in_dim3A_65 = vector.broadcast %broadcast_in_dim3A_64 : f32 to vector<16xf32>
      %swap3A_66 = arith.index_cast %scan3A_29 : i32 to index
      %swap3A_67 = arith.constant 80 : index
      %swap3A_68 = tpu.vector_load %arg6[%swap3A_66, %swap3A_67] {strides = array<i32>} : memref<128x128xf32, #tpu.memory_space<vmem>>, vector<1x16xf32>,
      %swap3A_69 = vector.shape_cast %swap3A_68 : vector<1x16xf32> to vector<16xf32>
      %swap3A_70 = vector.shape_cast %broadcast_in_dim3A_65 : vector<16xf32> to vector<1x16xf32>
      tpu.vector_store %arg6[%swap3A_66, %swap3A_67], %swap3A_70 {strides = array<i32>} : memref<128x128xf32, #tpu.memory_space<vmem>>, vector<1x16xf32>,
      %broadcast_in_dim3A_71 = arith.constant 1.000000e+00 : f32
      %broadcast_in_dim3A_72 = vector.broadcast %broadcast_in_dim3A_71 : f32 to vector<16xf32>
      %swap3A_73 = arith.index_cast %scan3A_29 : i32 to index
      %swap3A_74 = arith.constant 96 : index
      %swap3A_75 = tpu.vector_load %arg6[%swap3A_73, %swap3A_74] {strides = array<i32>} : memref<128x128xf32, #tpu.memory_space<vmem>>, vector<1x16xf32>,
      %swap3A_76 = vector.shape_cast %swap3A_75 : vector<1x16xf32> to vector<16xf32>
      %swap3A_77 = vector.shape_cast %broadcast_in_dim3A_72 : vector<16xf32> to vector<1x16xf32>
      tpu.vector_store %arg6[%swap3A_73, %swap3A_74], %swap3A_77 {strides = array<i32>} : memref<128x128xf32, #tpu.memory_space<vmem>>, vector<1x16xf32>,
      %broadcast_in_dim3A_78 = arith.constant 1.000000e+00 : f32
      %broadcast_in_dim3A_79 = vector.broadcast %broadcast_in_dim3A_78 : f32 to vector<16xf32>
      %swap3A_80 = arith.index_cast %scan3A_29 : i32 to index
      %swap3A_81 = arith.constant 112 : index
      %swap3A_82 = tpu.vector_load %arg6[%swap3A_80, %swap3A_81] {strides = array<i32>} : memref<128x128xf32, #tpu.memory_space<vmem>>, vector<1x16xf32>,
      %swap3A_83 = vector.shape_cast %swap3A_82 : vector<1x16xf32> to vector<16xf32>
      %swap3A_84 = vector.shape_cast %broadcast_in_dim3A_79 : vector<16xf32> to vector<1x16xf32>
      tpu.vector_store %arg6[%swap3A_80, %swap3A_81], %swap3A_84 {strides = array<i32>} : memref<128x128xf32, #tpu.memory_space<vmem>>, vector<1x16xf32>,
      %scan3A_85 = arith.constant 0 : i32
      scf.yield %scan3A_85 : i32
    }
    %scan3A_6 = arith.constant 128 : i32
    %scan3A_7 = arith.constant 0 : i32
    %scan3A_8 = arith.constant 0 : i32
    %scan3A_9 = arith.constant 8 : i32
    %scan3A_10 = arith.addi %scan3A_8, %scan3A_9 : i32
    %scan3A_11 = arith.constant 1 : i32
    %scan3A_12 = scf.for %scan3A_29 = %scan3A_8 to %scan3A_10 step %scan3A_11 iter_args(%scan3A_30 = %scan3A_7) -> (i32)  : i32 {
      %mul3A_31 = arith.constant 16 : i32
      %mul3A_32 = arith.muli %scan3A_29, %mul3A_31 : i32
      %add3A_33 = arith.addi %arg1, %mul3A_32 : i32
      %lt3A = arith.constant 125 : i32
      %lt3A_34 = arith.cmpi slt, %add3A_33, %lt3A : i32
      %convert_element_type3A = arith.extui %lt3A_34 : i1 to i32
      %cond3A = arith.constant 0 : i32
      %cond3A_35 = arith.cmpi ne, %convert_element_type3A, %cond3A : i32
      scf.if %cond3A_35 {
        %mul3A_37 = arith.constant 80 : i32
        %mul3A_38 = arith.muli %add3A_33, %mul3A_37 : i32
        "tpu.region"() ({
          %run_scoped3A = tpu.sem_alloc : memref<!tpu.dma_semaphore, #tpu.memory_space<semaphore_mem>>
          %dma_start3A = arith.constant 0 : i32
          %dma_start3A_39 = tpu.memref_slice %arg7[%mul3A_38, %dma_start3A] : memref<10000x128xf32, #tpu.memory_space<vmem_shared>> -> memref<80x128xf32, #tpu.memory_space<vmem_shared>>
          %dma_start3A_40 = arith.constant 0 : i32
          %dma_start3A_41 = tpu.memref_slice %arg3[%mul3A_38, %dma_start3A_40] : memref<10000x128xf32, #tpu.memory_space<hbm>> -> memref<80x128xf32, #tpu.memory_space<hbm>>
          tpu.enqueue_dma source(%dma_start3A_41 : memref<80x128xf32, #tpu.memory_space<hbm>>) target(%dma_start3A_39 : memref<80x128xf32, #tpu.memory_space<vmem_shared>>) target_semaphore(%run_scoped3A : memref<!tpu.dma_semaphore, #tpu.memory_space<semaphore_mem>>)
          %dma_wait3A = arith.constant 0 : i32
          %dma_wait3A_42 = tpu.memref_slice %arg7[%mul3A_38, %dma_wait3A] : memref<10000x128xf32, #tpu.memory_space<vmem_shared>> -> memref<80x128xf32, #tpu.memory_space<vmem_shared>>
          %dma_wait3A_43 = arith.constant 0 : i32
          %dma_wait3A_44 = tpu.memref_slice %arg3[%mul3A_38, %dma_wait3A_43] : memref<10000x128xf32, #tpu.memory_space<hbm>> -> memref<80x128xf32, #tpu.memory_space<hbm>>
          tpu.wait_dma2 semaphore(%run_scoped3A : memref<!tpu.dma_semaphore, #tpu.memory_space<semaphore_mem>>) src(%dma_wait3A_44 : memref<80x128xf32, #tpu.memory_space<hbm>>) dst(%dma_wait3A_42 : memref<80x128xf32, #tpu.memory_space<vmem_shared>>)
          tpu.yield
        }) : () -> ()
      } else {
      }
      %scan3A_36 = arith.constant 0 : i32
      scf.yield %scan3A_36 : i32
    }
    %scan3A_13 = arith.constant 8 : i32
    %barrier3A = arith.constant 0 : index
    tpu.barrier barrier_id(%barrier3A)
    %scan3A_14 = arith.constant 0 : i32
    %scan3A_15 = arith.constant 0 : i32
    %scan3A_16 = arith.constant 20 : i32
    %scan3A_17 = arith.addi %scan3A_15, %scan3A_16 : i32
    %scan3A_18 = arith.constant 1 : i32
    %scan3A_19 = scf.for %scan3A_29 = %scan3A_15 to %scan3A_17 step %scan3A_18 iter_args(%scan3A_30 = %scan3A_14) -> (i32)  : i32 {
      %mul3A_31 = arith.constant 2 : i32
      %mul3A_32 = arith.muli %scan3A_29, %mul3A_31 : i32
      %mul3A_33 = arith.constant 16 : i32
      %mul3A_34 = arith.muli %mul3A_32, %mul3A_33 : i32
      %add3A_35 = arith.addi %add3A, %mul3A_34 : i32
      %lt3A = arith.constant 625 : i32
      %lt3A_36 = arith.cmpi slt, %add3A_35, %lt3A : i32
      %convert_element_type3A = arith.extui %lt3A_36 : i1 to i32
      %cond3A = arith.constant 0 : i32
      %cond3A_37 = arith.cmpi ne, %convert_element_type3A, %cond3A : i32
      scf.if %cond3A_37 {
        "tpu.region"() ({
          %run_scoped3A_40 = tpu.sem_alloc : memref<!tpu.dma_semaphore, #tpu.memory_space<semaphore_mem>>
          %dma_start3A = arith.constant 0 : i32
          %dma_start3A_41 = arith.constant 0 : i32
          %dma_start3A_42 = tpu.memref_slice %arg2[%add3A_35, %dma_start3A, %dma_start3A_41] : memref<625x2x128xi32, #tpu.memory_space<hbm>> -> memref<1x2x128xi32, #tpu.memory_space<hbm>>
          %dma_start3A_43 = tpu.memref_squeeze %dma_start3A_42 : memref<1x2x128xi32, #tpu.memory_space<hbm>> -> memref<2x128xi32, #tpu.memory_space<hbm>>
          %dma_start3A_44 = arith.constant 0 : i32
          %dma_start3A_45 = arith.constant 0 : i32
          %dma_start3A_46 = tpu.memref_slice %arg2[%add3A_35, %dma_start3A_44, %dma_start3A_45] : memref<625x2x128xi32, #tpu.memory_space<hbm>> -> memref<1x2x128xi32, #tpu.memory_space<hbm>>
          %dma_start3A_47 = tpu.memref_squeeze %dma_start3A_46 : memref<1x2x128xi32, #tpu.memory_space<hbm>> -> memref<2x128xi32, #tpu.memory_space<hbm>>
          tpu.enqueue_dma source(%dma_start3A_47 : memref<2x128xi32, #tpu.memory_space<hbm>>) target(%arg5 : memref<2x128xi32, #tpu.memory_space<vmem>>) target_semaphore(%run_scoped3A_40 : memref<!tpu.dma_semaphore, #tpu.memory_space<semaphore_mem>>)
          %dma_wait3A = arith.constant 0 : i32
          %dma_wait3A_48 = arith.constant 0 : i32
          %dma_wait3A_49 = tpu.memref_slice %arg2[%add3A_35, %dma_wait3A, %dma_wait3A_48] : memref<625x2x128xi32, #tpu.memory_space<hbm>> -> memref<1x2x128xi32, #tpu.memory_space<hbm>>
          %dma_wait3A_50 = tpu.memref_squeeze %dma_wait3A_49 : memref<1x2x128xi32, #tpu.memory_space<hbm>> -> memref<2x128xi32, #tpu.memory_space<hbm>>
          %dma_wait3A_51 = arith.constant 0 : i32
          %dma_wait3A_52 = arith.constant 0 : i32
          %dma_wait3A_53 = tpu.memref_slice %arg2[%add3A_35, %dma_wait3A_51, %dma_wait3A_52] : memref<625x2x128xi32, #tpu.memory_space<hbm>> -> memref<1x2x128xi32, #tpu.memory_space<hbm>>
          %dma_wait3A_54 = tpu.memref_squeeze %dma_wait3A_53 : memref<1x2x128xi32, #tpu.memory_space<hbm>> -> memref<2x128xi32, #tpu.memory_space<hbm>>
          tpu.wait_dma2 semaphore(%run_scoped3A_40 : memref<!tpu.dma_semaphore, #tpu.memory_space<semaphore_mem>>) src(%dma_wait3A_54 : memref<2x128xi32, #tpu.memory_space<hbm>>) dst(%arg5 : memref<2x128xi32, #tpu.memory_space<vmem>>)
          tpu.yield
        }) : () -> ()
        %run_scoped3A = arith.constant 0 : i32
        "tpu.region"() ({
          %run_scoped3A_40 = tpu.sem_alloc : memref<!tpu.dma_semaphore, #tpu.memory_space<semaphore_mem>>
          %dma_start3A = arith.constant 0 : i32
          %dma_start3A_41 = tpu.memref_slice %arg5[%run_scoped3A, %dma_start3A] : memref<2x128xi32, #tpu.memory_space<vmem>> -> memref<1x128xi32, #tpu.memory_space<vmem>>
          %dma_start3A_42 = tpu.memref_squeeze %dma_start3A_41 : memref<1x128xi32, #tpu.memory_space<vmem>> -> memref<128xi32, #tpu.memory_space<vmem>>
          %dma_start3A_43 = arith.constant 0 : i32
          %dma_start3A_44 = arith.constant 0 : i32
          %dma_start3A_45 = tpu.memref_slice %arg7[%dma_start3A_43, %dma_start3A_44] : memref<10000x128xf32, #tpu.memory_space<vmem_shared>> -> memref<10000x128xf32, #tpu.memory_space<vmem_shared>>
          tpu.enqueue_indirect_dma source(%arg6 : memref<128x128xf32, #tpu.memory_space<vmem>>) target(%dma_start3A_45 : memref<10000x128xf32, #tpu.memory_space<vmem_shared>>) offsets(%dma_start3A_42 : memref<128xi32, #tpu.memory_space<vmem>>) semaphore(%run_scoped3A_40 : memref<!tpu.dma_semaphore, #tpu.memory_space<semaphore_mem>>) {add = true}
          %dma_wait3A = arith.constant 0 : i32
          %dma_wait3A_46 = tpu.memref_slice %arg5[%run_scoped3A, %dma_wait3A] : memref<2x128xi32, #tpu.memory_space<vmem>> -> memref<1x128xi32, #tpu.memory_space<vmem>>
          %dma_wait3A_47 = tpu.memref_squeeze %dma_wait3A_46 : memref<1x128xi32, #tpu.memory_space<vmem>> -> memref<128xi32, #tpu.memory_space<vmem>>
          %dma_wait3A_48 = arith.constant 0 : i32
          %dma_wait3A_49 = arith.constant 0 : i32
          %dma_wait3A_50 = tpu.memref_slice %arg7[%dma_wait3A_48, %dma_wait3A_49] : memref<10000x128xf32, #tpu.memory_space<vmem_shared>> -> memref<10000x128xf32, #tpu.memory_space<vmem_shared>>
          tpu.wait_indirect_dma semaphore(%run_scoped3A_40 : memref<!tpu.dma_semaphore, #tpu.memory_space<semaphore_mem>>) src(%arg6 : memref<128x128xf32, #tpu.memory_space<vmem>>) dst(%dma_wait3A_50 : memref<10000x128xf32, #tpu.memory_space<vmem_shared>>)
          tpu.yield
        }) : () -> ()
        %run_scoped3A_39 = arith.constant 1 : i32
        "tpu.region"() ({
          %run_scoped3A_40 = tpu.sem_alloc : memref<!tpu.dma_semaphore, #tpu.memory_space<semaphore_mem>>
          %dma_start3A = arith.constant 0 : i32
          %dma_start3A_41 = tpu.memref_slice %arg5[%run_scoped3A_39, %dma_start3A] : memref<2x128xi32, #tpu.memory_space<vmem>> -> memref<1x128xi32, #tpu.memory_space<vmem>>
          %dma_start3A_42 = tpu.memref_squeeze %dma_start3A_41 : memref<1x128xi32, #tpu.memory_space<vmem>> -> memref<128xi32, #tpu.memory_space<vmem>>
          %dma_start3A_43 = arith.constant 0 : i32
          %dma_start3A_44 = arith.constant 0 : i32
          %dma_start3A_45 = tpu.memref_slice %arg7[%dma_start3A_43, %dma_start3A_44] : memref<10000x128xf32, #tpu.memory_space<vmem_shared>> -> memref<10000x128xf32, #tpu.memory_space<vmem_shared>>
          tpu.enqueue_indirect_dma source(%arg6 : memref<128x128xf32, #tpu.memory_space<vmem>>) target(%dma_start3A_45 : memref<10000x128xf32, #tpu.memory_space<vmem_shared>>) offsets(%dma_start3A_42 : memref<128xi32, #tpu.memory_space<vmem>>) semaphore(%run_scoped3A_40 : memref<!tpu.dma_semaphore, #tpu.memory_space<semaphore_mem>>) {add = true}
          %dma_wait3A = arith.constant 0 : i32
          %dma_wait3A_46 = tpu.memref_slice %arg5[%run_scoped3A_39, %dma_wait3A] : memref<2x128xi32, #tpu.memory_space<vmem>> -> memref<1x128xi32, #tpu.memory_space<vmem>>
          %dma_wait3A_47 = tpu.memref_squeeze %dma_wait3A_46 : memref<1x128xi32, #tpu.memory_space<vmem>> -> memref<128xi32, #tpu.memory_space<vmem>>
          %dma_wait3A_48 = arith.constant 0 : i32
          %dma_wait3A_49 = arith.constant 0 : i32
          %dma_wait3A_50 = tpu.memref_slice %arg7[%dma_wait3A_48, %dma_wait3A_49] : memref<10000x128xf32, #tpu.memory_space<vmem_shared>> -> memref<10000x128xf32, #tpu.memory_space<vmem_shared>>
          tpu.wait_indirect_dma semaphore(%run_scoped3A_40 : memref<!tpu.dma_semaphore, #tpu.memory_space<semaphore_mem>>) src(%arg6 : memref<128x128xf32, #tpu.memory_space<vmem>>) dst(%dma_wait3A_50 : memref<10000x128xf32, #tpu.memory_space<vmem_shared>>)
          tpu.yield
        }) : () -> ()
      } else {
      }
      %scan3A_38 = arith.constant 0 : i32
      scf.yield %scan3A_38 : i32
    }
    %scan3A_20 = arith.constant 20 : i32
    %barrier3A_21 = arith.constant 0 : index
    tpu.barrier barrier_id(%barrier3A_21)
    %scan3A_22 = arith.constant 0 : i32
    %scan3A_23 = arith.constant 0 : i32
    %scan3A_24 = arith.constant 8 : i32
    %scan3A_25 = arith.addi %scan3A_23, %scan3A_24 : i32
    %scan3A_26 = arith.constant 1 : i32
    %scan3A_27 = scf.for %scan3A_29 = %scan3A_23 to %scan3A_25 step %scan3A_26 iter_args(%scan3A_30 = %scan3A_22) -> (i32)  : i32 {
      %mul3A_31 = arith.constant 16 : i32
      %mul3A_32 = arith.muli %scan3A_29, %mul3A_31 : i32
      %add3A_33 = arith.addi %arg1, %mul3A_32 : i32
      %lt3A = arith.constant 125 : i32
      %lt3A_34 = arith.cmpi slt, %add3A_33, %lt3A : i32
      %convert_element_type3A = arith.extui %lt3A_34 : i1 to i32
      %cond3A = arith.constant 0 : i32
      %cond3A_35 = arith.cmpi ne, %convert_element_type3A, %cond3A : i32
      scf.if %cond3A_35 {
        %mul3A_37 = arith.constant 80 : i32
        %mul3A_38 = arith.muli %add3A_33, %mul3A_37 : i32
        %mul3A_39 = arith.constant 10000 : i32
        %mul3A_40 = arith.muli %arg0, %mul3A_39 : i32
        %add3A_41 = arith.addi %mul3A_40, %mul3A_38 : i32
        "tpu.region"() ({
          %run_scoped3A = tpu.sem_alloc : memref<!tpu.dma_semaphore, #tpu.memory_space<semaphore_mem>>
          %dma_start3A = arith.constant 0 : i32
          %dma_start3A_42 = tpu.memref_slice %arg4[%add3A_41, %dma_start3A] : memref<20000x128xf32, #tpu.memory_space<hbm>> -> memref<80x128xf32, #tpu.memory_space<hbm>>
          %dma_start3A_43 = arith.constant 0 : i32
          %dma_start3A_44 = tpu.memref_slice %arg7[%mul3A_38, %dma_start3A_43] : memref<10000x128xf32, #tpu.memory_space<vmem_shared>> -> memref<80x128xf32, #tpu.memory_space<vmem_shared>>
          tpu.enqueue_dma source(%dma_start3A_44 : memref<80x128xf32, #tpu.memory_space<vmem_shared>>) target(%dma_start3A_42 : memref<80x128xf32, #tpu.memory_space<hbm>>) target_semaphore(%run_scoped3A : memref<!tpu.dma_semaphore, #tpu.memory_space<semaphore_mem>>)
          %dma_wait3A = arith.constant 0 : i32
          %dma_wait3A_45 = tpu.memref_slice %arg4[%add3A_41, %dma_wait3A] : memref<20000x128xf32, #tpu.memory_space<hbm>> -> memref<80x128xf32, #tpu.memory_space<hbm>>
          %dma_wait3A_46 = arith.constant 0 : i32
          %dma_wait3A_47 = tpu.memref_slice %arg7[%mul3A_38, %dma_wait3A_46] : memref<10000x128xf32, #tpu.memory_space<vmem_shared>> -> memref<80x128xf32, #tpu.memory_space<vmem_shared>>
          tpu.wait_dma2 semaphore(%run_scoped3A : memref<!tpu.dma_semaphore, #tpu.memory_space<semaphore_mem>>) src(%dma_wait3A_47 : memref<80x128xf32, #tpu.memory_space<vmem_shared>>) dst(%dma_wait3A_45 : memref<80x128xf32, #tpu.memory_space<hbm>>)
          tpu.yield
        }) : () -> ()
      } else {
      }
      %scan3A_36 = arith.constant 0 : i32
      scf.yield %scan3A_36 : i32
    }
    %scan3A_28 = arith.constant 8 : i32
    return
  }
}

module attributes {stable_mosaic.version = 14 : i64} {
  func.func @_mm_body(%arg0: i32, %arg1: i32, %arg2: memref<2000x256xf32, #tpu.memory_space<vmem>>, %arg3: memref<256x128xf32, #tpu.memory_space<vmem>>, %arg4: memref<1x2000x128xf32, #tpu.memory_space<vmem>>) attributes {dimension_semantics = [#tpu.dimension_semantics<arbitrary>, #tpu.dimension_semantics<arbitrary>], iteration_bounds = array<i64: 2, 5>, scalar_prefetch = 0 : i64, scratch_operands = 0 : i64, tpu.core_type = #tpu.core_type<tc>, window_params = [{transform_indices = @transform_0, window_bounds = array<i64: 2000, 256>}, {transform_indices = @transform_1, window_bounds = array<i64: 256, 128>}, {transform_indices = @transform_2, window_bounds = array<i64: 1, 2000, 128>}]} {
    %get3A = arith.constant 0 : index
    %get3A_0 = arith.constant 0 : index
    %get3A_1 = vector.load %arg2[%get3A, %get3A_0] : memref<2000x256xf32, #tpu.memory_space<vmem>>, vector<2000x256xf32>
    %get3A_2 = arith.constant 0 : index
    %get3A_3 = arith.constant 0 : index
    %get3A_4 = vector.load %arg3[%get3A_2, %get3A_3] : memref<256x128xf32, #tpu.memory_space<vmem>>, vector<256x128xf32>
    %dot_general3A = arith.constant dense<0.000000e+00> : vector<2000x128xf32>
    %dot_general3A_5 = tpu.matmul %get3A_1, %get3A_4, %dot_general3A {dimension_numbers = #tpu.dot_dimension_numbers<[1], [0], [0], [1], [0, 0, 1, 1], [], []>, transpose_lhs_hint = false} : vector<2000x256xf32>, vector<256x128xf32>, vector<2000x128xf32> -> vector<2000x128xf32>
    %swap3A = arith.constant 0 : index
    %swap3A_6 = arith.constant 0 : index
    %swap3A_7 = arith.constant 0 : index
    %swap3A_8 = vector.load %arg4[%swap3A, %swap3A_6, %swap3A_7] : memref<1x2000x128xf32, #tpu.memory_space<vmem>>, vector<1x2000x128xf32>
    %swap3A_9 = vector.shape_cast %swap3A_8 : vector<1x2000x128xf32> to vector<2000x128xf32>
    %swap3A_10 = vector.shape_cast %dot_general3A_5 : vector<2000x128xf32> to vector<1x2000x128xf32>
    tpu.vector_store %arg4[%swap3A, %swap3A_6, %swap3A_7], %swap3A_10 {strides = array<i32>} : memref<1x2000x128xf32, #tpu.memory_space<vmem>>, vector<1x2000x128xf32>,
    return
  }
  func.func @transform_0(%arg0: i32, %arg1: i32) -> (i32, i32) {
    %c0_i32 = arith.constant 0 : i32
    %c0_i32_0 = arith.constant 0 : i32
    return %arg1, %c0_i32 : i32, i32
  }
  func.func @transform_1(%arg0: i32, %arg1: i32) -> (i32, i32) {
    %c0_i32 = arith.constant 0 : i32
    %c0_i32_0 = arith.constant 0 : i32
    return %c0_i32, %arg0 : i32, i32
  }
  func.func @transform_2(%arg0: i32, %arg1: i32) -> (i32, i32, i32) {
    %c0_i32 = arith.constant 0 : i32
    %c0_i32_0 = arith.constant 0 : i32
    return %arg0, %arg1, %c0_i32 : i32, i32, i32
  }
}

module attributes {stable_mosaic.version = 14 : i64} {
  func.func @_xe_body(%arg0: i32, %arg1: i32, %arg2: memref<2000x16xf32, #tpu.memory_space<vmem>>, %arg3: memref<16x128xf32, #tpu.memory_space<vmem>>, %arg4: memref<2x128xf32, #tpu.memory_space<vmem>>, %arg5: memref<1x2000x128xf32, #tpu.memory_space<vmem>>) attributes {dimension_semantics = [#tpu.dimension_semantics<arbitrary>, #tpu.dimension_semantics<arbitrary>], iteration_bounds = array<i64: 2, 80>, scalar_prefetch = 0 : i64, scratch_operands = 0 : i64, tpu.core_type = #tpu.core_type<tc>, window_params = [{transform_indices = @transform_0, window_bounds = array<i64: 2000, 16>}, {transform_indices = @transform_1, window_bounds = array<i64: 16, 128>}, {pipeline_mode = #tpu.pipeline_mode<synchronous>, transform_indices = @transform_2, window_bounds = array<i64: 2, 128>}, {transform_indices = @transform_3, window_bounds = array<i64: 1, 2000, 128>}]} {
    %get3A = arith.constant 0 : index
    %get3A_0 = arith.constant 0 : index
    %get3A_1 = vector.load %arg2[%get3A, %get3A_0] : memref<2000x16xf32, #tpu.memory_space<vmem>>, vector<2000x16xf32>
    %get3A_2 = arith.constant 0 : index
    %get3A_3 = arith.constant 0 : index
    %get3A_4 = vector.load %arg3[%get3A_2, %get3A_3] : memref<16x128xf32, #tpu.memory_space<vmem>>, vector<16x128xf32>
    %dot_general3A = arith.constant dense<0.000000e+00> : vector<2000x128xf32>
    %dot_general3A_5 = tpu.matmul %get3A_1, %get3A_4, %dot_general3A {dimension_numbers = #tpu.dot_dimension_numbers<[1], [0], [0], [1], [0, 0, 1, 1], [], []>, transpose_lhs_hint = false} : vector<2000x16xf32>, vector<16x128xf32>, vector<2000x128xf32> -> vector<2000x128xf32>
    %get3A_6 = arith.index_cast %arg0 : i32 to index
    %get3A_7 = arith.constant 0 : index
    %get3A_8 = vector.load %arg4[%get3A_6, %get3A_7] : memref<2x128xf32, #tpu.memory_space<vmem>>, vector<1x128xf32>
    %get3A_9 = vector.shape_cast %get3A_8 : vector<1x128xf32> to vector<128xf32>
    %broadcast_in_dim3A = vector.shape_cast %get3A_9 : vector<128xf32> to vector<1x128xf32>
    %add3A = vector.broadcast %broadcast_in_dim3A : vector<1x128xf32> to vector<2000x128xf32>
    %add3A_10 = arith.addf %dot_general3A_5, %add3A : vector<2000x128xf32>
    %swap3A = arith.constant 0 : index
    %swap3A_11 = arith.constant 0 : index
    %swap3A_12 = arith.constant 0 : index
    %swap3A_13 = vector.load %arg5[%swap3A, %swap3A_11, %swap3A_12] : memref<1x2000x128xf32, #tpu.memory_space<vmem>>, vector<1x2000x128xf32>
    %swap3A_14 = vector.shape_cast %swap3A_13 : vector<1x2000x128xf32> to vector<2000x128xf32>
    %swap3A_15 = vector.shape_cast %add3A_10 : vector<2000x128xf32> to vector<1x2000x128xf32>
    tpu.vector_store %arg5[%swap3A, %swap3A_11, %swap3A_12], %swap3A_15 {strides = array<i32>} : memref<1x2000x128xf32, #tpu.memory_space<vmem>>, vector<1x2000x128xf32>,
    return
  }
  func.func @transform_0(%arg0: i32, %arg1: i32) -> (i32, i32) {
    %c0_i32 = arith.constant 0 : i32
    %c0_i32_0 = arith.constant 0 : i32
    return %arg1, %c0_i32 : i32, i32
  }
  func.func @transform_1(%arg0: i32, %arg1: i32) -> (i32, i32) {
    %c0_i32 = arith.constant 0 : i32
    %c0_i32_0 = arith.constant 0 : i32
    return %c0_i32, %arg0 : i32, i32
  }
  func.func @transform_2(%arg0: i32, %arg1: i32) -> (i32, i32) {
    %c0_i32 = arith.constant 0 : i32
    %c0_i32_0 = arith.constant 0 : i32
    %c0_i32_1 = arith.constant 0 : i32
    return %c0_i32, %c0_i32_0 : i32, i32
  }
  func.func @transform_3(%arg0: i32, %arg1: i32) -> (i32, i32, i32) {
    %c0_i32 = arith.constant 0 : i32
    %c0_i32_0 = arith.constant 0 : i32
    return %arg0, %arg1, %c0_i32 : i32, i32, i32
  }
}

module attributes {stable_mosaic.version = 14 : i64} {
  func.func @_fin_body(%arg0: i32, %arg1: memref<2x2000x128xf32, #tpu.memory_space<vmem>>, %arg2: memref<2x2000x128xf32, #tpu.memory_space<vmem>>, %arg3: memref<2000x256xf32, #tpu.memory_space<vmem>>, %arg4: memref<256x256xf32, #tpu.memory_space<vmem>>, %arg5: memref<1x256xf32, #tpu.memory_space<vmem>>, %arg6: memref<1x256xf32, #tpu.memory_space<vmem>>, %arg7: memref<1x256xf32, #tpu.memory_space<vmem>>, %arg8: memref<2000x256xf32, #tpu.memory_space<vmem>>) attributes {dimension_semantics = [#tpu.dimension_semantics<arbitrary>], iteration_bounds = array<i64: 5>, scalar_prefetch = 0 : i64, scratch_operands = 0 : i64, tpu.core_type = #tpu.core_type<tc>, window_params = [{transform_indices = @transform_0, window_bounds = array<i64: 2, 2000, 128>}, {transform_indices = @transform_1, window_bounds = array<i64: 2, 2000, 128>}, {transform_indices = @transform_2, window_bounds = array<i64: 2000, 256>}, {pipeline_mode = #tpu.pipeline_mode<synchronous>, transform_indices = @transform_3, window_bounds = array<i64: 256, 256>}, {pipeline_mode = #tpu.pipeline_mode<synchronous>, transform_indices = @transform_4, window_bounds = array<i64: 1, 256>}, {pipeline_mode = #tpu.pipeline_mode<synchronous>, transform_indices = @transform_5, window_bounds = array<i64: 1, 256>}, {pipeline_mode = #tpu.pipeline_mode<synchronous>, transform_indices = @transform_6, window_bounds = array<i64: 1, 256>}, {transform_indices = @transform_7, window_bounds = array<i64: 2000, 256>}]} {
    %get3A = arith.constant 0 : index
    %get3A_0 = arith.constant 0 : index
    %get3A_1 = arith.constant 0 : index
    %get3A_2 = vector.load %arg2[%get3A, %get3A_0, %get3A_1] : memref<2x2000x128xf32, #tpu.memory_space<vmem>>, vector<1x2000x128xf32>
    %get3A_3 = vector.shape_cast %get3A_2 : vector<1x2000x128xf32> to vector<2000x128xf32>
    %slice3A = vector.extract_strided_slice %get3A_3 {offsets = [0, 0], sizes = [2000, 1], strides = [1, 1]} : vector<2000x128xf32> to vector<2000x1xf32>
    %get3A_4 = arith.constant 1 : index
    %get3A_5 = arith.constant 0 : index
    %get3A_6 = arith.constant 0 : index
    %get3A_7 = vector.load %arg2[%get3A_4, %get3A_5, %get3A_6] : memref<2x2000x128xf32, #tpu.memory_space<vmem>>, vector<1x2000x128xf32>
    %get3A_8 = vector.shape_cast %get3A_7 : vector<1x2000x128xf32> to vector<2000x128xf32>
    %slice3A_9 = vector.extract_strided_slice %get3A_8 {offsets = [0, 0], sizes = [2000, 1], strides = [1, 1]} : vector<2000x128xf32> to vector<2000x1xf32>
    %add3A = arith.addf %slice3A, %slice3A_9 : vector<2000x1xf32>
    %get3A_10 = arith.constant 0 : index
    %get3A_11 = arith.constant 0 : index
    %get3A_12 = arith.constant 0 : index
    %get3A_13 = vector.load %arg1[%get3A_10, %get3A_11, %get3A_12] : memref<2x2000x128xf32, #tpu.memory_space<vmem>>, vector<1x2000x128xf32>
    %get3A_14 = vector.shape_cast %get3A_13 : vector<1x2000x128xf32> to vector<2000x128xf32>
    %get3A_15 = arith.constant 0 : index
    %get3A_16 = arith.constant 0 : index
    %get3A_17 = vector.load %arg4[%get3A_15, %get3A_16] : memref<256x256xf32, #tpu.memory_space<vmem>>, vector<128x256xf32>
    %dot_general3A = arith.constant dense<0.000000e+00> : vector<2000x256xf32>
    %dot_general3A_18 = tpu.matmul %get3A_14, %get3A_17, %dot_general3A {dimension_numbers = #tpu.dot_dimension_numbers<[1], [0], [0], [1], [0, 0, 1, 1], [], []>, transpose_lhs_hint = false} : vector<2000x128xf32>, vector<128x256xf32>, vector<2000x256xf32> -> vector<2000x256xf32>
    %get3A_19 = arith.constant 1 : index
    %get3A_20 = arith.constant 0 : index
    %get3A_21 = arith.constant 0 : index
    %get3A_22 = vector.load %arg1[%get3A_19, %get3A_20, %get3A_21] : memref<2x2000x128xf32, #tpu.memory_space<vmem>>, vector<1x2000x128xf32>
    %get3A_23 = vector.shape_cast %get3A_22 : vector<1x2000x128xf32> to vector<2000x128xf32>
    %get3A_24 = arith.constant 128 : index
    %get3A_25 = arith.constant 0 : index
    %get3A_26 = vector.load %arg4[%get3A_24, %get3A_25] : memref<256x256xf32, #tpu.memory_space<vmem>>, vector<128x256xf32>
    %dot_general3A_27 = arith.constant dense<0.000000e+00> : vector<2000x256xf32>
    %dot_general3A_28 = tpu.matmul %get3A_23, %get3A_26, %dot_general3A_27 {dimension_numbers = #tpu.dot_dimension_numbers<[1], [0], [0], [1], [0, 0, 1, 1], [], []>, transpose_lhs_hint = false} : vector<2000x128xf32>, vector<128x256xf32>, vector<2000x256xf32> -> vector<2000x256xf32>
    %add3A_29 = arith.addf %dot_general3A_18, %dot_general3A_28 : vector<2000x256xf32>
    %get3A_30 = arith.constant 0 : index
    %get3A_31 = arith.constant 0 : index
    %get3A_32 = vector.load %arg5[%get3A_30, %get3A_31] : memref<1x256xf32, #tpu.memory_space<vmem>>, vector<1x256xf32>
    %mul3A = vector.broadcast %add3A : vector<2000x1xf32> to vector<2000x256xf32>
    %mul3A_33 = vector.broadcast %get3A_32 : vector<1x256xf32> to vector<2000x256xf32>
    %mul3A_34 = arith.mulf %mul3A, %mul3A_33 : vector<2000x256xf32>
    %add3A_35 = arith.addf %add3A_29, %mul3A_34 : vector<2000x256xf32>
    %get3A_36 = arith.constant 0 : index
    %get3A_37 = arith.constant 0 : index
    %get3A_38 = vector.load %arg3[%get3A_36, %get3A_37] : memref<2000x256xf32, #tpu.memory_space<vmem>>, vector<2000x256xf32>
    %max3A = arith.constant 1.000000e+00 : f32
    %max3A_39 = vector.broadcast %max3A : f32 to vector<2000x1xf32>
    %max3A_40 = arith.maximumf %add3A, %max3A_39 : vector<2000x1xf32>
    %div3A = vector.broadcast %max3A_40 : vector<2000x1xf32> to vector<2000x256xf32>
    %div3A_41 = arith.divf %add3A_35, %div3A : vector<2000x256xf32>
    %add3A_42 = arith.addf %get3A_38, %div3A_41 : vector<2000x256xf32>
    %reduce_sum3A = arith.constant dense<0.000000e+00> : vector<2000xf32>
    %reduce_sum3A_43 = vector.multi_reduction <add>, %add3A_42, %reduce_sum3A [1] : vector<2000x256xf32> to vector<2000xf32>
    %broadcast_in_dim3A = vector.shape_cast %reduce_sum3A_43 : vector<2000xf32> to vector<2000x1xf32>
    %div3A_44 = arith.constant 2.560000e+02 : f32
    %div3A_45 = vector.broadcast %div3A_44 : f32 to vector<2000x1xf32>
    %div3A_46 = arith.divf %broadcast_in_dim3A, %div3A_45 : vector<2000x1xf32>
    %sub3A = vector.broadcast %div3A_46 : vector<2000x1xf32> to vector<2000x256xf32>
    %sub3A_47 = arith.subf %add3A_42, %sub3A : vector<2000x256xf32>
    %integer_pow3A = arith.mulf %sub3A_47, %sub3A_47 : vector<2000x256xf32>
    %reduce_sum3A_48 = arith.constant dense<0.000000e+00> : vector<2000xf32>
    %reduce_sum3A_49 = vector.multi_reduction <add>, %integer_pow3A, %reduce_sum3A_48 [1] : vector<2000x256xf32> to vector<2000xf32>
    %broadcast_in_dim3A_50 = vector.shape_cast %reduce_sum3A_49 : vector<2000xf32> to vector<2000x1xf32>
    %div3A_51 = arith.constant 2.560000e+02 : f32
    %div3A_52 = vector.broadcast %div3A_51 : f32 to vector<2000x1xf32>
    %div3A_53 = arith.divf %broadcast_in_dim3A_50, %div3A_52 : vector<2000x1xf32>
    %sub3A_54 = vector.broadcast %div3A_46 : vector<2000x1xf32> to vector<2000x256xf32>
    %sub3A_55 = arith.subf %add3A_42, %sub3A_54 : vector<2000x256xf32>
    %add3A_56 = arith.constant 9.99999974E-6 : f32
    %add3A_57 = vector.broadcast %add3A_56 : f32 to vector<2000x1xf32>
    %add3A_58 = arith.addf %div3A_53, %add3A_57 : vector<2000x1xf32>
    %rsqrt3A = math.rsqrt %add3A_58 : vector<2000x1xf32>
    %mul3A_59 = vector.broadcast %rsqrt3A : vector<2000x1xf32> to vector<2000x256xf32>
    %mul3A_60 = arith.mulf %sub3A_55, %mul3A_59 : vector<2000x256xf32>
    %get3A_61 = arith.constant 0 : index
    %get3A_62 = arith.constant 0 : index
    %get3A_63 = vector.load %arg6[%get3A_61, %get3A_62] : memref<1x256xf32, #tpu.memory_space<vmem>>, vector<1x256xf32>
    %mul3A_64 = vector.broadcast %get3A_63 : vector<1x256xf32> to vector<2000x256xf32>
    %mul3A_65 = arith.mulf %mul3A_60, %mul3A_64 : vector<2000x256xf32>
    %get3A_66 = arith.constant 0 : index
    %get3A_67 = arith.constant 0 : index
    %get3A_68 = vector.load %arg7[%get3A_66, %get3A_67] : memref<1x256xf32, #tpu.memory_space<vmem>>, vector<1x256xf32>
    %add3A_69 = vector.broadcast %get3A_68 : vector<1x256xf32> to vector<2000x256xf32>
    %add3A_70 = arith.addf %mul3A_65, %add3A_69 : vector<2000x256xf32>
    %swap3A = arith.constant 0 : index
    %swap3A_71 = arith.constant 0 : index
    %swap3A_72 = vector.load %arg8[%swap3A, %swap3A_71] : memref<2000x256xf32, #tpu.memory_space<vmem>>, vector<2000x256xf32>
    tpu.vector_store %arg8[%swap3A, %swap3A_71], %add3A_70 {strides = array<i32>} : memref<2000x256xf32, #tpu.memory_space<vmem>>, vector<2000x256xf32>,
    return
  }
  func.func @transform_0(%arg0: i32) -> (i32, i32, i32) {
    %c0_i32 = arith.constant 0 : i32
    %c0_i32_0 = arith.constant 0 : i32
    %c0_i32_1 = arith.constant 0 : i32
    return %c0_i32, %arg0, %c0_i32_0 : i32, i32, i32
  }
  func.func @transform_1(%arg0: i32) -> (i32, i32, i32) {
    %c0_i32 = arith.constant 0 : i32
    %c0_i32_0 = arith.constant 0 : i32
    %c0_i32_1 = arith.constant 0 : i32
    return %c0_i32, %arg0, %c0_i32_0 : i32, i32, i32
  }
  func.func @transform_2(%arg0: i32) -> (i32, i32) {
    %c0_i32 = arith.constant 0 : i32
    %c0_i32_0 = arith.constant 0 : i32
    return %arg0, %c0_i32 : i32, i32
  }
  func.func @transform_3(%arg0: i32) -> (i32, i32) {
    %c0_i32 = arith.constant 0 : i32
    %c0_i32_0 = arith.constant 0 : i32
    %c0_i32_1 = arith.constant 0 : i32
    return %c0_i32, %c0_i32_0 : i32, i32
  }
  func.func @transform_4(%arg0: i32) -> (i32, i32) {
    %c0_i32 = arith.constant 0 : i32
    %c0_i32_0 = arith.constant 0 : i32
    %c0_i32_1 = arith.constant 0 : i32
    return %c0_i32, %c0_i32_0 : i32, i32
  }
  func.func @transform_5(%arg0: i32) -> (i32, i32) {
    %c0_i32 = arith.constant 0 : i32
    %c0_i32_0 = arith.constant 0 : i32
    %c0_i32_1 = arith.constant 0 : i32
    return %c0_i32, %c0_i32_0 : i32, i32
  }
  func.func @transform_6(%arg0: i32) -> (i32, i32) {
    %c0_i32 = arith.constant 0 : i32
    %c0_i32_0 = arith.constant 0 : i32
    %c0_i32_1 = arith.constant 0 : i32
    return %c0_i32, %c0_i32_0 : i32, i32
  }
  func.func @transform_7(%arg0: i32) -> (i32, i32) {
    %c0_i32 = arith.constant 0 : i32
    %c0_i32_0 = arith.constant 0 : i32
    return %arg0, %c0_i32 : i32, i32
  }
}

</mosaic_0001>

<sc_bundles>
// kernel: kernel.11.cloned.1.call-start
scs
__scs_entry_jumppad:
0x0: {  	(pc) =	sbr.rel $0x88, $3  }
0x1: {  	(tag) =	ssettag $0x0;
	lr =	simm.s32 $0x1  }
0x2: {  	[smem:$0x3F97] =	sst lr;
	_ =	strace $0xD0000000  }
0x3: {  	_ = 	snop  }
0x4: {  	_ = 	snop  }
0x5: {  	_ = 	snop  }
0x6: {  	_ = 	snop  }
0x7: {  	_ = 	snop  }
__scs_overlays_trampoline_lowered:
0x8: {  	[smem:$0x3FA6] =	sst s0  }
0x9: {  	[smem:$0x3FA7] =	sst s1  }
0xa: {  	[smem:$0x3FA8] =	sst s2  }
0xb: {  	[smem:$0x3FA9] =	sst s3  }
0xc: {  	[smem:$0x3FAA] =	sst s4  }
0xd: {  	[smem:$0x3FAB] =	sst s5  }
0xe: {  	[smem:$0x3FAC] =	sst s6  }
0xf: {  	[smem:$0x3FAD] =	sst s7  }
0x10: {  	[smem:$0x3FAE] =	sst s8  }
0x11: {  	[smem:$0x3FAF] =	sst s9;
	s0 =	simm.s32 @!p0 $0x0  }
0x12: {  	s1 =	sld [smem:$0x3F95];
	s0 =	simm.s32 @p0 $0x1  }
0x13: {  	[smem:$0x3FB0] =	sst s0;
	s0 =	simm.s32 @!p1 $0x0  }
0x14: {  	s2 =	sld [smem:$0x3F94];
	s0 =	simm.s32 @p1 $0x1  }
0x15: {  	[smem:$0x3FB1] =	sst s0;
	s0 =	simm.s32 @!p2 $0x0  }
0x16: {  	s3 =	sld [smem:$0x3FDB];
	s0 =	simm.s32 @p2 $0x1  }
0x17: {  	s4 =	simm.s32 $0x1BF5;
	[smem:$0x3FB3] =	sst s0  }
0x18: {  	s0 =	sld [smem:$0x3F96];
	_ =	swait.ge [sflag:s4], $0x0  }
0x19: {  	s7 =	sld [smem:$0x3F97]  }
0x1a: {  	s8 =	sadd.s32 $0xFFFFE003, lr  }
0x1b: {  	s9 =	sadd.s32 $0xFFFFFEF7, lr;
	s5 =	simm.s32 $0xFFFFFFFF;
	p2 =	slt.u32 s8, $0xFFFFF086  }
0x1c: {  	p1 =	slt.u32 s9, $0xF7A;
	s5 =	simm.s32 @!p2 $0x0  }
0x1d: {  	s5 =	simm.s32 @p1 $0x1;
	p0 =	seq.s32 s7, s2  }
0x1e: {  	s7 =	smul.u32 @!p0 $0xF7A, s2;
	p2 =	seq.s32 @!p0 s5, $0x0  }
0x1f: {  	s9 =	smul.u32 $0xF7A, s1;
	s8 =	simm.s32 @!p0 $0x1BF5;
	p2 =	por !p2, p0  }
0x20: {  	[sflag:s8] =	ssyncset.s32 @!p0 $0xFFFFF086;
	s6 =	sadd.s32 @!p0 s3, s7;
	s7 =	simm.s32 @!p0 $0x108  }
0x21: {  	s3 =	sadd.s32 s3, s9;
	s6 =	sadd.s32 @!p0 $0x88, s6;
	s7 =	simm.s32 @p2 $0x1082  }
0x22: {  	[simem:s7], [sflag:s8] =	dma.local @!p0 [hbm:s6], $0xF7A  }
0x23: {  	s9 =	sor.u32 $0xD0000000, s2;
	s6 =	simm.s32 $0x108;
	_ =	swait.ge @!p0 [sflag:s8], $0x0  }
0x24: {  	s3 =	sadd.s32 $0x88, s3;
	s6 =	simm.s32 @!p1 $0x1082;
	[sflag:s4] =	ssyncset.s32 $0xFFFFF086  }
0x25: {  	[simem:s6], [sflag:s4] =	dma.local [hbm:s3], $0xF7A  }
0x26: {  	[smem:$0x3F97] =	sst s1;
	(tag) =	ssettag s2;
	_ =	strace s9  }
0x27: {  	s1 =	sld [smem:$0x3FA7]  }
0x28: {  	s2 =	sld [smem:$0x3FA8]  }
0x29: {  	s4 =	sld [smem:$0x3FAA]  }
0x2a: {  	p0 =	seq.s32 s5, $0x0;
	s5 =	sld [smem:$0x3FAB]  }
0x2b: {  	s6 =	sld [smem:$0x3FAC]  }
0x2c: {  	s7 =	sld [smem:$0x3FAD]  }
0x2d: {  	s3 =	simm.s32 $0x108;
	s8 =	sld [smem:$0x3FAE]  }
0x2e: {  	s3 =	simm.s32 @!p0 $0x1082;
	s9 =	sld [smem:$0x3FAF]  }
0x2f: {  	lr =	sadd.s32 s0, s3;
	s0 =	sld [smem:$0x3FA6]  }
0x30: {  	s3 =	sld [smem:$0x3FA9]  }
0x31: {  	[smem:$0x3FB2] =	sst s10  }
0x32: {  	s10 =	sld [smem:$0x3FB0];
	_ =	sdelay $0x3  }
0x33: {  	p0 =	seq.s32 s10, $0x1;
	s10 =	sld [smem:$0x3FB2];
	_ =	sdelay $0x3  }
0x34: {  	[smem:$0x3FB2] =	sst s10  }
0x35: {  	s10 =	sld [smem:$0x3FB1];
	_ =	sdelay $0x3  }
0x36: {  	p1 =	seq.s32 s10, $0x1;
	s10 =	sld [smem:$0x3FB2];
	_ =	sdelay $0x3  }
0x37: {  	[smem:$0x3FB2] =	sst s10  }
0x38: {  	s10 =	sld [smem:$0x3FB3]  }
0x39: {  	_ = 	snop;
	(pc) =	sbr.ind lr, $3  }
0x3a: {  	_ = 	snop  }
0x3b: {  	_ = 	snop  }
0x3c: {  	p2 =	seq.s32 s10, $0x1;
	s10 =	sld [smem:$0x3FB2]  }
0x3d: {  	_ =	shalt  }
0x3e: {  	_ =	shalt  }
0x3f: {  	_ =	shalt  }
0x40: {  	_ =	shalt  }
0x41: {  	_ =	shalt  }
0x42: {  	_ =	shalt  }
0x43: {  	_ =	shalt  }
0x44: {  	_ =	shalt  }
0x45: {  	_ =	shalt  }
0x46: {  	_ =	shalt  }
0x47: {  	_ =	shalt  }
0x48: {  	_ =	shalt  }
0x49: {  	_ =	shalt  }
0x4a: {  	_ =	shalt  }
0x4b: {  	_ =	shalt  }
0x4c: {  	_ =	shalt  }
0x4d: {  	_ =	shalt  }
0x4e: {  	_ =	shalt  }
0x4f: {  	_ =	shalt  }
0x50: {  	_ =	shalt  }
0x51: {  	_ =	shalt  }
0x52: {  	_ =	shalt  }
0x53: {  	_ =	shalt  }
0x54: {  	_ =	shalt  }
0x55: {  	_ =	shalt  }
0x56: {  	_ =	shalt  }
0x57: {  	_ =	shalt  }
0x58: {  	_ =	shalt  }
0x59: {  	_ =	shalt  }
0x5a: {  	_ =	shalt  }
0x5b: {  	_ =	shalt  }
0x5c: {  	_ =	shalt  }
0x5d: {  	_ =	shalt  }
0x5e: {  	_ =	shalt  }
0x5f: {  	_ =	shalt  }
0x60: {  	_ =	shalt  }
0x61: {  	_ =	shalt  }
0x62: {  	_ =	shalt  }
0x63: {  	_ =	shalt  }
0x64: {  	_ =	shalt  }
0x65: {  	_ =	shalt  }
0x66: {  	_ =	shalt  }
0x67: {  	_ =	shalt  }
0x68: {  	_ =	shalt  }
0x69: {  	_ =	shalt  }
0x6a: {  	_ =	shalt  }
0x6b: {  	_ =	shalt  }
0x6c: {  	_ =	shalt  }
0x6d: {  	_ =	shalt  }
0x6e: {  	_ =	shalt  }
0x6f: {  	_ =	shalt  }
0x70: {  	_ =	shalt  }
0x71: {  	_ =	shalt  }
0x72: {  	_ =	shalt  }
0x73: {  	_ =	shalt  }
0x74: {  	_ =	shalt  }
0x75: {  	_ =	shalt  }
0x76: {  	_ =	shalt  }
0x77: {  	_ =	shalt  }
0x78: {  	_ =	shalt  }
0x79: {  	_ =	shalt  }
0x7a: {  	_ =	shalt  }
0x7b: {  	_ =	shalt  }
0x7c: {  	_ =	shalt  }
0x7d: {  	_ =	shalt  }
0x7e: {  	_ =	shalt  }
0x7f: {  	_ =	shalt  }
0x80: {  	_ =	shalt  }
0x81: {  	_ =	shalt  }
0x82: {  	_ =	shalt  }
0x83: {  	_ =	shalt  }
0x84: {  	_ =	shalt  }
0x85: {  	_ =	shalt  }
0x86: {  	_ =	shalt  }
0x87: {  	_ =	shalt  }
.Lfunc_end0:
.L_simem_size_0:
called_computation.1_lowered:
.L_overlay_start_0:
0x88: {  	s2 =	sld [smem:$0x3FD9]  }
0x89: {  	s3 =	sld [smem:$0x3FFE];
	_ =	sdelay $0x1  }
0x8a: {  	s1 =	srdreg.scid  }
0x8b: {  	s0 =	sand.u32 $0x1, s1  }
0x8c: {  	s17 =	sshll.u32 s0, $0xA;
	s2 =	sadd.s32 s3, s2  }
0x8d: {  	s2 =	sadd.s32 s2, s17  }
0x8e: {  	[smem:$0x3FBE] =	sst s2  }
0x8f: {  	_ = 	snop  }
0x90: {  	s2 =	sld [smem:$0x3FD0];
	(tm) =	ssettm $0x1  }
0x91: {  	s18 =	sld [smem:$0x3FFB];
	_ =	sdelay $0x3  }
0x92: {  	_ =	strace s18  }
0x93: {  	s3 =	sld [smem:$0x3FFC];
	_ =	sdelay $0x3  }
0x94: {  	_ =	strace s3  }
0x95: {  	s3 =	sld [smem:$0x3FFD];
	_ =	sdelay $0x3  }
0x96: {  	_ =	strace s3  }
0x97: {  	_ =	strace $0x8FFFFFFF  }
0x98: {  	s19 =	sld [smem:$0x3FDB];
	_ =	sdelay $0x1  }
0x99: {  	s4 =	simm.s32 $_scs_section_size  }
0x9a: {  	s5 =	simm.s32 $_size__tile_overlayer_lowered;
	s6 =	simm.s32 $_tile_overlayer_lowered  }
0x9b: {  	s22 =	simm.s32 $0x1BFF;
	s21 =	sshll.u32 s6, $0x1;
	s3 =	sadd.s32 s4, s19  }
0x9c: {  	s7 =	simm.s32 $0x0;
	s20 =	sshll.u32 s5, $0x1;
	s5 =	sadd.s32 s21, s3  }
0x9d: {  	[timem:s7], [sflag:s22] =	dma.local [hbm:s5], s20  }
0x9e: {  	_ =	swait.ge [sflag:s22], s20  }
0x9f: {  	s4 =	ssub.s32 $0x0, s20;
	[sflag:s22] =	ssyncset.done $0x0  }
0xa0: {  	[sflag:s22] =	ssyncadd.s32 s4;
	_ =	sdelay $0x1  }
0xa1: {  	s23 =	simm.s32 $0x1B8B  }
0xa2: {  	_ =	swait.ge [sflag:s23], $0x1  }
0xa3: {  	[sflag:s23] =	ssyncset.done $0x0  }
0xa4: {  	s25 =	simm.s32 $0x1B8E;
	s24 =	sld [smem:$0x3FFE];
	[sflag:s23] =	ssyncadd.s32 $0xFFFFFFFF  }
0xa5: {  	s26 =	simm.s32 $execute0_lowered;
	[smem:$0x3FD2] =	sst s25  }
0xa6: {  	s5 =	sshll.u32 s26, $0x1;
	_ =	strace $0x80000046;
	[dreg:$0x1] =	wrdreg $0xFFFFFFFF  }
0xa7: {  	s28 =	simm.s32 $_size_execute0_lowered;
	s3 =	sadd.s32 s3, s5;
	[dreg:$0x0] =	wrdreg $0x0  }
0xa8: {  	s5 =	sshll.u32 s28, $0x1;
	[dreg:$0x2] =	wrdreg s3  }
0xa9: {  	[dreg:$0x3] =	wrdreg s5  }
0xaa: {  	[dreg:$0x4] =	wrdreg $0xC0  }
0xab: {  	_ =	task [dreg:s7], $0x5FFFF  }
0xac: {  	[dreg:$0x1] =	wrdreg $0xFFFFFFFF  }
0xad: {  	[dreg:$0x0] =	wrdreg $0x60  }
0xae: {  	[dreg:$0x2] =	wrdreg s2  }
0xaf: {  	[dreg:$0x3] =	wrdreg s24  }
0xb0: {  	[dreg:$0x4] =	wrdreg $0xA6000  }
0xb1: {  	[dreg:$0x5] =	wrdreg $0xA  }
0xb2: {  	_ =	task.clear_ibuf [dreg:s7], $0x6FFFF;
	_ =	strace $0x90000046  }
0xb3: {  	s29 =	simm.s32 $0xA;
	_ =	strace $0x80000048  }
0xb4: {  	_ =	swait.ge [sflag:s29], $0x1  }
0xb5: {  	[sflag:s29] =	ssyncadd.s32 $0xFFFFFFFF  }
0xb6: {  	_ =	strace $0x90000048  }
0xb7: {  	_ =	sfence  }
0xb8: {  	s30 =	sld [smem:$0x0];
	_ =	sdelay $0x2  }
0xb9: {  	s31 =	sshll.u32 s1, $0xD;
	s1 =	sshrl.u32 s1, $0x2  }
0xba: {  	s3 =	sand.u32 $0x4000, s31;
	s1 =	sadd.s32 s1, s30  }
0xbb: {  	s0 =	sor.u32 s3, s0;
	s1 =	sshll.u32 s1, $0x11  }
0xbc: {  	s0 =	sor.u32 s1, s0  }
0xbd: {  	s0 =	sadd.s32 $0x8F2B, s0  }
0xbe: {  	[sflag:s0] =	ssyncadd.remote.s32 $0x1  }
0xbf: {  	_ =	sfence.sel $0xFFFF  }
0xc0: {  	[dreg:$0x0] =	wrdreg $0xFFFFFFFF;
	(pc) =	sbr.abs _section_cstart, $3  }
0xc1: {  	[dreg:$0x1] =	wrdreg $0xFFFFFFFF  }
0xc2: {  	_ =	task.clear_ibuf [dreg:s7], $0x2FFFF;
	_ =	strace $0x9FFFFFFF  }
0xc3: {  	(tm) =	ssettm $0x7FFFFFFF  }
tec
execute0_lowered:
.L_overlay_start_1:
0x0: {  	(tag) =	ssettag $0x1  }
0x1: {  	s2 =	srdreg.scid  }
0x2: {  	s6 =	sand.u32 $0x1, s2  }
0x3: {  	s5 =	smul.u32 $0x2710, s6  }
0x4: {  	s2 =	stileid.u32;
	s4 =	smul.u32 $0x271000, s6  }
0x5: {  	s12 =	smul.u32 $0x500, s2  }
0x6: {  	s13 =	sor.u32 $0x10, s2;
	s23 =	smul.u32 $0x50, s2  }
0x7: {  	s7 =	sor.u32 $0x20, s2;
	s14 =	smul.u32 $0x500, s13  }
0x8: {  	s8 =	sor.u32 $0x30, s2;
	s15 =	smul.u32 $0x500, s7  }
0x9: {  	s11 =	sor.u32 $0x40, s2;
	s17 =	smul.u32 $0x500, s8  }
0xa: {  	s1 =	rddreg [dreg:$0x1];
	s9 =	sor.u32 $0x50, s2;
	s18 =	smul.u32 $0x500, s11  }
0xb: {  	s6 =	ssub.s32 $0x2, s6;
	s10 =	sor.u32 $0x60, s2;
	s20 =	smul.u32 $0x500, s9  }
0xc: {  	s16 =	sadd.s32 $0x3200, s1;
	s19 =	sshrl.u32 s6, $0x1;
	s21 =	smul.u32 $0x500, s10  }
0xd: {  	s19 =	ssub.s32 s6, s19;
	s6 =	sor.u32 $0x70, s2;
	s12 =	sadd.s32 s16, s12  }
0xe: {  	[dreg:$0x5] =	wrdreg s12;
	s12 =	smul.u32 $0x500, s6  }
0xf: {  	s0 =	rddreg [dreg:$0x0];
	s24 =	sadd.s32 s16, s18;
	s18 =	smul.u32 $0x50, s13  }
0x10: {  	s3 =	rddreg [dreg:$0x2];
	s31 =	simm.s32 $0x0;
	s13 =	smul.u32 $0xA000, s13  }
0x11: {  	s30 =	simm.s32 $0x2600;
	s25 =	sadd.s32 s16, s20;
	s20 =	smul.u32 $0x50, s7  }
0x12: {  	[smem:$0x7FF] =	sst s31;
	s22 =	sadd.s32 s16, s17;
	s7 =	smul.u32 $0xA000, s7  }
0x13: {  	s28 =	sadd.s32 $0x2DB800, s1;
	[dreg:$0x8] =	wrdreg s22;
	s22 =	smul.u32 $0x50, s8  }
0x14: {  	s29 =	sadd.s32 $0x2DBC00, s1;
	[dreg:$0x9] =	wrdreg s24;
	s24 =	smul.u32 $0x50, s11  }
0x15: {  	s26 =	sadd.s32 s16, s21;
	[dreg:$0xa] =	wrdreg s25;
	s25 =	smul.u32 $0x50, s9  }
0x16: {  	s14 =	sadd.s32 s16, s14;
	[dreg:$0xb] =	wrdreg s26;
	s26 =	smul.u32 $0x50, s10  }
0x17: {  	s15 =	sadd.s32 s16, s15;
	s17 =	sadd.s32 s5, s23;
	s8 =	smul.u32 $0xA000, s8  }
0x18: {  	p0 =	sgt.u32 s6, $0x7C;
	[dreg:$0x6] =	wrdreg s14;
	s11 =	smul.u32 $0xA000, s11  }
0x19: {  	[dreg:$0x7] =	wrdreg s15;
	s15 =	sadd.s32 $0x2A400, s1;
	s9 =	smul.u32 $0xA000, s9  }
0x1a: {  	s10 =	smul.u32 $0xA000, s10;
	s12 =	sadd.s32 s16, s12;
	s14 =	sadd.s32 s5, s18  }
0x1b: {  	s23 =	sadd.s32 s5, s20;
	s7 =	sshrl.u32 s7, $0x2;
	[dreg:$0xc] =	wrdreg s12  }
0x1c: {  	s12 =	sshll.u32 s17, $0x4;
	s21 =	sshll.u32 s14, $0x4;
	s14 =	sadd.s32 s5, s22  }
0x1d: {  	s16 =	sadd.s32 s5, s24;
	s22 =	sadd.s32 s5, s25;
	s24 =	smul.u32 $0x50, s6  }
0x1e: {  	s8 =	sshrl.u32 s8, $0x2;
	s11 =	sshrl.u32 s11, $0x2;
	s6 =	smul.u32 $0xA000, s6  }
0x1f: {  	s7 =	sadd.s32 s7, s3;
	_ =	strace $0x80000047;
	s12 =	sadd.s32 s15, s12  }
0x20: {  	s14 =	sshll.u32 s14, $0x4;
	s25 =	sshll.u32 s22, $0x4;
	s22 =	sadd.s32 $0x2DB000, s1  }
0x21: {  	[dreg:$0x18] =	wrdreg s7;
	s17 =	sadd.s32 s8, s3;
	s8 =	simm.s32 $0x3  }
0x22: {  	[dreg:$0xd] =	wrdreg s12;
	s12 =	sadd.s32 s15, s21;
	s20 =	sadd.s32 s15, s14  }
0x23: {  	s21 =	sshll.u32 s16, $0x4;
	s18 =	sadd.s32 s5, s24;
	s24 =	sadd.s32 $0x283000, s1  }
0x24: {  	s14 =	smax.u32 s19, $0x1;
	[dreg:$0x19] =	wrdreg s17;
	s19 =	sshrl.u32 s9, $0x2  }
0x25: {  	s6 =	sshrl.u32 s6, $0x2;
	s17 =	simm.s32 $0x300;
	[dreg:$0xe] =	wrdreg s12  }
0x26: {  	s12 =	sshll.u32 s23, $0x4;
	[dreg:$0x10] =	wrdreg s20;
	s23 =	sadd.s32 s5, s26  }
0x27: {  	s20 =	smul.u32 $0xA000, s2;
	[dreg:$0x15] =	wrdreg s14;
	s7 =	sadd.s32 s19, s3  }
0x28: {  	s6 =	sadd.s32 s6, s3;
	s14 =	simm.s32 $0x200;
	s19 =	simm.s32 $0x8600  }
0x29: {  	s12 =	sadd.s32 s15, s12;
	s26 =	sshll.u32 s23, $0x4;
	[dreg:$0x1b] =	wrdreg s7  }
0x2a: {  	s23 =	sadd.s32 $0x279200, s1;
	[dreg:$0x1d] =	wrdreg s6;
	s6 =	simm.s32 $0x6600  }
0x2b: {  	s7 =	simm.s32 $0x2;
	[dreg:$0xf] =	wrdreg s12;
	s12 =	sadd.s32 s15, s21  }
0x2c: {  	s16 =	sadd.s32 s15, s26;
	s21 =	sadd.s32 $0x28CE00, s1;
	[dreg:$0x11] =	wrdreg s12  }
0x2d: {  	s26 =	sadd.s32 $0x2DB400, s1;
	s12 =	sadd.s32 s15, s25;
	[dreg:$0x13] =	wrdreg s16  }
0x2e: {  	s25 =	sshrl.u32 s20, $0x2;
	s16 =	sshll.u32 s2, $0x6;
	s20 =	sshrl.u32 s10, $0x2  }
0x2f: {  	[dreg:$0x12] =	wrdreg s12;
	s12 =	sshll.u32 s18, $0x4;
	s1 =	sadd.s32 s25, s3  }
0x30: {  	s18 =	sadd.s32 s11, s3;
	s25 =	sadd.s32 s20, s3;
	s20 =	simm.s32 $0x1  }
.Ltmp0:
0x31: {  	s12 =	sadd.s32 s15, s12;
	[dreg:$0x16] =	wrdreg s1;
	(pc) =	sbr.rel .LBB2_1-.Ltmp0, $4  }
0x32: {  	s15 =	sshrl.u32 s13, $0x2;
	s1 =	sor.u32 $0x1C04, s16;
	[dreg:$0x1a] =	wrdreg s18  }
0x33: {  	[dreg:$0x1c] =	wrdreg s25;
	s13 =	simm.s32 $0x4;
	s16 =	simm.s32 $0x600  }
0x34: {  	s18 =	simm.s32 $0x4600;
	[dreg:$0x14] =	wrdreg s12;
	s12 =	sadd.s32 s15, s3  }
0x35: {  	v0 =	vmov s5;
	s25 =	simm.s32 $0x380;
	s15 =	simm.s32 $0x40;
	[dreg:$0x17] =	wrdreg s12  }
.LBB2_13:
0x36: {  	[bflag:$0x0] =	sbarrier.arrive $0xFFFF  }
0x37: {  	s5 =	rddreg [dreg:$0xd]  }
0x38: {  	s9 =	rddreg [dreg:$0x1e]  }
0x39: {  	[hbm:s5], [sflag:s1] =	dma.local [spmem:s9], $0x500  }
0x3a: {  	_ =	swait.ge [sflag:s13], $0x500  }
0x3b: {  	[sflag:s13] =	ssyncset.done $0x0;
	s11 =	rddreg [dreg:$0xe]  }
0x3c: {  	s12 =	rddreg [dreg:$0x1f];
	[sflag:s13] =	ssyncadd.s32 $0xFFFFFB00  }
0x3d: {  	[hbm:s11], [sflag:s1] =	dma.local [spmem:s12], $0x500  }
0x3e: {  	_ =	swait.ge [sflag:s13], $0x500  }
0x3f: {  	s10 =	sld [smem:$0x7F8]  }
0x40: {  	[sflag:s13] =	ssyncset.done $0x0  }
0x41: {  	s9 =	rddreg [dreg:$0xf];
	[sflag:s13] =	ssyncadd.s32 $0xFFFFFB00  }
0x42: {  	[hbm:s9], [sflag:s1] =	dma.local [spmem:s10], $0x500  }
0x43: {  	_ =	swait.ge [sflag:s13], $0x500  }
0x44: {  	s12 =	sld [smem:$0x7F9]  }
0x45: {  	[sflag:s13] =	ssyncset.done $0x0  }
0x46: {  	s11 =	rddreg [dreg:$0x10];
	[sflag:s13] =	ssyncadd.s32 $0xFFFFFB00  }
0x47: {  	[hbm:s11], [sflag:s1] =	dma.local [spmem:s12], $0x500  }
0x48: {  	_ =	swait.ge [sflag:s13], $0x500  }
0x49: {  	s10 =	sld [smem:$0x7FA]  }
0x4a: {  	[sflag:s13] =	ssyncset.done $0x0  }
0x4b: {  	s9 =	rddreg [dreg:$0x11];
	[sflag:s13] =	ssyncadd.s32 $0xFFFFFB00  }
0x4c: {  	[hbm:s9], [sflag:s1] =	dma.local [spmem:s10], $0x500  }
0x4d: {  	_ =	swait.ge [sflag:s13], $0x500  }
0x4e: {  	s12 =	sld [smem:$0x7FB]  }
0x4f: {  	[sflag:s13] =	ssyncset.done $0x0  }
0x50: {  	s11 =	rddreg [dreg:$0x12];
	[sflag:s13] =	ssyncadd.s32 $0xFFFFFB00  }
0x51: {  	[hbm:s11], [sflag:s1] =	dma.local [spmem:s12], $0x500  }
0x52: {  	_ =	swait.ge [sflag:s13], $0x500  }
0x53: {  	s11 =	sld [smem:$0x7FC]  }
0x54: {  	[sflag:s13] =	ssyncset.done $0x0  }
0x55: {  	s10 =	rddreg [dreg:$0x13];
	[sflag:s13] =	ssyncadd.s32 $0xFFFFFB00  }
0x56: {  	[hbm:s10], [sflag:s1] =	dma.local [spmem:s11], $0x500  }
0x57: {  	_ =	swait.ge [sflag:s13], $0x500  }
0x58: {  	s9 =	sld [smem:$0x7FD]  }
0x59: {  	[sflag:s13] =	ssyncset.done $0x0  }
0x5a: {  	s5 =	rddreg [dreg:$0x14];
	[sflag:s13] =	ssyncadd.s32 $0xFFFFFB00  }
0x5b: {  	[hbm:s5], [sflag:s1] =	dma.local @!p0 [spmem:s9], $0x500  }
0x5c: {  	s5 =	simm.s32 @!p0 $0x4  }
0x5d: {  	_ =	swait.ge @!p0 [sflag:s5], $0x500  }
0x5e: {  	s31 =	rddreg [dreg:$0x4]  }
0x5f: {  	s12 =	rddreg [dreg:$0x15];
	s31 =	sadd.s32 $0x1, s31  }
0x60: {  	p1 =	sne.s32 s31, s12  }
.Ltmp1:
0x61: {  	_ = 	snop;
	(pc) =	sbr.rel @!p1 .LBB2_14-.Ltmp1, $3  }
0x62: {  	_ =	sdelay $0x1  }
0x63: {  	[sflag:s5] =	ssyncset.done @!p0 $0x0  }
0x64: {  	[sflag:s5] =	ssyncadd.s32 @!p0 $0xFFFFFB00  }
.LBB2_1:
0x65: {  	[dreg:$0x4] =	wrdreg s31  }
0x66: {  	s5 =	rddreg [dreg:$0x16]  }
0x67: {  	s12 =	rddreg [dreg:$0x5];
	s9 =	sshrl.u32 s5, $0x3  }
0x68: {  	[dreg:$0x1e] =	wrdreg s9  }
0x69: {  	[spmem:s9], [sflag:s1] =	dma.local [hbm:s12], $0x500  }
0x6a: {  	_ =	swait.ge [sflag:s13], $0x500  }
0x6b: {  	s10 =	rddreg [dreg:$0x17]  }
0x6c: {  	[sflag:s13] =	ssyncset.done $0x0;
	s12 =	rddreg [dreg:$0x6];
	s11 =	sshrl.u32 s10, $0x3  }
0x6d: {  	[sflag:s13] =	ssyncadd.s32 $0xFFFFFB00;
	[dreg:$0x1f] =	wrdreg s11  }
0x6e: {  	[spmem:s11], [sflag:s1] =	dma.local [hbm:s12], $0x500  }
0x6f: {  	_ =	swait.ge [sflag:s13], $0x500  }
0x70: {  	s10 =	rddreg [dreg:$0x18]  }
0x71: {  	[sflag:s13] =	ssyncset.done $0x0;
	s12 =	rddreg [dreg:$0x7];
	s11 =	sshrl.u32 s10, $0x3  }
0x72: {  	[sflag:s13] =	ssyncadd.s32 $0xFFFFFB00;
	[smem:$0x7F8] =	sst s11  }
0x73: {  	[spmem:s11], [sflag:s1] =	dma.local [hbm:s12], $0x500  }
0x74: {  	_ =	swait.ge [sflag:s13], $0x500  }
0x75: {  	s10 =	rddreg [dreg:$0x19]  }
0x76: {  	[sflag:s13] =	ssyncset.done $0x0;
	s12 =	rddreg [dreg:$0x8];
	s11 =	sshrl.u32 s10, $0x3  }
0x77: {  	[sflag:s13] =	ssyncadd.s32 $0xFFFFFB00;
	[smem:$0x7F9] =	sst s11  }
0x78: {  	[spmem:s11], [sflag:s1] =	dma.local [hbm:s12], $0x500  }
0x79: {  	_ =	swait.ge [sflag:s13], $0x500  }
0x7a: {  	s10 =	rddreg [dreg:$0x1a]  }
0x7b: {  	[sflag:s13] =	ssyncset.done $0x0;
	s12 =	rddreg [dreg:$0x9];
	s11 =	sshrl.u32 s10, $0x3  }
0x7c: {  	[sflag:s13] =	ssyncadd.s32 $0xFFFFFB00;
	[smem:$0x7FA] =	sst s11  }
0x7d: {  	[spmem:s11], [sflag:s1] =	dma.local [hbm:s12], $0x500  }
0x7e: {  	_ =	swait.ge [sflag:s13], $0x500  }
0x7f: {  	s10 =	rddreg [dreg:$0x1b]  }
0x80: {  	[sflag:s13] =	ssyncset.done $0x0;
	s12 =	rddreg [dreg:$0xa];
	s11 =	sshrl.u32 s10, $0x3  }
0x81: {  	[sflag:s13] =	ssyncadd.s32 $0xFFFFFB00;
	[smem:$0x7FB] =	sst s11  }
0x82: {  	[spmem:s11], [sflag:s1] =	dma.local [hbm:s12], $0x500  }
0x83: {  	_ =	swait.ge [sflag:s13], $0x500  }
0x84: {  	s10 =	rddreg [dreg:$0x1c]  }
0x85: {  	[sflag:s13] =	ssyncset.done $0x0;
	s12 =	rddreg [dreg:$0xb];
	s11 =	sshrl.u32 s10, $0x3  }
0x86: {  	[sflag:s13] =	ssyncadd.s32 $0xFFFFFB00;
	[smem:$0x7FC] =	sst s11  }
0x87: {  	[spmem:s11], [sflag:s1] =	dma.local [hbm:s12], $0x500  }
0x88: {  	_ =	swait.ge [sflag:s13], $0x500  }
0x89: {  	s5 =	rddreg [dreg:$0x1d]  }
0x8a: {  	[sflag:s13] =	ssyncset.done $0x0;
	s9 =	sshrl.u32 @!p0 s5, $0x3;
	s5 =	rddreg [dreg:$0xc]  }
0x8b: {  	[sflag:s13] =	ssyncadd.s32 $0xFFFFFB00;
	[smem:$0x7FD] =	sst s9  }
0x8c: {  	[spmem:s9], [sflag:s1] =	dma.local @!p0 [hbm:s5], $0x500  }
0x8d: {  	s5 =	simm.s32 @!p0 $0x4  }
.Ltmp2:
0x8e: {  	_ =	swait.ge @!p0 [sflag:s5], $0x500;
	(pc) =	sbr.rel .LBB2_2-.Ltmp2, $4  }
0x8f: {  	[sflag:s5] =	ssyncset.done @!p0 $0x0  }
0x90: {  	[sflag:s5] =	ssyncadd.s32 @!p0 $0xFFFFFB00  }
0x91: {  	[bflag:$0x0] =	sbarrier.arrive $0xFFFF  }
0x92: {  	s31 =	simm.s32 $0x0  }
.LBB2_12:
0x93: {  	s31 =	sadd.s32 $0x1, s31  }
0x94: {  	p1 =	sne.s32 s31, $0x28  }
.Ltmp3:
0x95: {  	_ = 	snop;
	(pc) =	sbr.rel @!p1 .LBB2_13-.Ltmp3, $1  }
0x96: {  	_ =	sdelay $0x3  }
.LBB2_2:
0x97: {  	s5 =	sshll.u32 s31, $0x4  }
0x98: {  	s9 =	sor.u32 s2, s5  }
0x99: {  	p1 =	sgt.u32 s9, $0x270  }
.Ltmp4:
0x9a: {  	_ = 	snop;
	(pc) =	sbr.rel @p1 .LBB2_12-.Ltmp4, $1  }
0x9b: {  	_ =	sdelay $0x3  }
0x9c: {  	s5 =	sshll.u32 s9, $0x6  }
0x9d: {  	s10 =	simm.s32 $0x0;
	s11 =	sadd.s32 s23, s5  }
0x9e: {  	[tilespmem:s10], [sflag:$0x4] =	stream.linear.gather [hbm4b:s11+s10], $0x200, $0x38;
	[tilespmem:$0x1DE80] =	vst v63  }
0x9f: {  	_ =	swait.ge [sflag:s13], $0x200  }
0xa0: {  	[sflag:s13] =	ssyncset.done $0x0  }
0xa1: {  	s5 =	sadd.s32 s24, s5;
	[sflag:s13] =	ssyncadd.s32 $0xFFFFFE00  }
0xa2: {  	[tilespmem:s14], [sflag:$0x4] =	stream.linear.gather [hbm4b:s5+s10], $0x200, $0x38;
	[tilespmem:$0x1DE80] =	vst v63  }
0xa3: {  	_ =	swait.ge [sflag:s13], $0x200  }
0xa4: {  	[sflag:s13] =	ssyncset.done $0x0  }
0xa5: {  	[sflag:s13] =	ssyncadd.s32 $0xFFFFFE00  }
0xa6: {  	v1 =	vld [tilespmem:$0x0]  }
0xa7: {  	v2 =	vld [tilespmem:$0x200]  }
0xa8: {  	v3 =	vld [tilespmem:$0x10]  }
0xa9: {  	v4 =	vld [tilespmem:$0x210]  }
0xaa: {  	v5 =	vld [tilespmem:$0x20]  }
0xab: {  	v6 =	vld [tilespmem:$0x220];
	v1 =	vadd.s32 v0, v1  }
0xac: {  	[tilespmem:$0x0] =	vst v1;
	v1 =	vadd.s32 v0, v2;
	v2 =	vld [tilespmem:$0x30]  }
0xad: {  	[tilespmem:$0x400] =	vst v1;
	v1 =	vadd.s32 v0, v3;
	v3 =	vld [tilespmem:$0x230]  }
0xae: {  	[tilespmem:$0x10] =	vst v1;
	v1 =	vadd.s32 v0, v4;
	v4 =	vld [tilespmem:$0x80]  }
0xaf: {  	[tilespmem:$0x410] =	vst v1;
	v1 =	vadd.s32 v0, v5;
	v5 =	vld [tilespmem:$0x280]  }
0xb0: {  	[tilespmem:$0x20] =	vst v1;
	v1 =	vadd.s32 v0, v6;
	v6 =	vld [tilespmem:$0x90]  }
0xb1: {  	[tilespmem:$0x420] =	vst v1;
	v1 =	vadd.s32 v0, v2;
	v2 =	vld [tilespmem:$0x290]  }
0xb2: {  	[tilespmem:$0x30] =	vst v1;
	v1 =	vadd.s32 v0, v3;
	v3 =	vld [tilespmem:$0xA0]  }
0xb3: {  	[tilespmem:$0x430] =	vst v1;
	v1 =	vadd.s32 v0, v4;
	v4 =	vld [tilespmem:$0x2A0]  }
0xb4: {  	[tilespmem:$0x80] =	vst v1;
	v1 =	vadd.s32 v0, v5;
	v5 =	vld [tilespmem:$0xB0]  }
0xb5: {  	[tilespmem:$0x480] =	vst v1;
	v1 =	vadd.s32 v0, v6;
	v6 =	vld [tilespmem:$0x2B0]  }
0xb6: {  	[tilespmem:$0x90] =	vst v1;
	v1 =	vadd.s32 v0, v2;
	v2 =	vld [tilespmem:$0x100]  }
0xb7: {  	[tilespmem:$0x490] =	vst v1;
	v1 =	vadd.s32 v0, v3;
	v3 =	vld [tilespmem:$0x300]  }
0xb8: {  	[tilespmem:$0xA0] =	vst v1;
	v1 =	vadd.s32 v0, v4;
	v4 =	vld [tilespmem:$0x110]  }
0xb9: {  	[tilespmem:$0x4A0] =	vst v1;
	v1 =	vadd.s32 v0, v5;
	v5 =	vld [tilespmem:$0x310]  }
0xba: {  	[tilespmem:$0xB0] =	vst v1;
	v1 =	vadd.s32 v0, v6;
	v6 =	vld [tilespmem:$0x120]  }
0xbb: {  	[tilespmem:$0x4B0] =	vst v1;
	v1 =	vadd.s32 v0, v2;
	v2 =	vld [tilespmem:$0x320]  }
0xbc: {  	[tilespmem:$0x100] =	vst v1;
	v1 =	vadd.s32 v0, v3;
	v3 =	vld [tilespmem:$0x130]  }
0xbd: {  	[tilespmem:$0x500] =	vst v1;
	v1 =	vadd.s32 v0, v4;
	v4 =	vld [tilespmem:$0x330]  }
0xbe: {  	[tilespmem:$0x110] =	vst v1;
	v1 =	vadd.s32 v0, v5;
	v5 =	vld [tilespmem:$0x180]  }
0xbf: {  	[tilespmem:$0x510] =	vst v1;
	v1 =	vadd.s32 v0, v6;
	v6 =	vld [tilespmem:$0x380]  }
0xc0: {  	[tilespmem:$0x120] =	vst v1;
	v1 =	vadd.s32 v0, v2;
	v2 =	vld [tilespmem:$0x190]  }
0xc1: {  	[tilespmem:$0x520] =	vst v1;
	v1 =	vadd.s32 v0, v3;
	v3 =	vld [tilespmem:$0x390]  }
0xc2: {  	[tilespmem:$0x130] =	vst v1;
	v1 =	vadd.s32 v0, v4;
	v4 =	vld [tilespmem:$0x1A0]  }
0xc3: {  	[tilespmem:$0x530] =	vst v1;
	v1 =	vadd.s32 v0, v5;
	v5 =	vld [tilespmem:$0x3A0]  }
0xc4: {  	[tilespmem:$0x180] =	vst v1;
	v1 =	vadd.s32 v0, v6;
	v6 =	vld [tilespmem:$0x1B0]  }
0xc5: {  	[tilespmem:$0x580] =	vst v1;
	v1 =	vadd.s32 v0, v2;
	v2 =	vld [tilespmem:$0x3B0]  }
0xc6: {  	[tilespmem:$0x190] =	vst v1;
	v1 =	vadd.s32 v0, v3  }
0xc7: {  	[tilespmem:$0x590] =	vst v1;
	v1 =	vadd.s32 v0, v4  }
0xc8: {  	[tilespmem:$0x1A0] =	vst v1;
	v1 =	vadd.s32 v0, v5  }
0xc9: {  	[tilespmem:$0x5A0] =	vst v1;
	v1 =	vadd.s32 v0, v6  }
0xca: {  	[tilespmem:$0x1B0] =	vst v1;
	v1 =	vadd.s32 v0, v2  }
0xcb: {  	s9 =	sshll.u32 s9, $0xC;
	[tilespmem:$0x5B0] =	vst v1  }
0xcc: {  	[tilespmem:s16], [sflag:$0x1] =	stream.indirect.gather [hbm4b:s0+s15], $0x80, s10, s15, $0xb8;
	[tilespmem:$0x1DE80] =	vst v63  }
0xcd: {  	s12 =	simm.s32 $0x400;
	s9 =	sadd.s32 s4, s9  }
0xce: {  	[tilespmem:s18], [sflag:$0x1] =	stream.indirect.gather [hbm4b:s21+s15], $0x80, s12, s15, $0xb8;
	[tilespmem:$0x1DE80] =	vst v63  }
0xcf: {  	s5 =	sadd.s32 s22, s9  }
0xd0: {  	[tilespmem:s19], [sflag:$0x2] =	stream.linear.gather [hbm4b:s5+s10], $0x2000, $0x38;
	[tilespmem:$0x1DE80] =	vst v63  }
0xd1: {  	_ =	swait.ge [sflag:s20], $0x2000  }
0xd2: {  	[sflag:s20] =	ssyncset.done $0x0  }
0xd3: {  	[sflag:s20] =	ssyncadd.s32 $0xFFFFE000  }
0xd4: {  	_ =	swait.ge [sflag:s20], $0x2000  }
0xd5: {  	[sflag:s20] =	ssyncset.done $0x0  }
0xd6: {  	s11 =	simm.s32 $0x80;
	[sflag:s20] =	ssyncadd.s32 $0xFFFFE000  }
0xd7: {  	[tilespmem:s30], [sflag:$0x1] =	stream.indirect.gather [hbm4b:s0+s15], $0x80, s11, s15, $0xb8;
	[tilespmem:$0x1DE80] =	vst v63  }
0xd8: {  	s12 =	simm.s32 $0x480  }
0xd9: {  	[tilespmem:s6], [sflag:$0x1] =	stream.indirect.gather [hbm4b:s21+s15], $0x80, s12, s15, $0xb8;
	[tilespmem:$0x1DE80] =	vst v63  }
0xda: {  	_ =	swait.ge [sflag:s7], $0x2000  }
0xdb: {  	[sflag:s7] =	ssyncset.done $0x0  }
0xdc: {  	s10 =	simm.s32 $0x0;
	[sflag:s7] =	ssyncadd.s32 $0xFFFFE000  }
0xdd: {  	v1 =	vld [tilespmem:s10+$0x8650]  }
0xde: {  	v2 =	vld [tilespmem:s10+$0x8630]  }
0xdf: {  	v6 =	vld [tilespmem:s10+$0x4650]  }
0xe0: {  	v3 =	vld [tilespmem:s10+$0x4640]  }
0xe1: {  	v4 =	vld [tilespmem:s10+$0x4630]  }
0xe2: {  	v5 =	vld [tilespmem:s10+$0x630]  }
0xe3: {  	v9 =	vld [tilespmem:s10+$0x4670]  }
0xe4: {  	v7 =	vld [tilespmem:s10+$0x4610]  }
0xe5: {  	v8 =	vld [tilespmem:s10+$0x4600]  }
0xe6: {  	v10 =	vld [tilespmem:s10+$0x4620]  }
0xe7: {  	v4 =	vadd.f32 v4, v5;
	v5 =	vld [tilespmem:s10+$0x640]  }
0xe8: {  	v11 =	vld [tilespmem:s10+$0x620]  }
0xe9: {  	v12 =	vld [tilespmem:s10+$0x8640]  }
0xea: {  	v4 =	vadd.f32 v2, v4;
	v2 =	vld [tilespmem:s10+$0x8620]  }
0xeb: {  	v13 =	vld [tilespmem:s10+$0x8610]  }
0xec: {  	v15 =	vld [tilespmem:s10+$0x610];
	v14 =	vsub.f32 $0.0e+00, v4;
	v3 =	vadd.f32 v3, v5  }
0xed: {  	v16 =	vld [tilespmem:s10+$0x650];
	v10 =	vadd.f32 v10, v11  }
0xee: {  	v56 =	vld [tilespmem:s10+$0x600];
	v14 =	vmul.f32 $1.442695020e+00, v14;
	v5 =	vadd.f32 v12, v3  }
0xef: {  	v57 =	vld [tilespmem:s10+$0x8600];
	v3 =	vadd.f32 v2, v10  }
0xf0: {  	v11 =	vld [tilespmem:s10+$0x4660];
	(erf) = vpow2.f32 v14;
	v10 =	vsub.f32 $0.0e+00, v5  }
0xf1: {  	v7 =	vadd.f32 v7, v15;
	v2 =	vld [tilespmem:s10+$0x660];
	v17 =	vsub.f32 $0.0e+00, v3  }
0xf2: {  	v59 =	vld [tilespmem:s10+$0x670];
	v6 =	vadd.f32 v6, v16;
	v10 =	vmul.f32 $1.442695020e+00, v10  }
0xf3: {  	v58 =	vld [tilespmem:s10+$0x8660];
	v7 =	vadd.f32 v13, v7;
	v17 =	vmul.f32 $1.442695020e+00, v17  }
0xf4: {  	(erf) = vpow2.f32 v10;
	v10 =	vadd.f32 v8, v56;
	v8 =	vadd.f32 v1, v6;
	v1 =	vld [tilespmem:s10+$0x8670]  }
0xf5: {  	v60 =	vsub.f32 $0.0e+00, v7  }
0xf6: {  	v2 =	vadd.f32 v11, v2;
	(erf) = vpow2.f32 v17;
	v6 =	vadd.f32 v57, v10  }
0xf7: {  	v9 =	vadd.f32 v9, v59;
	v11 =	vmul.f32 $1.442695020e+00, v60;
	v10 =	vsub.f32 $0.0e+00, v8  }
0xf8: {  	v2 =	vadd.f32 v58, v2;
	v62 =	vsub.f32 $0.0e+00, v6  }
0xf9: {  	(erf) = vpow2.f32 v11;
	v61 =	vpop (erf);
	v10 =	vmul.f32 $1.442695020e+00, v10;
	v1 =	vadd.f32 v1, v9  }
0xfa: {  	v63 =	vsub.f32 $0.0e+00, v2;
	v12 =	vadd.f32 $1.000000000e+00, v61;
	v9 =	vmul.f32 $1.442695020e+00, v62  }
0xfb: {  	(erf) = vpow2.f32 v10;
	v11 =	vsub.f32 $0.0e+00, v1  }
0xfc: {  	v10 =	vmul.f32 $1.442695020e+00, v63;
	(erf) = vrcp.f32 v12  }
0xfd: {  	(erf) = vpow2.f32 v9  }
0xfe: {  	(erf) = vpow2.f32 v10;
	v9 =	vpop (erf)  }
0xff: {  	s11 =	simm.s32 $0x400;
	s12 =	simm.s32 $0x200;
	v10 =	vmul.f32 $1.442695020e+00, v11;
	v9 =	vadd.f32 $1.000000000e+00, v9;
	v11 =	vpop (erf)  }
.LBB2_4:
0x100: {  	p1 =	sne.s32 s11, $0x7E00  }
0x101: {  	s5 =	sshra.s32 s12, $0x2;
	v11 =	vadd.f32 $1.000000000e+00, v11;
	(erf) = vpow2.f32 v10;
	s12 =	smov.u32 s11;
	s11 =	sadd.s32 $0x200, s11  }
0x102: {  	v10 =	vld [tilespmem:s5+$0x8650];
	(erf) = vrcp.f32 v9  }
0x103: {  	v9 =	vld [tilespmem:s5+$0x8630];
	v12 =	vpop (erf);
	(erf) = vrcp.f32 v11  }
0x104: {  	v11 =	vld [tilespmem:s5+$0x4650];
	v12 =	vadd.f32 $1.000000000e+00, v12;
	v13 =	vpop (erf)  }
0x105: {  	v14 =	vld [tilespmem:s5+$0x4640];
	v17 =	vadd.f32 $1.000000000e+00, v13;
	v15 =	vpop (erf)  }
0x106: {  	v16 =	vld [tilespmem:s5+$0x4670];
	v4 =	vmul.f32 v15, v4;
	v15 =	vpop (erf);
	(erf) = vrcp.f32 v12  }
0x107: {  	v12 =	vld [tilespmem:s5+$0x4630];
	v15 =	vadd.f32 $1.000000000e+00, v15;
	(erf) = vrcp.f32 v17;
	v13 =	vpop (erf)  }
0x108: {  	v17 =	vld [tilespmem:s5+$0x4610];
	[tilespmem:s10+$0x630] =	vst v4;
	v19 =	vadd.f32 $1.000000000e+00, v13  }
0x109: {  	v13 =	vld [tilespmem:s5+$0x630];
	(erf) = vrcp.f32 v15  }
0x10a: {  	v15 =	vld [tilespmem:s5+$0x4600];
	(erf) = vrcp.f32 v19;
	v4 =	vpop (erf)  }
0x10b: {  	v4 =	vadd.f32 $1.000000000e+00, v4;
	v18 =	vpop (erf)  }
0x10c: {  	v5 =	vmul.f32 v18, v5;
	v18 =	vpop (erf)  }
0x10d: {  	v19 =	vld [tilespmem:s5+$0x8640];
	v20 =	vmul.f32 v18, v3;
	(erf) = vrcp.f32 v4  }
0x10e: {  	v18 =	vld [tilespmem:s5+$0x4620];
	v4 =	vadd.f32 v12, v13;
	[tilespmem:s10+$0x640] =	vst v5  }
0x10f: {  	v5 =	vld [tilespmem:s5+$0x640];
	[tilespmem:s10+$0x620] =	vst v20;
	v3 =	vpop (erf)  }
0x110: {  	v12 =	vld [tilespmem:s5+$0x620];
	v4 =	vadd.f32 v9, v4;
	v20 =	vmul.f32 v3, v7;
	v7 =	vpop (erf)  }
0x111: {  	v9 =	vld [tilespmem:s5+$0x8610];
	v7 =	vmul.f32 v7, v8  }
0x112: {  	v8 =	vld [tilespmem:s5+$0x8620];
	v13 =	vsub.f32 $0.0e+00, v4;
	[tilespmem:s10+$0x610] =	vst v20;
	v3 =	vpop (erf)  }
0x113: {  	v20 =	vld [tilespmem:s5+$0x610];
	v3 =	vmul.f32 v3, v6;
	[tilespmem:s10+$0x650] =	vst v7;
	v6 =	vpop (erf)  }
0x114: {  	v7 =	vmul.f32 $1.442695020e+00, v13;
	v5 =	vadd.f32 v14, v5;
	v13 =	vld [tilespmem:s5+$0x650];
	v21 =	vmul.f32 v6, v2  }
0x115: {  	v6 =	vadd.f32 v18, v12;
	v12 =	vld [tilespmem:s5+$0x4660];
	[tilespmem:s10+$0x600] =	vst v3  }
0x116: {  	v14 =	vld [tilespmem:s5+$0x600];
	v5 =	vadd.f32 v19, v5;
	(erf) = vpow2.f32 v7;
	[tilespmem:s10+$0x660] =	vst v21;
	v2 =	vpop (erf)  }
0x117: {  	v3 =	vadd.f32 v8, v6;
	v6 =	vld [tilespmem:s5+$0x660];
	v1 =	vmul.f32 v2, v1  }
0x118: {  	v2 =	vld [tilespmem:s5+$0x8600];
	v7 =	vadd.f32 v17, v20;
	v8 =	vsub.f32 $0.0e+00, v5  }
0x119: {  	v17 =	vsub.f32 $0.0e+00, v3;
	v11 =	vadd.f32 v11, v13;
	v13 =	vld [tilespmem:s5+$0x8660];
	[tilespmem:s10+$0x670] =	vst v1;
	s10 =	smov.u32 s5  }
0x11a: {  	v7 =	vadd.f32 v9, v7;
	v1 =	vmul.f32 $1.442695020e+00, v8;
	v9 =	vld [tilespmem:s10+$0x670]  }
0x11b: {  	v14 =	vadd.f32 v15, v14;
	v15 =	vmul.f32 $1.442695020e+00, v17;
	v8 =	vadd.f32 v10, v11;
	v10 =	vld [tilespmem:s10+$0x8670]  }
0x11c: {  	v11 =	vsub.f32 $0.0e+00, v7;
	v12 =	vadd.f32 v12, v6;
	(erf) = vpow2.f32 v1  }
0x11d: {  	v6 =	vadd.f32 v2, v14;
	v1 =	vsub.f32 $0.0e+00, v8;
	(erf) = vpow2.f32 v15  }
0x11e: {  	v11 =	vmul.f32 $1.442695020e+00, v11;
	v2 =	vadd.f32 v13, v12  }
0x11f: {  	v12 =	vsub.f32 $0.0e+00, v6;
	v13 =	vmul.f32 $1.442695020e+00, v1;
	v1 =	vadd.f32 v16, v9;
	v9 =	vpop (erf)  }
0x120: {  	v9 =	vadd.f32 $1.000000000e+00, v9;
	v14 =	vsub.f32 $0.0e+00, v2;
	(erf) = vpow2.f32 v11  }
0x121: {  	v11 =	vmul.f32 $1.442695020e+00, v12;
	v1 =	vadd.f32 v10, v1;
	(erf) = vpow2.f32 v13  }
.Ltmp5:
0x122: {  	v10 =	vmul.f32 $1.442695020e+00, v14;
	(erf) = vrcp.f32 v9;
	(pc) =	sbr.rel @p1 .LBB2_4-.Ltmp5, $4  }
0x123: {  	v12 =	vsub.f32 $0.0e+00, v1;
	(erf) = vpow2.f32 v11  }
0x124: {  	(erf) = vpow2.f32 v10  }
0x125: {  	v10 =	vmul.f32 $1.442695020e+00, v12;
	v9 =	vpop (erf)  }
0x126: {  	v9 =	vadd.f32 $1.000000000e+00, v9;
	v11 =	vpop (erf)  }
0x127: {  	(erf) = vpow2.f32 v10;
	v10 =	vadd.f32 $1.000000000e+00, v11  }
0x128: {  	(erf) = vrcp.f32 v9  }
0x129: {  	s11 =	sshra.s32 s12, $0x2;
	(erf) = vrcp.f32 v10  }
0x12a: {  	v11 =	vld [tilespmem:s11+$0x8650]  }
0x12b: {  	v9 =	vld [tilespmem:s11+$0x8630];
	v12 =	vpop (erf)  }
0x12c: {  	v14 =	vld [tilespmem:s11+$0x4640];
	v13 =	vpop (erf)  }
0x12d: {  	v16 =	vld [tilespmem:s11+$0x4670];
	v12 =	vadd.f32 $1.000000000e+00, v12;
	v15 =	vpop (erf)  }
0x12e: {  	v34 =	vld [tilespmem:s11+$0x4630];
	v13 =	vadd.f32 $1.000000000e+00, v13;
	v4 =	vmul.f32 v15, v4;
	v17 =	vpop (erf)  }
0x12f: {  	v35 =	vld [tilespmem:s11+$0x4610];
	(erf) = vrcp.f32 v12;
	v18 =	vpop (erf)  }
0x130: {  	v10 =	vld [tilespmem:s11+$0x4650];
	(erf) = vrcp.f32 v13;
	v17 =	vadd.f32 $1.000000000e+00, v17;
	[tilespmem:s10+$0x630] =	vst v4;
	v36 =	vpop (erf)  }
0x131: {  	v4 =	vld [tilespmem:s11+$0x630];
	v20 =	vpop (erf)  }
0x132: {  	v18 =	vadd.f32 $1.000000000e+00, v18;
	v19 =	vld [tilespmem:s11+$0x4600];
	(erf) = vrcp.f32 v17;
	v5 =	vmul.f32 v20, v5;
	v38 =	vpop (erf)  }
0x133: {  	v37 =	vld [tilespmem:s11+$0x8640];
	v3 =	vmul.f32 v38, v3  }
0x134: {  	v21 =	vld [tilespmem:s11+$0x4620];
	(erf) = vrcp.f32 v18;
	[tilespmem:s10+$0x640] =	vst v5  }
0x135: {  	v5 =	vld [tilespmem:s11+$0x640];
	[tilespmem:s10+$0x620] =	vst v3;
	v3 =	vadd.f32 $1.000000000e+00, v36;
	_ =	sdelay $0x1  }
0x136: {  	(erf) = vrcp.f32 v3  }
0x137: {  	v39 =	vpop (erf)  }
0x138: {  	v40 =	vld [tilespmem:s11+$0x620];
	v7 =	vmul.f32 v39, v7;
	v3 =	vpop (erf)  }
0x139: {  	v4 =	vadd.f32 v34, v4;
	v41 =	vld [tilespmem:s11+$0x8610];
	v3 =	vmul.f32 v3, v8  }
0x13a: {  	v42 =	vld [tilespmem:s11+$0x8620];
	[tilespmem:s10+$0x610] =	vst v7;
	v8 =	vpop (erf)  }
0x13b: {  	v4 =	vadd.f32 v9, v4;
	v7 =	vld [tilespmem:s11+$0x610];
	[tilespmem:s10+$0x650] =	vst v3;
	v3 =	vmul.f32 v8, v6  }
0x13c: {  	v8 =	vpop (erf);
	v6 =	vld [tilespmem:s11+$0x650]  }
0x13d: {  	v9 =	vld [tilespmem:s11+$0x4660];
	v2 =	vmul.f32 v8, v2;
	[tilespmem:s10+$0x600] =	vst v3;
	v3 =	vsub.f32 $0.0e+00, v4;
	_ =	sdelay $0x1  }
0x13e: {  	v8 =	vld [tilespmem:s11+$0x600];
	[tilespmem:s10+$0x660] =	vst v2;
	v2 =	vmul.f32 $1.442695020e+00, v3;
	v3 =	vadd.f32 v14, v5;
	v5 =	vpop (erf)  }
0x13f: {  	v43 =	vld [tilespmem:s11+$0x660];
	v1 =	vmul.f32 v5, v1  }
0x140: {  	v44 =	vadd.f32 v21, v40;
	v7 =	vadd.f32 v35, v7;
	v5 =	vld [tilespmem:s11+$0x8600];
	(erf) = vpow2.f32 v2  }
0x141: {  	v3 =	vadd.f32 v37, v3;
	v2 =	vld [tilespmem:s11+$0x8660];
	[tilespmem:s10+$0x670] =	vst v1  }
0x142: {  	v7 =	vadd.f32 v41, v7;
	v1 =	vadd.f32 v42, v44;
	v46 =	vld [tilespmem:s11+$0x670]  }
0x143: {  	v6 =	vadd.f32 v10, v6;
	v45 =	vsub.f32 $0.0e+00, v3  }
0x144: {  	v8 =	vadd.f32 v19, v8;
	v47 =	vld [tilespmem:s11+$0x8670];
	v10 =	vsub.f32 $0.0e+00, v1  }
0x145: {  	v6 =	vadd.f32 v11, v6;
	v11 =	vsub.f32 $0.0e+00, v7;
	v12 =	vmul.f32 $1.442695020e+00, v45  }
0x146: {  	v9 =	vadd.f32 v9, v43;
	v5 =	vadd.f32 v5, v8;
	v10 =	vmul.f32 $1.442695020e+00, v10  }
0x147: {  	v8 =	vsub.f32 $0.0e+00, v6;
	(erf) = vpow2.f32 v12;
	v48 =	vadd.f32 v16, v46  }
0x148: {  	v2 =	vadd.f32 v2, v9;
	(erf) = vpow2.f32 v10;
	v10 =	vmul.f32 $1.442695020e+00, v11  }
0x149: {  	v9 =	vsub.f32 $0.0e+00, v5;
	v8 =	vmul.f32 $1.442695020e+00, v8;
	v11 =	vpop (erf);
	v12 =	vadd.f32 v47, v48  }
0x14a: {  	v49 =	vsub.f32 $0.0e+00, v2;
	(erf) = vpow2.f32 v10;
	v11 =	vadd.f32 $1.000000000e+00, v11  }
0x14b: {  	v9 =	vmul.f32 $1.442695020e+00, v9;
	(erf) = vpow2.f32 v8;
	v8 =	vsub.f32 $0.0e+00, v12  }
0x14c: {  	v10 =	vmul.f32 $1.442695020e+00, v49;
	(erf) = vrcp.f32 v11  }
0x14d: {  	(erf) = vpow2.f32 v9;
	v8 =	vmul.f32 $1.442695020e+00, v8  }
0x14e: {  	(erf) = vpow2.f32 v10  }
0x14f: {  	(erf) = vpow2.f32 v8;
	_ =	sdelay $0x1  }
0x150: {  	v8 =	vpop (erf)  }
0x151: {  	v9 =	vpop (erf)  }
0x152: {  	v8 =	vadd.f32 $1.000000000e+00, v8;
	v10 =	vpop (erf)  }
0x153: {  	v9 =	vadd.f32 $1.000000000e+00, v9;
	v11 =	vpop (erf)  }
0x154: {  	(erf) = vrcp.f32 v8;
	v8 =	vadd.f32 $1.000000000e+00, v10;
	v10 =	vpop (erf)  }
0x155: {  	(erf) = vrcp.f32 v9;
	v9 =	vadd.f32 $1.000000000e+00, v11;
	v11 =	vpop (erf)  }
0x156: {  	(erf) = vrcp.f32 v8;
	v8 =	vadd.f32 $1.000000000e+00, v11;
	v11 =	vpop (erf)  }
0x157: {  	(erf) = vrcp.f32 v9;
	v9 =	vadd.f32 $1.000000000e+00, v11;
	v11 =	vpop (erf)  }
0x158: {  	(erf) = vrcp.f32 v8;
	v8 =	vadd.f32 $1.000000000e+00, v11  }
0x159: {  	(erf) = vrcp.f32 v9  }
0x15a: {  	(erf) = vrcp.f32 v8  }
0x15b: {  	v4 =	vmul.f32 v10, v4;
	_ =	sdelay $0x1  }
0x15c: {  	v8 =	vpop (erf)  }
0x15d: {  	v3 =	vmul.f32 v8, v3;
	v8 =	vpop (erf)  }
0x15e: {  	[tilespmem:s11+$0x630] =	vst v4;
	v1 =	vmul.f32 v8, v1;
	v4 =	vpop (erf)  }
0x15f: {  	[tilespmem:s11+$0x640] =	vst v3;
	v3 =	vmul.f32 v4, v7;
	v4 =	vpop (erf)  }
0x160: {  	[tilespmem:s11+$0x620] =	vst v1;
	v1 =	vmul.f32 v4, v6;
	v4 =	vpop (erf)  }
0x161: {  	[tilespmem:s11+$0x610] =	vst v3;
	v3 =	vmul.f32 v4, v5;
	v4 =	vpop (erf)  }
0x162: {  	[tilespmem:s11+$0x650] =	vst v1;
	v1 =	vmul.f32 v4, v2;
	v2 =	vpop (erf)  }
0x163: {  	[tilespmem:s11+$0x600] =	vst v3;
	v2 =	vmul.f32 v2, v12  }
0x164: {  	[tilespmem:s11+$0x660] =	vst v1  }
0x165: {  	[tilespmem:s11+$0x670] =	vst v2  }
0x166: {  	[spmem:s3] =	stream.indirect.scatter.add.f32 [tilespmem:s16], [sflag:$0x3], $0x80, s14, s15, $0xb8;
	[tilespmem:$0x1DE80] =	vst v63  }
0x167: {  	s5 =	sadd.s32 s9, s26;
	s12 =	simm.s32 $0x0  }
0x168: {  	[tilespmem:s19], [sflag:$0x2] =	stream.linear.gather [hbm4b:s5+s12], $0x2000, $0x38;
	[tilespmem:$0x1DE80] =	vst v63  }
0x169: {  	_ =	swait.ge [sflag:s20], $0x2000  }
0x16a: {  	[sflag:s20] =	ssyncset.done $0x0  }
0x16b: {  	[sflag:s20] =	ssyncadd.s32 $0xFFFFE000  }
0x16c: {  	_ =	swait.ge [sflag:s20], $0x2000  }
0x16d: {  	[sflag:s20] =	ssyncset.done $0x0  }
0x16e: {  	[sflag:s20] =	ssyncadd.s32 $0xFFFFE000  }
0x16f: {  	_ =	swait.ge [sflag:s8], $0x2000  }
0x170: {  	[sflag:s8] =	ssyncset.done $0x0  }
0x171: {  	s11 =	simm.s32 $0x100;
	[sflag:s8] =	ssyncadd.s32 $0xFFFFE000  }
0x172: {  	[tilespmem:s16], [sflag:$0x1] =	stream.indirect.gather [hbm4b:s0+s15], $0x80, s11, s15, $0xb8;
	[tilespmem:$0x1DE80] =	vst v63  }
0x173: {  	s12 =	simm.s32 $0x500  }
0x174: {  	[tilespmem:s18], [sflag:$0x1] =	stream.indirect.gather [hbm4b:s21+s15], $0x80, s12, s15, $0xb8;
	[tilespmem:$0x1DE80] =	vst v63  }
0x175: {  	_ =	swait.ge [sflag:s7], $0x2000  }
0x176: {  	[sflag:s7] =	ssyncset.done $0x0  }
0x177: {  	s10 =	simm.s32 $0x0;
	[sflag:s7] =	ssyncadd.s32 $0xFFFFE000  }
0x178: {  	v1 =	vld [tilespmem:s10+$0x8650]  }
0x179: {  	v2 =	vld [tilespmem:s10+$0x8630]  }
0x17a: {  	v6 =	vld [tilespmem:s10+$0x6650]  }
0x17b: {  	v3 =	vld [tilespmem:s10+$0x6640]  }
0x17c: {  	v4 =	vld [tilespmem:s10+$0x6630]  }
0x17d: {  	v5 =	vld [tilespmem:s10+$0x2630]  }
0x17e: {  	v9 =	vld [tilespmem:s10+$0x6670]  }
0x17f: {  	v7 =	vld [tilespmem:s10+$0x6610]  }
0x180: {  	v8 =	vld [tilespmem:s10+$0x6600]  }
0x181: {  	v10 =	vld [tilespmem:s10+$0x6620]  }
0x182: {  	v11 =	vld [tilespmem:s10+$0x2620]  }
0x183: {  	v4 =	vadd.f32 v4, v5;
	v5 =	vld [tilespmem:s10+$0x2640]  }
0x184: {  	v50 =	vld [tilespmem:s10+$0x8640]  }
0x185: {  	v51 =	vld [tilespmem:s10+$0x8610]  }
0x186: {  	v4 =	vadd.f32 v2, v4;
	v2 =	vld [tilespmem:s10+$0x8620]  }
0x187: {  	v53 =	vld [tilespmem:s10+$0x2610]  }
0x188: {  	v54 =	vld [tilespmem:s10+$0x2650];
	v52 =	vsub.f32 $0.0e+00, v4;
	v3 =	vadd.f32 v3, v5  }
0x189: {  	v55 =	vld [tilespmem:s10+$0x2600];
	v10 =	vadd.f32 v10, v11  }
0x18a: {  	v59 =	vld [tilespmem:s10+$0x2670];
	v14 =	vmul.f32 $1.442695020e+00, v52;
	v5 =	vadd.f32 v50, v3  }
0x18b: {  	v11 =	vld [tilespmem:s10+$0x6660];
	v3 =	vadd.f32 v2, v10  }
0x18c: {  	v2 =	vld [tilespmem:s10+$0x2660];
	(erf) = vpow2.f32 v14;
	v10 =	vsub.f32 $0.0e+00, v5  }
0x18d: {  	v56 =	vld [tilespmem:s10+$0x8600];
	v7 =	vadd.f32 v7, v53;
	v57 =	vsub.f32 $0.0e+00, v3  }
0x18e: {  	v58 =	vld [tilespmem:s10+$0x8660];
	v6 =	vadd.f32 v6, v54;
	v10 =	vmul.f32 $1.442695020e+00, v10  }
0x18f: {  	v7 =	vadd.f32 v51, v7;
	v17 =	vmul.f32 $1.442695020e+00, v57  }
0x190: {  	(erf) = vpow2.f32 v10;
	v10 =	vadd.f32 v8, v55;
	v8 =	vadd.f32 v1, v6;
	v1 =	vld [tilespmem:s10+$0x8670]  }
0x191: {  	v9 =	vadd.f32 v9, v59;
	v2 =	vadd.f32 v11, v2  }
0x192: {  	v60 =	vsub.f32 $0.0e+00, v7;
	(erf) = vpow2.f32 v17;
	v6 =	vadd.f32 v56, v10  }
0x193: {  	v2 =	vadd.f32 v58, v2;
	v10 =	vsub.f32 $0.0e+00, v8  }
0x194: {  	v11 =	vmul.f32 $1.442695020e+00, v60;
	v62 =	vsub.f32 $0.0e+00, v6  }
0x195: {  	v63 =	vsub.f32 $0.0e+00, v2;
	v61 =	vpop (erf);
	v10 =	vmul.f32 $1.442695020e+00, v10;
	v1 =	vadd.f32 v1, v9  }
0x196: {  	(erf) = vpow2.f32 v11;
	v12 =	vadd.f32 $1.000000000e+00, v61;
	v9 =	vmul.f32 $1.442695020e+00, v62  }
0x197: {  	(erf) = vpow2.f32 v10;
	v11 =	vsub.f32 $0.0e+00, v1  }
0x198: {  	v10 =	vmul.f32 $1.442695020e+00, v63;
	(erf) = vrcp.f32 v12  }
0x199: {  	(erf) = vpow2.f32 v9  }
0x19a: {  	(erf) = vpow2.f32 v10;
	v9 =	vpop (erf)  }
0x19b: {  	s11 =	simm.s32 $0x400;
	s12 =	simm.s32 $0x200;
	v10 =	vmul.f32 $1.442695020e+00, v11;
	v9 =	vadd.f32 $1.000000000e+00, v9;
	v11 =	vpop (erf)  }
.LBB2_6:
0x19c: {  	p1 =	sne.s32 s11, $0x7E00  }
0x19d: {  	s5 =	sshra.s32 s12, $0x2;
	v11 =	vadd.f32 $1.000000000e+00, v11;
	(erf) = vpow2.f32 v10;
	s12 =	smov.u32 s11;
	s11 =	sadd.s32 $0x200, s11  }
0x19e: {  	v10 =	vld [tilespmem:s5+$0x8650];
	(erf) = vrcp.f32 v9  }
0x19f: {  	v9 =	vld [tilespmem:s5+$0x8630];
	v12 =	vpop (erf);
	(erf) = vrcp.f32 v11  }
0x1a0: {  	v11 =	vld [tilespmem:s5+$0x6650];
	v12 =	vadd.f32 $1.000000000e+00, v12;
	v13 =	vpop (erf)  }
0x1a1: {  	v14 =	vld [tilespmem:s5+$0x6640];
	v17 =	vadd.f32 $1.000000000e+00, v13;
	v15 =	vpop (erf)  }
0x1a2: {  	v16 =	vld [tilespmem:s5+$0x6670];
	v4 =	vmul.f32 v15, v4;
	v15 =	vpop (erf);
	(erf) = vrcp.f32 v12  }
0x1a3: {  	v12 =	vld [tilespmem:s5+$0x6630];
	v15 =	vadd.f32 $1.000000000e+00, v15;
	(erf) = vrcp.f32 v17;
	v13 =	vpop (erf)  }
0x1a4: {  	v17 =	vld [tilespmem:s5+$0x6610];
	[tilespmem:s10+$0x2630] =	vst v4;
	v19 =	vadd.f32 $1.000000000e+00, v13  }
0x1a5: {  	v13 =	vld [tilespmem:s5+$0x2630];
	(erf) = vrcp.f32 v15  }
0x1a6: {  	v15 =	vld [tilespmem:s5+$0x6600];
	(erf) = vrcp.f32 v19;
	v4 =	vpop (erf)  }
0x1a7: {  	v4 =	vadd.f32 $1.000000000e+00, v4;
	v18 =	vpop (erf)  }
0x1a8: {  	v5 =	vmul.f32 v18, v5;
	v18 =	vpop (erf)  }
0x1a9: {  	v19 =	vld [tilespmem:s5+$0x8640];
	v20 =	vmul.f32 v18, v3;
	(erf) = vrcp.f32 v4  }
0x1aa: {  	v18 =	vld [tilespmem:s5+$0x6620];
	v4 =	vadd.f32 v12, v13;
	[tilespmem:s10+$0x2640] =	vst v5  }
0x1ab: {  	v5 =	vld [tilespmem:s5+$0x2640];
	[tilespmem:s10+$0x2620] =	vst v20;
	v3 =	vpop (erf)  }
0x1ac: {  	v12 =	vld [tilespmem:s5+$0x2620];
	v4 =	vadd.f32 v9, v4;
	v20 =	vmul.f32 v3, v7;
	v7 =	vpop (erf)  }
0x1ad: {  	v9 =	vld [tilespmem:s5+$0x8610];
	v7 =	vmul.f32 v7, v8  }
0x1ae: {  	v8 =	vld [tilespmem:s5+$0x8620];
	v13 =	vsub.f32 $0.0e+00, v4;
	[tilespmem:s10+$0x2610] =	vst v20;
	v3 =	vpop (erf)  }
0x1af: {  	v20 =	vld [tilespmem:s5+$0x2610];
	v3 =	vmul.f32 v3, v6;
	[tilespmem:s10+$0x2650] =	vst v7;
	v6 =	vpop (erf)  }
0x1b0: {  	v7 =	vmul.f32 $1.442695020e+00, v13;
	v5 =	vadd.f32 v14, v5;
	v13 =	vld [tilespmem:s5+$0x2650];
	v21 =	vmul.f32 v6, v2  }
0x1b1: {  	v6 =	vadd.f32 v18, v12;
	v12 =	vld [tilespmem:s5+$0x6660];
	[tilespmem:s10+$0x2600] =	vst v3  }
0x1b2: {  	v14 =	vld [tilespmem:s5+$0x2600];
	v5 =	vadd.f32 v19, v5;
	(erf) = vpow2.f32 v7;
	[tilespmem:s10+$0x2660] =	vst v21;
	v2 =	vpop (erf)  }
0x1b3: {  	v3 =	vadd.f32 v8, v6;
	v6 =	vld [tilespmem:s5+$0x2660];
	v1 =	vmul.f32 v2, v1  }
0x1b4: {  	v2 =	vld [tilespmem:s5+$0x8600];
	v7 =	vadd.f32 v17, v20;
	v8 =	vsub.f32 $0.0e+00, v5  }
0x1b5: {  	v17 =	vsub.f32 $0.0e+00, v3;
	v11 =	vadd.f32 v11, v13;
	v13 =	vld [tilespmem:s5+$0x8660];
	[tilespmem:s10+$0x2670] =	vst v1;
	s10 =	smov.u32 s5  }
0x1b6: {  	v7 =	vadd.f32 v9, v7;
	v1 =	vmul.f32 $1.442695020e+00, v8;
	v9 =	vld [tilespmem:s10+$0x2670]  }
0x1b7: {  	v14 =	vadd.f32 v15, v14;
	v15 =	vmul.f32 $1.442695020e+00, v17;
	v8 =	vadd.f32 v10, v11;
	v10 =	vld [tilespmem:s10+$0x8670]  }
0x1b8: {  	v11 =	vsub.f32 $0.0e+00, v7;
	v12 =	vadd.f32 v12, v6;
	(erf) = vpow2.f32 v1  }
0x1b9: {  	v6 =	vadd.f32 v2, v14;
	v1 =	vsub.f32 $0.0e+00, v8;
	(erf) = vpow2.f32 v15  }
0x1ba: {  	v11 =	vmul.f32 $1.442695020e+00, v11;
	v2 =	vadd.f32 v13, v12  }
0x1bb: {  	v12 =	vsub.f32 $0.0e+00, v6;
	v13 =	vmul.f32 $1.442695020e+00, v1;
	v1 =	vadd.f32 v16, v9;
	v9 =	vpop (erf)  }
0x1bc: {  	v9 =	vadd.f32 $1.000000000e+00, v9;
	v14 =	vsub.f32 $0.0e+00, v2;
	(erf) = vpow2.f32 v11  }
0x1bd: {  	v11 =	vmul.f32 $1.442695020e+00, v12;
	v1 =	vadd.f32 v10, v1;
	(erf) = vpow2.f32 v13  }
.Ltmp6:
0x1be: {  	v10 =	vmul.f32 $1.442695020e+00, v14;
	(erf) = vrcp.f32 v9;
	(pc) =	sbr.rel @p1 .LBB2_6-.Ltmp6, $4  }
0x1bf: {  	v12 =	vsub.f32 $0.0e+00, v1;
	(erf) = vpow2.f32 v11  }
0x1c0: {  	(erf) = vpow2.f32 v10  }
0x1c1: {  	v10 =	vmul.f32 $1.442695020e+00, v12;
	v9 =	vpop (erf)  }
0x1c2: {  	v9 =	vadd.f32 $1.000000000e+00, v9;
	v11 =	vpop (erf)  }
0x1c3: {  	(erf) = vpow2.f32 v10;
	v10 =	vadd.f32 $1.000000000e+00, v11  }
0x1c4: {  	(erf) = vrcp.f32 v9  }
0x1c5: {  	s11 =	sshra.s32 s12, $0x2;
	(erf) = vrcp.f32 v10  }
0x1c6: {  	v11 =	vld [tilespmem:s11+$0x8650]  }
0x1c7: {  	v9 =	vld [tilespmem:s11+$0x8630];
	v12 =	vpop (erf)  }
0x1c8: {  	v14 =	vld [tilespmem:s11+$0x6640];
	v13 =	vpop (erf)  }
0x1c9: {  	v16 =	vld [tilespmem:s11+$0x6670];
	v12 =	vadd.f32 $1.000000000e+00, v12;
	v15 =	vpop (erf)  }
0x1ca: {  	v34 =	vld [tilespmem:s11+$0x6630];
	v13 =	vadd.f32 $1.000000000e+00, v13;
	v4 =	vmul.f32 v15, v4;
	v17 =	vpop (erf)  }
0x1cb: {  	v35 =	vld [tilespmem:s11+$0x6610];
	(erf) = vrcp.f32 v12;
	v18 =	vpop (erf)  }
0x1cc: {  	v10 =	vld [tilespmem:s11+$0x6650];
	(erf) = vrcp.f32 v13;
	v17 =	vadd.f32 $1.000000000e+00, v17;
	[tilespmem:s10+$0x2630] =	vst v4;
	v36 =	vpop (erf)  }
0x1cd: {  	v4 =	vld [tilespmem:s11+$0x2630];
	v20 =	vpop (erf)  }
0x1ce: {  	v18 =	vadd.f32 $1.000000000e+00, v18;
	v19 =	vld [tilespmem:s11+$0x6600];
	(erf) = vrcp.f32 v17;
	v5 =	vmul.f32 v20, v5;
	v38 =	vpop (erf)  }
0x1cf: {  	v37 =	vld [tilespmem:s11+$0x8640];
	v3 =	vmul.f32 v38, v3  }
0x1d0: {  	v21 =	vld [tilespmem:s11+$0x6620];
	(erf) = vrcp.f32 v18;
	[tilespmem:s10+$0x2640] =	vst v5  }
0x1d1: {  	v5 =	vld [tilespmem:s11+$0x2640];
	[tilespmem:s10+$0x2620] =	vst v3;
	v3 =	vadd.f32 $1.000000000e+00, v36;
	_ =	sdelay $0x1  }
0x1d2: {  	(erf) = vrcp.f32 v3  }
0x1d3: {  	v39 =	vpop (erf)  }
0x1d4: {  	v40 =	vld [tilespmem:s11+$0x2620];
	v7 =	vmul.f32 v39, v7;
	v3 =	vpop (erf)  }
0x1d5: {  	v4 =	vadd.f32 v34, v4;
	v41 =	vld [tilespmem:s11+$0x8610];
	v3 =	vmul.f32 v3, v8  }
0x1d6: {  	v42 =	vld [tilespmem:s11+$0x8620];
	[tilespmem:s10+$0x2610] =	vst v7;
	v8 =	vpop (erf)  }
0x1d7: {  	v4 =	vadd.f32 v9, v4;
	v7 =	vld [tilespmem:s11+$0x2610];
	[tilespmem:s10+$0x2650] =	vst v3;
	v3 =	vmul.f32 v8, v6  }
0x1d8: {  	v8 =	vpop (erf);
	v6 =	vld [tilespmem:s11+$0x2650]  }
0x1d9: {  	v9 =	vld [tilespmem:s11+$0x6660];
	v2 =	vmul.f32 v8, v2;
	[tilespmem:s10+$0x2600] =	vst v3;
	v3 =	vsub.f32 $0.0e+00, v4;
	_ =	sdelay $0x1  }
0x1da: {  	v8 =	vld [tilespmem:s11+$0x2600];
	[tilespmem:s10+$0x2660] =	vst v2;
	v2 =	vmul.f32 $1.442695020e+00, v3;
	v3 =	vadd.f32 v14, v5;
	v5 =	vpop (erf)  }
0x1db: {  	v43 =	vld [tilespmem:s11+$0x2660];
	v1 =	vmul.f32 v5, v1  }
0x1dc: {  	v44 =	vadd.f32 v21, v40;
	v7 =	vadd.f32 v35, v7;
	v5 =	vld [tilespmem:s11+$0x8600];
	(erf) = vpow2.f32 v2  }
0x1dd: {  	v3 =	vadd.f32 v37, v3;
	v2 =	vld [tilespmem:s11+$0x8660];
	[tilespmem:s10+$0x2670] =	vst v1  }
0x1de: {  	v7 =	vadd.f32 v41, v7;
	v1 =	vadd.f32 v42, v44;
	v46 =	vld [tilespmem:s11+$0x2670]  }
0x1df: {  	v6 =	vadd.f32 v10, v6;
	v45 =	vsub.f32 $0.0e+00, v3  }
0x1e0: {  	v8 =	vadd.f32 v19, v8;
	v47 =	vld [tilespmem:s11+$0x8670];
	v10 =	vsub.f32 $0.0e+00, v1  }
0x1e1: {  	v6 =	vadd.f32 v11, v6;
	v11 =	vsub.f32 $0.0e+00, v7;
	v12 =	vmul.f32 $1.442695020e+00, v45  }
0x1e2: {  	v9 =	vadd.f32 v9, v43;
	v5 =	vadd.f32 v5, v8;
	v10 =	vmul.f32 $1.442695020e+00, v10  }
0x1e3: {  	v8 =	vsub.f32 $0.0e+00, v6;
	(erf) = vpow2.f32 v12;
	v48 =	vadd.f32 v16, v46  }
0x1e4: {  	v2 =	vadd.f32 v2, v9;
	(erf) = vpow2.f32 v10;
	v10 =	vmul.f32 $1.442695020e+00, v11  }
0x1e5: {  	v9 =	vsub.f32 $0.0e+00, v5;
	v8 =	vmul.f32 $1.442695020e+00, v8;
	v11 =	vpop (erf);
	v12 =	vadd.f32 v47, v48  }
0x1e6: {  	v49 =	vsub.f32 $0.0e+00, v2;
	(erf) = vpow2.f32 v10;
	v11 =	vadd.f32 $1.000000000e+00, v11  }
0x1e7: {  	v9 =	vmul.f32 $1.442695020e+00, v9;
	(erf) = vpow2.f32 v8;
	v8 =	vsub.f32 $0.0e+00, v12  }
0x1e8: {  	v10 =	vmul.f32 $1.442695020e+00, v49;
	(erf) = vrcp.f32 v11  }
0x1e9: {  	(erf) = vpow2.f32 v9;
	v8 =	vmul.f32 $1.442695020e+00, v8  }
0x1ea: {  	(erf) = vpow2.f32 v10  }
0x1eb: {  	(erf) = vpow2.f32 v8;
	_ =	sdelay $0x1  }
0x1ec: {  	v8 =	vpop (erf)  }
0x1ed: {  	v9 =	vpop (erf)  }
0x1ee: {  	v8 =	vadd.f32 $1.000000000e+00, v8;
	v10 =	vpop (erf)  }
0x1ef: {  	v9 =	vadd.f32 $1.000000000e+00, v9;
	v11 =	vpop (erf)  }
0x1f0: {  	(erf) = vrcp.f32 v8;
	v8 =	vadd.f32 $1.000000000e+00, v10;
	v10 =	vpop (erf)  }
0x1f1: {  	(erf) = vrcp.f32 v9;
	v9 =	vadd.f32 $1.000000000e+00, v11;
	v11 =	vpop (erf)  }
0x1f2: {  	(erf) = vrcp.f32 v8;
	v8 =	vadd.f32 $1.000000000e+00, v11;
	v11 =	vpop (erf)  }
0x1f3: {  	(erf) = vrcp.f32 v9;
	v9 =	vadd.f32 $1.000000000e+00, v11;
	v11 =	vpop (erf)  }
0x1f4: {  	(erf) = vrcp.f32 v8;
	v8 =	vadd.f32 $1.000000000e+00, v11  }
0x1f5: {  	(erf) = vrcp.f32 v9  }
0x1f6: {  	(erf) = vrcp.f32 v8  }
0x1f7: {  	v4 =	vmul.f32 v10, v4;
	_ =	sdelay $0x1  }
0x1f8: {  	v8 =	vpop (erf)  }
0x1f9: {  	v3 =	vmul.f32 v8, v3;
	v8 =	vpop (erf)  }
0x1fa: {  	[tilespmem:s11+$0x2630] =	vst v4;
	v1 =	vmul.f32 v8, v1;
	v4 =	vpop (erf)  }
0x1fb: {  	[tilespmem:s11+$0x2640] =	vst v3;
	v3 =	vmul.f32 v4, v7;
	v4 =	vpop (erf)  }
0x1fc: {  	[tilespmem:s11+$0x2620] =	vst v1;
	v1 =	vmul.f32 v4, v6;
	v4 =	vpop (erf)  }
0x1fd: {  	[tilespmem:s11+$0x2610] =	vst v3;
	v3 =	vmul.f32 v4, v5;
	v4 =	vpop (erf)  }
0x1fe: {  	[tilespmem:s11+$0x2650] =	vst v1;
	v1 =	vmul.f32 v4, v2;
	v2 =	vpop (erf)  }
0x1ff: {  	[tilespmem:s11+$0x2600] =	vst v3;
	v2 =	vmul.f32 v2, v12  }
0x200: {  	[tilespmem:s11+$0x2660] =	vst v1  }
0x201: {  	s5 =	simm.s32 $0x280;
	[tilespmem:s11+$0x2670] =	vst v2  }
0x202: {  	[spmem:s3] =	stream.indirect.scatter.add.f32 [tilespmem:s30], [sflag:$0x3], $0x80, s5, s15, $0xb8;
	[tilespmem:$0x1DE80] =	vst v63  }
0x203: {  	s12 =	simm.s32 $0x0;
	s11 =	sadd.s32 s9, s28  }
0x204: {  	[tilespmem:s19], [sflag:$0x2] =	stream.linear.gather [hbm4b:s11+s12], $0x2000, $0x38;
	[tilespmem:$0x1DE80] =	vst v63  }
0x205: {  	_ =	swait.ge [sflag:s20], $0x2000  }
0x206: {  	[sflag:s20] =	ssyncset.done $0x0  }
0x207: {  	[sflag:s20] =	ssyncadd.s32 $0xFFFFE000  }
0x208: {  	_ =	swait.ge [sflag:s20], $0x2000  }
0x209: {  	[sflag:s20] =	ssyncset.done $0x0  }
0x20a: {  	[sflag:s20] =	ssyncadd.s32 $0xFFFFE000  }
0x20b: {  	_ =	swait.ge [sflag:s8], $0x2000  }
0x20c: {  	[sflag:s8] =	ssyncset.done $0x0  }
0x20d: {  	s11 =	simm.s32 $0x180;
	[sflag:s8] =	ssyncadd.s32 $0xFFFFE000  }
0x20e: {  	[tilespmem:s30], [sflag:$0x1] =	stream.indirect.gather [hbm4b:s0+s15], $0x80, s11, s15, $0xb8;
	[tilespmem:$0x1DE80] =	vst v63  }
0x20f: {  	s12 =	simm.s32 $0x580  }
0x210: {  	[tilespmem:s6], [sflag:$0x1] =	stream.indirect.gather [hbm4b:s21+s15], $0x80, s12, s15, $0xb8;
	[tilespmem:$0x1DE80] =	vst v63  }
0x211: {  	_ =	swait.ge [sflag:s7], $0x2000  }
0x212: {  	[sflag:s7] =	ssyncset.done $0x0  }
0x213: {  	s10 =	simm.s32 $0x0;
	[sflag:s7] =	ssyncadd.s32 $0xFFFFE000  }
0x214: {  	v1 =	vld [tilespmem:s10+$0x8650]  }
0x215: {  	v2 =	vld [tilespmem:s10+$0x8630]  }
0x216: {  	v6 =	vld [tilespmem:s10+$0x4650]  }
0x217: {  	v3 =	vld [tilespmem:s10+$0x4640]  }
0x218: {  	v4 =	vld [tilespmem:s10+$0x4630]  }
0x219: {  	v5 =	vld [tilespmem:s10+$0x630]  }
0x21a: {  	v9 =	vld [tilespmem:s10+$0x4670]  }
0x21b: {  	v7 =	vld [tilespmem:s10+$0x4610]  }
0x21c: {  	v8 =	vld [tilespmem:s10+$0x4600]  }
0x21d: {  	v10 =	vld [tilespmem:s10+$0x4620]  }
0x21e: {  	v11 =	vld [tilespmem:s10+$0x620]  }
0x21f: {  	v4 =	vadd.f32 v4, v5;
	v5 =	vld [tilespmem:s10+$0x640]  }
0x220: {  	v50 =	vld [tilespmem:s10+$0x8640]  }
0x221: {  	v51 =	vld [tilespmem:s10+$0x8610]  }
0x222: {  	v4 =	vadd.f32 v2, v4;
	v2 =	vld [tilespmem:s10+$0x8620]  }
0x223: {  	v53 =	vld [tilespmem:s10+$0x610]  }
0x224: {  	v54 =	vld [tilespmem:s10+$0x650];
	v52 =	vsub.f32 $0.0e+00, v4;
	v3 =	vadd.f32 v3, v5  }
0x225: {  	v55 =	vld [tilespmem:s10+$0x600];
	v10 =	vadd.f32 v10, v11  }
0x226: {  	v59 =	vld [tilespmem:s10+$0x670];
	v14 =	vmul.f32 $1.442695020e+00, v52;
	v5 =	vadd.f32 v50, v3  }
0x227: {  	v11 =	vld [tilespmem:s10+$0x4660];
	v3 =	vadd.f32 v2, v10  }
0x228: {  	v2 =	vld [tilespmem:s10+$0x660];
	(erf) = vpow2.f32 v14;
	v10 =	vsub.f32 $0.0e+00, v5  }
0x229: {  	v56 =	vld [tilespmem:s10+$0x8600];
	v7 =	vadd.f32 v7, v53;
	v57 =	vsub.f32 $0.0e+00, v3  }
0x22a: {  	v58 =	vld [tilespmem:s10+$0x8660];
	v6 =	vadd.f32 v6, v54;
	v10 =	vmul.f32 $1.442695020e+00, v10  }
0x22b: {  	v7 =	vadd.f32 v51, v7;
	v17 =	vmul.f32 $1.442695020e+00, v57  }
0x22c: {  	(erf) = vpow2.f32 v10;
	v10 =	vadd.f32 v8, v55;
	v8 =	vadd.f32 v1, v6;
	v1 =	vld [tilespmem:s10+$0x8670]  }
0x22d: {  	v9 =	vadd.f32 v9, v59;
	v2 =	vadd.f32 v11, v2  }
0x22e: {  	v60 =	vsub.f32 $0.0e+00, v7;
	(erf) = vpow2.f32 v17;
	v6 =	vadd.f32 v56, v10  }
0x22f: {  	v2 =	vadd.f32 v58, v2;
	v10 =	vsub.f32 $0.0e+00, v8  }
0x230: {  	v11 =	vmul.f32 $1.442695020e+00, v60;
	v62 =	vsub.f32 $0.0e+00, v6  }
0x231: {  	v63 =	vsub.f32 $0.0e+00, v2;
	v61 =	vpop (erf);
	v10 =	vmul.f32 $1.442695020e+00, v10;
	v1 =	vadd.f32 v1, v9  }
0x232: {  	(erf) = vpow2.f32 v11;
	v12 =	vadd.f32 $1.000000000e+00, v61;
	v9 =	vmul.f32 $1.442695020e+00, v62  }
0x233: {  	(erf) = vpow2.f32 v10;
	v11 =	vsub.f32 $0.0e+00, v1  }
0x234: {  	v10 =	vmul.f32 $1.442695020e+00, v63;
	(erf) = vrcp.f32 v12  }
0x235: {  	(erf) = vpow2.f32 v9  }
0x236: {  	(erf) = vpow2.f32 v10;
	v9 =	vpop (erf)  }
0x237: {  	s11 =	simm.s32 $0x400;
	s12 =	simm.s32 $0x200;
	v10 =	vmul.f32 $1.442695020e+00, v11;
	v9 =	vadd.f32 $1.000000000e+00, v9;
	v11 =	vpop (erf)  }
.LBB2_8:
0x238: {  	p1 =	sne.s32 s11, $0x7E00  }
0x239: {  	s5 =	sshra.s32 s12, $0x2;
	v11 =	vadd.f32 $1.000000000e+00, v11;
	(erf) = vpow2.f32 v10;
	s12 =	smov.u32 s11;
	s11 =	sadd.s32 $0x200, s11  }
0x23a: {  	v10 =	vld [tilespmem:s5+$0x8650];
	(erf) = vrcp.f32 v9  }
0x23b: {  	v9 =	vld [tilespmem:s5+$0x8630];
	v12 =	vpop (erf);
	(erf) = vrcp.f32 v11  }
0x23c: {  	v11 =	vld [tilespmem:s5+$0x4650];
	v12 =	vadd.f32 $1.000000000e+00, v12;
	v13 =	vpop (erf)  }
0x23d: {  	v14 =	vld [tilespmem:s5+$0x4640];
	v17 =	vadd.f32 $1.000000000e+00, v13;
	v15 =	vpop (erf)  }
0x23e: {  	v16 =	vld [tilespmem:s5+$0x4670];
	v4 =	vmul.f32 v15, v4;
	v15 =	vpop (erf);
	(erf) = vrcp.f32 v12  }
0x23f: {  	v12 =	vld [tilespmem:s5+$0x4630];
	v15 =	vadd.f32 $1.000000000e+00, v15;
	(erf) = vrcp.f32 v17;
	v13 =	vpop (erf)  }
0x240: {  	v17 =	vld [tilespmem:s5+$0x4610];
	[tilespmem:s10+$0x630] =	vst v4;
	v19 =	vadd.f32 $1.000000000e+00, v13  }
0x241: {  	v13 =	vld [tilespmem:s5+$0x630];
	(erf) = vrcp.f32 v15  }
0x242: {  	v15 =	vld [tilespmem:s5+$0x4600];
	(erf) = vrcp.f32 v19;
	v4 =	vpop (erf)  }
0x243: {  	v4 =	vadd.f32 $1.000000000e+00, v4;
	v18 =	vpop (erf)  }
0x244: {  	v5 =	vmul.f32 v18, v5;
	v18 =	vpop (erf)  }
0x245: {  	v19 =	vld [tilespmem:s5+$0x8640];
	v20 =	vmul.f32 v18, v3;
	(erf) = vrcp.f32 v4  }
0x246: {  	v18 =	vld [tilespmem:s5+$0x4620];
	v4 =	vadd.f32 v12, v13;
	[tilespmem:s10+$0x640] =	vst v5  }
0x247: {  	v5 =	vld [tilespmem:s5+$0x640];
	[tilespmem:s10+$0x620] =	vst v20;
	v3 =	vpop (erf)  }
0x248: {  	v12 =	vld [tilespmem:s5+$0x620];
	v4 =	vadd.f32 v9, v4;
	v20 =	vmul.f32 v3, v7;
	v7 =	vpop (erf)  }
0x249: {  	v9 =	vld [tilespmem:s5+$0x8610];
	v7 =	vmul.f32 v7, v8  }
0x24a: {  	v8 =	vld [tilespmem:s5+$0x8620];
	v13 =	vsub.f32 $0.0e+00, v4;
	[tilespmem:s10+$0x610] =	vst v20;
	v3 =	vpop (erf)  }
0x24b: {  	v20 =	vld [tilespmem:s5+$0x610];
	v3 =	vmul.f32 v3, v6;
	[tilespmem:s10+$0x650] =	vst v7;
	v6 =	vpop (erf)  }
0x24c: {  	v7 =	vmul.f32 $1.442695020e+00, v13;
	v5 =	vadd.f32 v14, v5;
	v13 =	vld [tilespmem:s5+$0x650];
	v21 =	vmul.f32 v6, v2  }
0x24d: {  	v6 =	vadd.f32 v18, v12;
	v12 =	vld [tilespmem:s5+$0x4660];
	[tilespmem:s10+$0x600] =	vst v3  }
0x24e: {  	v14 =	vld [tilespmem:s5+$0x600];
	v5 =	vadd.f32 v19, v5;
	(erf) = vpow2.f32 v7;
	[tilespmem:s10+$0x660] =	vst v21;
	v2 =	vpop (erf)  }
0x24f: {  	v3 =	vadd.f32 v8, v6;
	v6 =	vld [tilespmem:s5+$0x660];
	v1 =	vmul.f32 v2, v1  }
0x250: {  	v2 =	vld [tilespmem:s5+$0x8600];
	v7 =	vadd.f32 v17, v20;
	v8 =	vsub.f32 $0.0e+00, v5  }
0x251: {  	v17 =	vsub.f32 $0.0e+00, v3;
	v11 =	vadd.f32 v11, v13;
	v13 =	vld [tilespmem:s5+$0x8660];
	[tilespmem:s10+$0x670] =	vst v1;
	s10 =	smov.u32 s5  }
0x252: {  	v7 =	vadd.f32 v9, v7;
	v1 =	vmul.f32 $1.442695020e+00, v8;
	v9 =	vld [tilespmem:s10+$0x670]  }
0x253: {  	v14 =	vadd.f32 v15, v14;
	v15 =	vmul.f32 $1.442695020e+00, v17;
	v8 =	vadd.f32 v10, v11;
	v10 =	vld [tilespmem:s10+$0x8670]  }
0x254: {  	v11 =	vsub.f32 $0.0e+00, v7;
	v12 =	vadd.f32 v12, v6;
	(erf) = vpow2.f32 v1  }
0x255: {  	v6 =	vadd.f32 v2, v14;
	v1 =	vsub.f32 $0.0e+00, v8;
	(erf) = vpow2.f32 v15  }
0x256: {  	v11 =	vmul.f32 $1.442695020e+00, v11;
	v2 =	vadd.f32 v13, v12  }
0x257: {  	v12 =	vsub.f32 $0.0e+00, v6;
	v13 =	vmul.f32 $1.442695020e+00, v1;
	v1 =	vadd.f32 v16, v9;
	v9 =	vpop (erf)  }
0x258: {  	v9 =	vadd.f32 $1.000000000e+00, v9;
	v14 =	vsub.f32 $0.0e+00, v2;
	(erf) = vpow2.f32 v11  }
0x259: {  	v11 =	vmul.f32 $1.442695020e+00, v12;
	v1 =	vadd.f32 v10, v1;
	(erf) = vpow2.f32 v13  }
.Ltmp7:
0x25a: {  	v10 =	vmul.f32 $1.442695020e+00, v14;
	(erf) = vrcp.f32 v9;
	(pc) =	sbr.rel @p1 .LBB2_8-.Ltmp7, $4  }
0x25b: {  	v12 =	vsub.f32 $0.0e+00, v1;
	(erf) = vpow2.f32 v11  }
0x25c: {  	(erf) = vpow2.f32 v10  }
0x25d: {  	v10 =	vmul.f32 $1.442695020e+00, v12;
	v9 =	vpop (erf)  }
0x25e: {  	v9 =	vadd.f32 $1.000000000e+00, v9;
	v11 =	vpop (erf)  }
0x25f: {  	(erf) = vpow2.f32 v10;
	v10 =	vadd.f32 $1.000000000e+00, v11  }
0x260: {  	(erf) = vrcp.f32 v9  }
0x261: {  	s11 =	sshra.s32 s12, $0x2;
	(erf) = vrcp.f32 v10  }
0x262: {  	v11 =	vld [tilespmem:s11+$0x8650]  }
0x263: {  	v9 =	vld [tilespmem:s11+$0x8630];
	v12 =	vpop (erf)  }
0x264: {  	v14 =	vld [tilespmem:s11+$0x4640];
	v13 =	vpop (erf)  }
0x265: {  	v16 =	vld [tilespmem:s11+$0x4670];
	v12 =	vadd.f32 $1.000000000e+00, v12;
	v15 =	vpop (erf)  }
0x266: {  	v34 =	vld [tilespmem:s11+$0x4630];
	v13 =	vadd.f32 $1.000000000e+00, v13;
	v4 =	vmul.f32 v15, v4;
	v17 =	vpop (erf)  }
0x267: {  	v35 =	vld [tilespmem:s11+$0x4610];
	(erf) = vrcp.f32 v12;
	v18 =	vpop (erf)  }
0x268: {  	v10 =	vld [tilespmem:s11+$0x4650];
	(erf) = vrcp.f32 v13;
	v17 =	vadd.f32 $1.000000000e+00, v17;
	[tilespmem:s10+$0x630] =	vst v4;
	v36 =	vpop (erf)  }
0x269: {  	v4 =	vld [tilespmem:s11+$0x630];
	v20 =	vpop (erf)  }
0x26a: {  	v18 =	vadd.f32 $1.000000000e+00, v18;
	v19 =	vld [tilespmem:s11+$0x4600];
	(erf) = vrcp.f32 v17;
	v5 =	vmul.f32 v20, v5;
	v38 =	vpop (erf)  }
0x26b: {  	v37 =	vld [tilespmem:s11+$0x8640];
	v3 =	vmul.f32 v38, v3  }
0x26c: {  	v21 =	vld [tilespmem:s11+$0x4620];
	(erf) = vrcp.f32 v18;
	[tilespmem:s10+$0x640] =	vst v5  }
0x26d: {  	v5 =	vld [tilespmem:s11+$0x640];
	[tilespmem:s10+$0x620] =	vst v3;
	v3 =	vadd.f32 $1.000000000e+00, v36;
	_ =	sdelay $0x1  }
0x26e: {  	(erf) = vrcp.f32 v3  }
0x26f: {  	v39 =	vpop (erf)  }
0x270: {  	v40 =	vld [tilespmem:s11+$0x620];
	v7 =	vmul.f32 v39, v7;
	v3 =	vpop (erf)  }
0x271: {  	v4 =	vadd.f32 v34, v4;
	v41 =	vld [tilespmem:s11+$0x8610];
	v3 =	vmul.f32 v3, v8  }
0x272: {  	v42 =	vld [tilespmem:s11+$0x8620];
	[tilespmem:s10+$0x610] =	vst v7;
	v8 =	vpop (erf)  }
0x273: {  	v4 =	vadd.f32 v9, v4;
	v7 =	vld [tilespmem:s11+$0x610];
	[tilespmem:s10+$0x650] =	vst v3;
	v3 =	vmul.f32 v8, v6  }
0x274: {  	v8 =	vpop (erf);
	v6 =	vld [tilespmem:s11+$0x650]  }
0x275: {  	v9 =	vld [tilespmem:s11+$0x4660];
	v2 =	vmul.f32 v8, v2;
	[tilespmem:s10+$0x600] =	vst v3;
	v3 =	vsub.f32 $0.0e+00, v4;
	_ =	sdelay $0x1  }
0x276: {  	v8 =	vld [tilespmem:s11+$0x600];
	[tilespmem:s10+$0x660] =	vst v2;
	v2 =	vmul.f32 $1.442695020e+00, v3;
	v3 =	vadd.f32 v14, v5;
	v5 =	vpop (erf)  }
0x277: {  	v43 =	vld [tilespmem:s11+$0x660];
	v1 =	vmul.f32 v5, v1  }
0x278: {  	v44 =	vadd.f32 v21, v40;
	v7 =	vadd.f32 v35, v7;
	v5 =	vld [tilespmem:s11+$0x8600];
	(erf) = vpow2.f32 v2  }
0x279: {  	v3 =	vadd.f32 v37, v3;
	v2 =	vld [tilespmem:s11+$0x8660];
	[tilespmem:s10+$0x670] =	vst v1  }
0x27a: {  	v7 =	vadd.f32 v41, v7;
	v1 =	vadd.f32 v42, v44;
	v46 =	vld [tilespmem:s11+$0x670]  }
0x27b: {  	v6 =	vadd.f32 v10, v6;
	v45 =	vsub.f32 $0.0e+00, v3  }
0x27c: {  	v8 =	vadd.f32 v19, v8;
	v47 =	vld [tilespmem:s11+$0x8670];
	v10 =	vsub.f32 $0.0e+00, v1  }
0x27d: {  	v6 =	vadd.f32 v11, v6;
	v11 =	vsub.f32 $0.0e+00, v7;
	v12 =	vmul.f32 $1.442695020e+00, v45  }
0x27e: {  	v9 =	vadd.f32 v9, v43;
	v5 =	vadd.f32 v5, v8;
	v10 =	vmul.f32 $1.442695020e+00, v10  }
0x27f: {  	v8 =	vsub.f32 $0.0e+00, v6;
	(erf) = vpow2.f32 v12;
	v48 =	vadd.f32 v16, v46  }
0x280: {  	v2 =	vadd.f32 v2, v9;
	(erf) = vpow2.f32 v10;
	v10 =	vmul.f32 $1.442695020e+00, v11  }
0x281: {  	v9 =	vsub.f32 $0.0e+00, v5;
	v8 =	vmul.f32 $1.442695020e+00, v8;
	v11 =	vpop (erf);
	v12 =	vadd.f32 v47, v48  }
0x282: {  	v49 =	vsub.f32 $0.0e+00, v2;
	(erf) = vpow2.f32 v10;
	v11 =	vadd.f32 $1.000000000e+00, v11  }
0x283: {  	v9 =	vmul.f32 $1.442695020e+00, v9;
	(erf) = vpow2.f32 v8;
	v8 =	vsub.f32 $0.0e+00, v12  }
0x284: {  	v10 =	vmul.f32 $1.442695020e+00, v49;
	(erf) = vrcp.f32 v11  }
0x285: {  	(erf) = vpow2.f32 v9;
	v8 =	vmul.f32 $1.442695020e+00, v8  }
0x286: {  	(erf) = vpow2.f32 v10  }
0x287: {  	(erf) = vpow2.f32 v8;
	_ =	sdelay $0x1  }
0x288: {  	v8 =	vpop (erf)  }
0x289: {  	v9 =	vpop (erf)  }
0x28a: {  	v8 =	vadd.f32 $1.000000000e+00, v8;
	v10 =	vpop (erf)  }
0x28b: {  	v9 =	vadd.f32 $1.000000000e+00, v9;
	v11 =	vpop (erf)  }
0x28c: {  	(erf) = vrcp.f32 v8;
	v8 =	vadd.f32 $1.000000000e+00, v10;
	v10 =	vpop (erf)  }
0x28d: {  	(erf) = vrcp.f32 v9;
	v9 =	vadd.f32 $1.000000000e+00, v11;
	v11 =	vpop (erf)  }
0x28e: {  	(erf) = vrcp.f32 v8;
	v8 =	vadd.f32 $1.000000000e+00, v11;
	v11 =	vpop (erf)  }
0x28f: {  	(erf) = vrcp.f32 v9;
	v9 =	vadd.f32 $1.000000000e+00, v11;
	v11 =	vpop (erf)  }
0x290: {  	(erf) = vrcp.f32 v8;
	v8 =	vadd.f32 $1.000000000e+00, v11  }
0x291: {  	(erf) = vrcp.f32 v9  }
0x292: {  	(erf) = vrcp.f32 v8  }
0x293: {  	v4 =	vmul.f32 v10, v4;
	_ =	sdelay $0x1  }
0x294: {  	v8 =	vpop (erf)  }
0x295: {  	v3 =	vmul.f32 v8, v3;
	v8 =	vpop (erf)  }
0x296: {  	[tilespmem:s11+$0x630] =	vst v4;
	v1 =	vmul.f32 v8, v1;
	v4 =	vpop (erf)  }
0x297: {  	[tilespmem:s11+$0x640] =	vst v3;
	v3 =	vmul.f32 v4, v7;
	v4 =	vpop (erf)  }
0x298: {  	[tilespmem:s11+$0x620] =	vst v1;
	v1 =	vmul.f32 v4, v6;
	v4 =	vpop (erf)  }
0x299: {  	[tilespmem:s11+$0x610] =	vst v3;
	v3 =	vmul.f32 v4, v5;
	v4 =	vpop (erf)  }
0x29a: {  	[tilespmem:s11+$0x650] =	vst v1;
	v1 =	vmul.f32 v4, v2;
	v2 =	vpop (erf)  }
0x29b: {  	[tilespmem:s11+$0x600] =	vst v3;
	v2 =	vmul.f32 v2, v12  }
0x29c: {  	[tilespmem:s11+$0x660] =	vst v1  }
0x29d: {  	[tilespmem:s11+$0x670] =	vst v2  }
0x29e: {  	[spmem:s3] =	stream.indirect.scatter.add.f32 [tilespmem:s16], [sflag:$0x3], $0x80, s17, s15, $0xb8;
	[tilespmem:$0x1DE80] =	vst v63  }
0x29f: {  	s5 =	sadd.s32 s9, s29;
	s12 =	simm.s32 $0x0  }
0x2a0: {  	[tilespmem:s19], [sflag:$0x2] =	stream.linear.gather [hbm4b:s5+s12], $0x2000, $0x38;
	[tilespmem:$0x1DE80] =	vst v63  }
0x2a1: {  	_ =	swait.ge [sflag:s20], $0x2000  }
0x2a2: {  	[sflag:s20] =	ssyncset.done $0x0  }
0x2a3: {  	[sflag:s20] =	ssyncadd.s32 $0xFFFFE000  }
0x2a4: {  	_ =	swait.ge [sflag:s20], $0x2000  }
0x2a5: {  	[sflag:s20] =	ssyncset.done $0x0  }
0x2a6: {  	[sflag:s20] =	ssyncadd.s32 $0xFFFFE000  }
0x2a7: {  	_ =	swait.ge [sflag:s7], $0x2000  }
0x2a8: {  	[sflag:s7] =	ssyncset.done $0x0  }
0x2a9: {  	s9 =	simm.s32 $0x0;
	[sflag:s7] =	ssyncadd.s32 $0xFFFFE000  }
0x2aa: {  	v1 =	vld [tilespmem:s9+$0x8650]  }
0x2ab: {  	v2 =	vld [tilespmem:s9+$0x8630]  }
0x2ac: {  	v6 =	vld [tilespmem:s9+$0x6650]  }
0x2ad: {  	v3 =	vld [tilespmem:s9+$0x6640]  }
0x2ae: {  	v4 =	vld [tilespmem:s9+$0x6630]  }
0x2af: {  	v5 =	vld [tilespmem:s9+$0x2630]  }
0x2b0: {  	v9 =	vld [tilespmem:s9+$0x6670]  }
0x2b1: {  	v7 =	vld [tilespmem:s9+$0x6610]  }
0x2b2: {  	v8 =	vld [tilespmem:s9+$0x6600]  }
0x2b3: {  	v10 =	vld [tilespmem:s9+$0x6620]  }
0x2b4: {  	v11 =	vld [tilespmem:s9+$0x2620]  }
0x2b5: {  	v4 =	vadd.f32 v4, v5;
	v5 =	vld [tilespmem:s9+$0x2640]  }
0x2b6: {  	v50 =	vld [tilespmem:s9+$0x8640]  }
0x2b7: {  	v51 =	vld [tilespmem:s9+$0x8610]  }
0x2b8: {  	v4 =	vadd.f32 v2, v4;
	v2 =	vld [tilespmem:s9+$0x8620]  }
0x2b9: {  	v53 =	vld [tilespmem:s9+$0x2610]  }
0x2ba: {  	v54 =	vld [tilespmem:s9+$0x2650];
	v52 =	vsub.f32 $0.0e+00, v4;
	v3 =	vadd.f32 v3, v5  }
0x2bb: {  	v55 =	vld [tilespmem:s9+$0x2600];
	v10 =	vadd.f32 v10, v11  }
0x2bc: {  	v59 =	vld [tilespmem:s9+$0x2670];
	v14 =	vmul.f32 $1.442695020e+00, v52;
	v5 =	vadd.f32 v50, v3  }
0x2bd: {  	v11 =	vld [tilespmem:s9+$0x6660];
	v3 =	vadd.f32 v2, v10  }
0x2be: {  	v2 =	vld [tilespmem:s9+$0x2660];
	(erf) = vpow2.f32 v14;
	v10 =	vsub.f32 $0.0e+00, v5  }
0x2bf: {  	v56 =	vld [tilespmem:s9+$0x8600];
	v7 =	vadd.f32 v7, v53;
	v57 =	vsub.f32 $0.0e+00, v3  }
0x2c0: {  	v58 =	vld [tilespmem:s9+$0x8660];
	v6 =	vadd.f32 v6, v54;
	v10 =	vmul.f32 $1.442695020e+00, v10  }
0x2c1: {  	v7 =	vadd.f32 v51, v7;
	v17 =	vmul.f32 $1.442695020e+00, v57  }
0x2c2: {  	(erf) = vpow2.f32 v10;
	v10 =	vadd.f32 v8, v55;
	v8 =	vadd.f32 v1, v6;
	v1 =	vld [tilespmem:s9+$0x8670]  }
0x2c3: {  	v9 =	vadd.f32 v9, v59;
	v2 =	vadd.f32 v11, v2  }
0x2c4: {  	v60 =	vsub.f32 $0.0e+00, v7;
	(erf) = vpow2.f32 v17;
	v6 =	vadd.f32 v56, v10  }
0x2c5: {  	v2 =	vadd.f32 v58, v2;
	v10 =	vsub.f32 $0.0e+00, v8  }
0x2c6: {  	v11 =	vmul.f32 $1.442695020e+00, v60;
	v62 =	vsub.f32 $0.0e+00, v6  }
0x2c7: {  	v63 =	vsub.f32 $0.0e+00, v2;
	v61 =	vpop (erf);
	v10 =	vmul.f32 $1.442695020e+00, v10;
	v1 =	vadd.f32 v1, v9  }
0x2c8: {  	(erf) = vpow2.f32 v11;
	v12 =	vadd.f32 $1.000000000e+00, v61;
	v9 =	vmul.f32 $1.442695020e+00, v62  }
0x2c9: {  	(erf) = vpow2.f32 v10;
	v11 =	vsub.f32 $0.0e+00, v1  }
0x2ca: {  	v10 =	vmul.f32 $1.442695020e+00, v63;
	(erf) = vrcp.f32 v12  }
0x2cb: {  	(erf) = vpow2.f32 v9  }
0x2cc: {  	(erf) = vpow2.f32 v10;
	v9 =	vpop (erf)  }
0x2cd: {  	s10 =	simm.s32 $0x400;
	s11 =	simm.s32 $0x200;
	v10 =	vmul.f32 $1.442695020e+00, v11;
	v9 =	vadd.f32 $1.000000000e+00, v9;
	v11 =	vpop (erf)  }
.LBB2_10:
0x2ce: {  	p1 =	sne.s32 s10, $0x7E00  }
0x2cf: {  	s5 =	sshra.s32 s11, $0x2;
	v11 =	vadd.f32 $1.000000000e+00, v11;
	(erf) = vpow2.f32 v10;
	s11 =	smov.u32 s10;
	s10 =	sadd.s32 $0x200, s10  }
0x2d0: {  	v10 =	vld [tilespmem:s5+$0x8650];
	(erf) = vrcp.f32 v9  }
0x2d1: {  	v9 =	vld [tilespmem:s5+$0x8630];
	v12 =	vpop (erf);
	(erf) = vrcp.f32 v11  }
0x2d2: {  	v11 =	vld [tilespmem:s5+$0x6650];
	v12 =	vadd.f32 $1.000000000e+00, v12;
	v13 =	vpop (erf)  }
0x2d3: {  	v14 =	vld [tilespmem:s5+$0x6640];
	v17 =	vadd.f32 $1.000000000e+00, v13;
	v15 =	vpop (erf)  }
0x2d4: {  	v16 =	vld [tilespmem:s5+$0x6670];
	v4 =	vmul.f32 v15, v4;
	v15 =	vpop (erf);
	(erf) = vrcp.f32 v12  }
0x2d5: {  	v12 =	vld [tilespmem:s5+$0x6630];
	v15 =	vadd.f32 $1.000000000e+00, v15;
	(erf) = vrcp.f32 v17;
	v13 =	vpop (erf)  }
0x2d6: {  	v17 =	vld [tilespmem:s5+$0x6610];
	[tilespmem:s9+$0x2630] =	vst v4;
	v19 =	vadd.f32 $1.000000000e+00, v13  }
0x2d7: {  	v13 =	vld [tilespmem:s5+$0x2630];
	(erf) = vrcp.f32 v15  }
0x2d8: {  	v15 =	vld [tilespmem:s5+$0x6600];
	(erf) = vrcp.f32 v19;
	v4 =	vpop (erf)  }
0x2d9: {  	v4 =	vadd.f32 $1.000000000e+00, v4;
	v18 =	vpop (erf)  }
0x2da: {  	v5 =	vmul.f32 v18, v5;
	v18 =	vpop (erf)  }
0x2db: {  	v19 =	vld [tilespmem:s5+$0x8640];
	v20 =	vmul.f32 v18, v3;
	(erf) = vrcp.f32 v4  }
0x2dc: {  	v18 =	vld [tilespmem:s5+$0x6620];
	v4 =	vadd.f32 v12, v13;
	[tilespmem:s9+$0x2640] =	vst v5  }
0x2dd: {  	v5 =	vld [tilespmem:s5+$0x2640];
	[tilespmem:s9+$0x2620] =	vst v20;
	v3 =	vpop (erf)  }
0x2de: {  	v12 =	vld [tilespmem:s5+$0x2620];
	v4 =	vadd.f32 v9, v4;
	v20 =	vmul.f32 v3, v7;
	v7 =	vpop (erf)  }
0x2df: {  	v9 =	vld [tilespmem:s5+$0x8610];
	v7 =	vmul.f32 v7, v8  }
0x2e0: {  	v8 =	vld [tilespmem:s5+$0x8620];
	v13 =	vsub.f32 $0.0e+00, v4;
	[tilespmem:s9+$0x2610] =	vst v20;
	v3 =	vpop (erf)  }
0x2e1: {  	v20 =	vld [tilespmem:s5+$0x2610];
	v3 =	vmul.f32 v3, v6;
	[tilespmem:s9+$0x2650] =	vst v7;
	v6 =	vpop (erf)  }
0x2e2: {  	v7 =	vmul.f32 $1.442695020e+00, v13;
	v5 =	vadd.f32 v14, v5;
	v13 =	vld [tilespmem:s5+$0x2650];
	v21 =	vmul.f32 v6, v2  }
0x2e3: {  	v6 =	vadd.f32 v18, v12;
	v12 =	vld [tilespmem:s5+$0x6660];
	[tilespmem:s9+$0x2600] =	vst v3  }
0x2e4: {  	v14 =	vld [tilespmem:s5+$0x2600];
	v5 =	vadd.f32 v19, v5;
	(erf) = vpow2.f32 v7;
	[tilespmem:s9+$0x2660] =	vst v21;
	v2 =	vpop (erf)  }
0x2e5: {  	v3 =	vadd.f32 v8, v6;
	v6 =	vld [tilespmem:s5+$0x2660];
	v1 =	vmul.f32 v2, v1  }
0x2e6: {  	v2 =	vld [tilespmem:s5+$0x8600];
	v7 =	vadd.f32 v17, v20;
	v8 =	vsub.f32 $0.0e+00, v5  }
0x2e7: {  	v17 =	vsub.f32 $0.0e+00, v3;
	v11 =	vadd.f32 v11, v13;
	v13 =	vld [tilespmem:s5+$0x8660];
	[tilespmem:s9+$0x2670] =	vst v1;
	s9 =	smov.u32 s5  }
0x2e8: {  	v7 =	vadd.f32 v9, v7;
	v1 =	vmul.f32 $1.442695020e+00, v8;
	v9 =	vld [tilespmem:s9+$0x2670]  }
0x2e9: {  	v14 =	vadd.f32 v15, v14;
	v15 =	vmul.f32 $1.442695020e+00, v17;
	v8 =	vadd.f32 v10, v11;
	v10 =	vld [tilespmem:s9+$0x8670]  }
0x2ea: {  	v11 =	vsub.f32 $0.0e+00, v7;
	v12 =	vadd.f32 v12, v6;
	(erf) = vpow2.f32 v1  }
0x2eb: {  	v6 =	vadd.f32 v2, v14;
	v1 =	vsub.f32 $0.0e+00, v8;
	(erf) = vpow2.f32 v15  }
0x2ec: {  	v11 =	vmul.f32 $1.442695020e+00, v11;
	v2 =	vadd.f32 v13, v12  }
0x2ed: {  	v12 =	vsub.f32 $0.0e+00, v6;
	v13 =	vmul.f32 $1.442695020e+00, v1;
	v1 =	vadd.f32 v16, v9;
	v9 =	vpop (erf)  }
0x2ee: {  	v9 =	vadd.f32 $1.000000000e+00, v9;
	v14 =	vsub.f32 $0.0e+00, v2;
	(erf) = vpow2.f32 v11  }
0x2ef: {  	v11 =	vmul.f32 $1.442695020e+00, v12;
	v1 =	vadd.f32 v10, v1;
	(erf) = vpow2.f32 v13  }
.Ltmp8:
0x2f0: {  	v10 =	vmul.f32 $1.442695020e+00, v14;
	(erf) = vrcp.f32 v9;
	(pc) =	sbr.rel @p1 .LBB2_10-.Ltmp8, $4  }
0x2f1: {  	v12 =	vsub.f32 $0.0e+00, v1;
	(erf) = vpow2.f32 v11  }
0x2f2: {  	(erf) = vpow2.f32 v10  }
0x2f3: {  	v10 =	vmul.f32 $1.442695020e+00, v12;
	v9 =	vpop (erf)  }
0x2f4: {  	v9 =	vadd.f32 $1.000000000e+00, v9;
	v11 =	vpop (erf)  }
0x2f5: {  	(erf) = vpow2.f32 v10;
	v52 =	vadd.f32 $1.000000000e+00, v11  }
0x2f6: {  	(erf) = vrcp.f32 v9  }
0x2f7: {  	s10 =	sshra.s32 s11, $0x2;
	v12 =	vpop (erf);
	(erf) = vrcp.f32 v52  }
0x2f8: {  	v53 =	vld [tilespmem:s10+$0x8650]  }
0x2f9: {  	v54 =	vld [tilespmem:s10+$0x8630]  }
0x2fa: {  	v55 =	vld [tilespmem:s10+$0x6650];
	v13 =	vpop (erf)  }
0x2fb: {  	v14 =	vld [tilespmem:s10+$0x6640];
	v12 =	vadd.f32 $1.000000000e+00, v12;
	v15 =	vpop (erf)  }
0x2fc: {  	v16 =	vld [tilespmem:s10+$0x6670];
	v13 =	vadd.f32 $1.000000000e+00, v13;
	v4 =	vmul.f32 v15, v4;
	v17 =	vpop (erf)  }
0x2fd: {  	v56 =	vld [tilespmem:s10+$0x6630];
	(erf) = vrcp.f32 v12;
	v18 =	vpop (erf)  }
0x2fe: {  	v57 =	vld [tilespmem:s10+$0x6610];
	(erf) = vrcp.f32 v13;
	v17 =	vadd.f32 $1.000000000e+00, v17;
	[tilespmem:s9+$0x2630] =	vst v4;
	v58 =	vpop (erf)  }
0x2ff: {  	v4 =	vld [tilespmem:s10+$0x2630];
	v20 =	vpop (erf)  }
0x300: {  	v18 =	vadd.f32 $1.000000000e+00, v18;
	v19 =	vld [tilespmem:s10+$0x6600];
	(erf) = vrcp.f32 v17;
	v5 =	vmul.f32 v20, v5;
	v60 =	vpop (erf)  }
0x301: {  	v59 =	vld [tilespmem:s10+$0x8640];
	v3 =	vmul.f32 v60, v3  }
0x302: {  	v21 =	vld [tilespmem:s10+$0x6620];
	(erf) = vrcp.f32 v18;
	[tilespmem:s9+$0x2640] =	vst v5  }
0x303: {  	v5 =	vld [tilespmem:s10+$0x2640];
	[tilespmem:s9+$0x2620] =	vst v3;
	v3 =	vadd.f32 $1.000000000e+00, v58;
	_ =	sdelay $0x1  }
0x304: {  	(erf) = vrcp.f32 v3  }
0x305: {  	v61 =	vpop (erf)  }
0x306: {  	v62 =	vld [tilespmem:s10+$0x2620];
	v7 =	vmul.f32 v61, v7;
	v3 =	vpop (erf)  }
0x307: {  	v4 =	vadd.f32 v56, v4;
	v63 =	vld [tilespmem:s10+$0x8610];
	v3 =	vmul.f32 v3, v8  }
0x308: {  	v22 =	vld [tilespmem:s10+$0x8620];
	[tilespmem:s9+$0x2610] =	vst v7;
	v23 =	vpop (erf)  }
0x309: {  	v4 =	vadd.f32 v54, v4;
	v7 =	vld [tilespmem:s10+$0x2610];
	[tilespmem:s9+$0x2650] =	vst v3;
	v3 =	vmul.f32 v23, v6  }
0x30a: {  	v25 =	vpop (erf);
	v24 =	vld [tilespmem:s10+$0x2650]  }
0x30b: {  	v2 =	vmul.f32 v25, v2;
	v26 =	vld [tilespmem:s10+$0x6660];
	[tilespmem:s9+$0x2600] =	vst v3;
	v3 =	vsub.f32 $0.0e+00, v4;
	_ =	sdelay $0x1  }
0x30c: {  	v27 =	vld [tilespmem:s10+$0x2600];
	[tilespmem:s9+$0x2660] =	vst v2;
	v2 =	vmul.f32 $1.442695020e+00, v3;
	v28 =	vpop (erf)  }
0x30d: {  	v7 =	vadd.f32 v57, v7;
	v29 =	vld [tilespmem:s10+$0x2660];
	v1 =	vmul.f32 v28, v1  }
0x30e: {  	v3 =	vadd.f32 v14, v5;
	v30 =	vld [tilespmem:s10+$0x8600];
	(erf) = vpow2.f32 v2  }
0x30f: {  	v31 =	vadd.f32 v21, v62;
	v7 =	vadd.f32 v63, v7;
	v2 =	vld [tilespmem:s10+$0x8660];
	[tilespmem:s9+$0x2670] =	vst v1  }
0x310: {  	v3 =	vadd.f32 v59, v3;
	v6 =	vadd.f32 v55, v24;
	v33 =	vld [tilespmem:s10+$0x2670]  }
0x311: {  	v36 =	vsub.f32 $0.0e+00, v7;
	v1 =	vadd.f32 v22, v31  }
0x312: {  	v32 =	vsub.f32 $0.0e+00, v3;
	v8 =	vadd.f32 v19, v27;
	v35 =	vld [tilespmem:s10+$0x8670]  }
0x313: {  	v6 =	vadd.f32 v53, v6;
	v39 =	vmul.f32 $1.442695020e+00, v36;
	v34 =	vsub.f32 $0.0e+00, v1  }
0x314: {  	v9 =	vadd.f32 v26, v29;
	v12 =	vmul.f32 $1.442695020e+00, v32;
	v5 =	vadd.f32 v30, v8  }
0x315: {  	v37 =	vsub.f32 $0.0e+00, v6;
	v10 =	vmul.f32 $1.442695020e+00, v34;
	v38 =	vadd.f32 v16, v33  }
0x316: {  	v2 =	vadd.f32 v2, v9;
	(erf) = vpow2.f32 v12;
	v40 =	vsub.f32 $0.0e+00, v5  }
0x317: {  	v8 =	vmul.f32 $1.442695020e+00, v37;
	(erf) = vpow2.f32 v10;
	v41 =	vpop (erf);
	v12 =	vadd.f32 v35, v38  }
0x318: {  	v42 =	vsub.f32 $0.0e+00, v2;
	(erf) = vpow2.f32 v39;
	v11 =	vadd.f32 $1.000000000e+00, v41  }
0x319: {  	v9 =	vmul.f32 $1.442695020e+00, v40;
	(erf) = vpow2.f32 v8;
	v43 =	vsub.f32 $0.0e+00, v12  }
0x31a: {  	v44 =	vmul.f32 $1.442695020e+00, v42;
	(erf) = vrcp.f32 v11  }
0x31b: {  	(erf) = vpow2.f32 v9;
	v8 =	vmul.f32 $1.442695020e+00, v43  }
0x31c: {  	(erf) = vpow2.f32 v44  }
0x31d: {  	(erf) = vpow2.f32 v8;
	_ =	sdelay $0x1  }
0x31e: {  	v45 =	vpop (erf)  }
0x31f: {  	v46 =	vpop (erf)  }
0x320: {  	v8 =	vadd.f32 $1.000000000e+00, v45;
	v47 =	vpop (erf)  }
0x321: {  	v9 =	vadd.f32 $1.000000000e+00, v46;
	v48 =	vpop (erf)  }
0x322: {  	(erf) = vrcp.f32 v8;
	v49 =	vadd.f32 $1.000000000e+00, v47;
	v50 =	vpop (erf)  }
0x323: {  	(erf) = vrcp.f32 v9;
	v51 =	vadd.f32 $1.000000000e+00, v48;
	v52 =	vpop (erf)  }
0x324: {  	(erf) = vrcp.f32 v49;
	v53 =	vadd.f32 $1.000000000e+00, v52;
	v54 =	vpop (erf)  }
0x325: {  	(erf) = vrcp.f32 v51;
	v55 =	vadd.f32 $1.000000000e+00, v54;
	v56 =	vpop (erf)  }
0x326: {  	(erf) = vrcp.f32 v53;
	v57 =	vadd.f32 $1.000000000e+00, v56  }
0x327: {  	(erf) = vrcp.f32 v55  }
0x328: {  	(erf) = vrcp.f32 v57;
	_ =	sdelay $0x2  }
0x329: {  	v4 =	vmul.f32 v50, v4;
	v58 =	vpop (erf)  }
0x32a: {  	v3 =	vmul.f32 v58, v3;
	v59 =	vpop (erf)  }
0x32b: {  	[tilespmem:s10+$0x2630] =	vst v4;
	v1 =	vmul.f32 v59, v1;
	v60 =	vpop (erf)  }
0x32c: {  	[tilespmem:s10+$0x2640] =	vst v3;
	v3 =	vmul.f32 v60, v7;
	v61 =	vpop (erf)  }
0x32d: {  	[tilespmem:s10+$0x2620] =	vst v1;
	v1 =	vmul.f32 v61, v6;
	v62 =	vpop (erf)  }
0x32e: {  	[tilespmem:s10+$0x2610] =	vst v3;
	v3 =	vmul.f32 v62, v5;
	v63 =	vpop (erf)  }
0x32f: {  	[tilespmem:s10+$0x2650] =	vst v1;
	v1 =	vmul.f32 v63, v2;
	v2 =	vpop (erf)  }
0x330: {  	[tilespmem:s10+$0x2600] =	vst v3;
	v2 =	vmul.f32 v2, v12  }
0x331: {  	[tilespmem:s10+$0x2660] =	vst v1  }
0x332: {  	[tilespmem:s10+$0x2670] =	vst v2  }
0x333: {  	[spmem:s3] =	stream.indirect.scatter.add.f32 [tilespmem:s30], [sflag:$0x3], $0x80, s25, s15, $0xb8;
	[tilespmem:$0x1DE80] =	vst v63  }
0x334: {  	_ =	swait.ge [sflag:s8], $0x2000  }
.Ltmp9:
0x335: {  	[sflag:s8] =	ssyncset.done $0x0;
	(pc) =	sbr.rel .LBB2_12-.Ltmp9, $4  }
0x336: {  	[sflag:s8] =	ssyncadd.s32 $0xFFFFE000  }
0x337: {  	_ =	swait.ge [sflag:s8], $0x2000  }
0x338: {  	[sflag:s8] =	ssyncset.done $0x0  }
0x339: {  	[sflag:s8] =	ssyncadd.s32 $0xFFFFE000  }
.LBB2_14:
0x33a: {  	_ =	sfence.sel $0x180000  }
0x33b: {  	[bflag:$0x0] =	sbarrier.arrive $0xFFFF  }
0x33c: {  	_ =	strace $0x90000047  }
0x33d: {  	[bflag:$0x2] =	sbarrier.arrive $0xFFFF  }
0x33e: {  	p0 =	sne.s32 s2, $0x0;
	s0 =	rddreg [dreg:$0x3]  }
0x33f: {  	s0 =	sadd.s32 @!p0 $0x100000, s0  }
0x340: {  	[sflag:s0] =	ssyncadd.tile.s32 @!p0 $0x1;
	_ =	shalt  }
.Lfunc_end2:
_tile_overlayer_lowered:
.L_overlay_start_2:
0x341: {  	(tag) =	ssettag $0x2  }
0x342: {  	s0 =	rddreg [dreg:$0x0];
	s2 =	stileid.u32  }
0x343: {  	s1 =	rddreg [dreg:$0x1];
	p0 =	sne.s32 s2, $0x0  }
0x344: {  	s3 =	rddreg [dreg:$0x2];
	[bflag:$0x3] =	sbarrier.arrive $0xFFFF;
	s2 =	simm.s32 @!p0 $0x1C04  }
0x345: {  	[timem:s3], [sflag:s2] =	dma.local @!p0 [hbm:s0], s1  }
0x346: {  	s0 =	simm.s32 @!p0 $0x4  }
0x347: {  	_ =	swait.ge @!p0 [sflag:s0], s1  }
0x348: {  	s1 =	ssub.s32 @!p0 $0x0, s1;
	[sflag:s0] =	ssyncset.done @!p0 $0x0  }
0x349: {  	[sflag:s0] =	ssyncadd.s32 @!p0 s1  }
0x34a: {  	[bflag:$0x3] =	sbarrier.arrive $0xFFFF  }
0x34b: {  	_ =	shalt  }

// kernel: kernel.8.cloned.1.call-start
scs
__scs_entry_jumppad:
0x0: {  	(pc) =	sbr.rel $0x88, $3  }
0x1: {  	(tag) =	ssettag $0x0;
	lr =	simm.s32 $0x1  }
0x2: {  	[smem:$0x3F97] =	sst lr;
	_ =	strace $0xD0000000  }
0x3: {  	_ = 	snop  }
0x4: {  	_ = 	snop  }
0x5: {  	_ = 	snop  }
0x6: {  	_ = 	snop  }
0x7: {  	_ = 	snop  }
__scs_overlays_trampoline_lowered:
0x8: {  	[smem:$0x3FA6] =	sst s0  }
0x9: {  	[smem:$0x3FA7] =	sst s1  }
0xa: {  	[smem:$0x3FA8] =	sst s2  }
0xb: {  	[smem:$0x3FA9] =	sst s3  }
0xc: {  	[smem:$0x3FAA] =	sst s4  }
0xd: {  	[smem:$0x3FAB] =	sst s5  }
0xe: {  	[smem:$0x3FAC] =	sst s6  }
0xf: {  	[smem:$0x3FAD] =	sst s7  }
0x10: {  	[smem:$0x3FAE] =	sst s8  }
0x11: {  	[smem:$0x3FAF] =	sst s9;
	s0 =	simm.s32 @!p0 $0x0  }
0x12: {  	s1 =	sld [smem:$0x3F95];
	s0 =	simm.s32 @p0 $0x1  }
0x13: {  	[smem:$0x3FB0] =	sst s0;
	s0 =	simm.s32 @!p1 $0x0  }
0x14: {  	s2 =	sld [smem:$0x3F94];
	s0 =	simm.s32 @p1 $0x1  }
0x15: {  	[smem:$0x3FB1] =	sst s0;
	s0 =	simm.s32 @!p2 $0x0  }
0x16: {  	s3 =	sld [smem:$0x3FDB];
	s0 =	simm.s32 @p2 $0x1  }
0x17: {  	s4 =	simm.s32 $0x1BF5;
	[smem:$0x3FB3] =	sst s0  }
0x18: {  	s0 =	sld [smem:$0x3F96];
	_ =	swait.ge [sflag:s4], $0x0  }
0x19: {  	s7 =	sld [smem:$0x3F97]  }
0x1a: {  	s8 =	sadd.s32 $0xFFFFE003, lr  }
0x1b: {  	s9 =	sadd.s32 $0xFFFFFEF7, lr;
	s5 =	simm.s32 $0xFFFFFFFF;
	p2 =	slt.u32 s8, $0xFFFFF086  }
0x1c: {  	p1 =	slt.u32 s9, $0xF7A;
	s5 =	simm.s32 @!p2 $0x0  }
0x1d: {  	s5 =	simm.s32 @p1 $0x1;
	p0 =	seq.s32 s7, s2  }
0x1e: {  	s7 =	smul.u32 @!p0 $0xF7A, s2;
	p2 =	seq.s32 @!p0 s5, $0x0  }
0x1f: {  	s9 =	smul.u32 $0xF7A, s1;
	s8 =	simm.s32 @!p0 $0x1BF5;
	p2 =	por !p2, p0  }
0x20: {  	[sflag:s8] =	ssyncset.s32 @!p0 $0xFFFFF086;
	s6 =	sadd.s32 @!p0 s3, s7;
	s7 =	simm.s32 @!p0 $0x108  }
0x21: {  	s3 =	sadd.s32 s3, s9;
	s6 =	sadd.s32 @!p0 $0x88, s6;
	s7 =	simm.s32 @p2 $0x1082  }
0x22: {  	[simem:s7], [sflag:s8] =	dma.local @!p0 [hbm:s6], $0xF7A  }
0x23: {  	s9 =	sor.u32 $0xD0000000, s2;
	s6 =	simm.s32 $0x108;
	_ =	swait.ge @!p0 [sflag:s8], $0x0  }
0x24: {  	s3 =	sadd.s32 $0x88, s3;
	s6 =	simm.s32 @!p1 $0x1082;
	[sflag:s4] =	ssyncset.s32 $0xFFFFF086  }
0x25: {  	[simem:s6], [sflag:s4] =	dma.local [hbm:s3], $0xF7A  }
0x26: {  	[smem:$0x3F97] =	sst s1;
	(tag) =	ssettag s2;
	_ =	strace s9  }
0x27: {  	s1 =	sld [smem:$0x3FA7]  }
0x28: {  	s2 =	sld [smem:$0x3FA8]  }
0x29: {  	s4 =	sld [smem:$0x3FAA]  }
0x2a: {  	p0 =	seq.s32 s5, $0x0;
	s5 =	sld [smem:$0x3FAB]  }
0x2b: {  	s6 =	sld [smem:$0x3FAC]  }
0x2c: {  	s7 =	sld [smem:$0x3FAD]  }
0x2d: {  	s3 =	simm.s32 $0x108;
	s8 =	sld [smem:$0x3FAE]  }
0x2e: {  	s3 =	simm.s32 @!p0 $0x1082;
	s9 =	sld [smem:$0x3FAF]  }
0x2f: {  	lr =	sadd.s32 s0, s3;
	s0 =	sld [smem:$0x3FA6]  }
0x30: {  	s3 =	sld [smem:$0x3FA9]  }
0x31: {  	[smem:$0x3FB2] =	sst s10  }
0x32: {  	s10 =	sld [smem:$0x3FB0];
	_ =	sdelay $0x3  }
0x33: {  	p0 =	seq.s32 s10, $0x1;
	s10 =	sld [smem:$0x3FB2];
	_ =	sdelay $0x3  }
0x34: {  	[smem:$0x3FB2] =	sst s10  }
0x35: {  	s10 =	sld [smem:$0x3FB1];
	_ =	sdelay $0x3  }
0x36: {  	p1 =	seq.s32 s10, $0x1;
	s10 =	sld [smem:$0x3FB2];
	_ =	sdelay $0x3  }
0x37: {  	[smem:$0x3FB2] =	sst s10  }
0x38: {  	s10 =	sld [smem:$0x3FB3]  }
0x39: {  	_ = 	snop;
	(pc) =	sbr.ind lr, $3  }
0x3a: {  	_ = 	snop  }
0x3b: {  	_ = 	snop  }
0x3c: {  	p2 =	seq.s32 s10, $0x1;
	s10 =	sld [smem:$0x3FB2]  }
0x3d: {  	_ =	shalt  }
0x3e: {  	_ =	shalt  }
0x3f: {  	_ =	shalt  }
0x40: {  	_ =	shalt  }
0x41: {  	_ =	shalt  }
0x42: {  	_ =	shalt  }
0x43: {  	_ =	shalt  }
0x44: {  	_ =	shalt  }
0x45: {  	_ =	shalt  }
0x46: {  	_ =	shalt  }
0x47: {  	_ =	shalt  }
0x48: {  	_ =	shalt  }
0x49: {  	_ =	shalt  }
0x4a: {  	_ =	shalt  }
0x4b: {  	_ =	shalt  }
0x4c: {  	_ =	shalt  }
0x4d: {  	_ =	shalt  }
0x4e: {  	_ =	shalt  }
0x4f: {  	_ =	shalt  }
0x50: {  	_ =	shalt  }
0x51: {  	_ =	shalt  }
0x52: {  	_ =	shalt  }
0x53: {  	_ =	shalt  }
0x54: {  	_ =	shalt  }
0x55: {  	_ =	shalt  }
0x56: {  	_ =	shalt  }
0x57: {  	_ =	shalt  }
0x58: {  	_ =	shalt  }
0x59: {  	_ =	shalt  }
0x5a: {  	_ =	shalt  }
0x5b: {  	_ =	shalt  }
0x5c: {  	_ =	shalt  }
0x5d: {  	_ =	shalt  }
0x5e: {  	_ =	shalt  }
0x5f: {  	_ =	shalt  }
0x60: {  	_ =	shalt  }
0x61: {  	_ =	shalt  }
0x62: {  	_ =	shalt  }
0x63: {  	_ =	shalt  }
0x64: {  	_ =	shalt  }
0x65: {  	_ =	shalt  }
0x66: {  	_ =	shalt  }
0x67: {  	_ =	shalt  }
0x68: {  	_ =	shalt  }
0x69: {  	_ =	shalt  }
0x6a: {  	_ =	shalt  }
0x6b: {  	_ =	shalt  }
0x6c: {  	_ =	shalt  }
0x6d: {  	_ =	shalt  }
0x6e: {  	_ =	shalt  }
0x6f: {  	_ =	shalt  }
0x70: {  	_ =	shalt  }
0x71: {  	_ =	shalt  }
0x72: {  	_ =	shalt  }
0x73: {  	_ =	shalt  }
0x74: {  	_ =	shalt  }
0x75: {  	_ =	shalt  }
0x76: {  	_ =	shalt  }
0x77: {  	_ =	shalt  }
0x78: {  	_ =	shalt  }
0x79: {  	_ =	shalt  }
0x7a: {  	_ =	shalt  }
0x7b: {  	_ =	shalt  }
0x7c: {  	_ =	shalt  }
0x7d: {  	_ =	shalt  }
0x7e: {  	_ =	shalt  }
0x7f: {  	_ =	shalt  }
0x80: {  	_ =	shalt  }
0x81: {  	_ =	shalt  }
0x82: {  	_ =	shalt  }
0x83: {  	_ =	shalt  }
0x84: {  	_ =	shalt  }
0x85: {  	_ =	shalt  }
0x86: {  	_ =	shalt  }
0x87: {  	_ =	shalt  }
.Lfunc_end0:
.L_simem_size_0:
called_computation_lowered:
.L_overlay_start_0:
0x88: {  	s2 =	sld [smem:$0x3FD9]  }
0x89: {  	s3 =	sld [smem:$0x3FFE];
	_ =	sdelay $0x1  }
0x8a: {  	s1 =	srdreg.scid  }
0x8b: {  	s0 =	sand.u32 $0x1, s1  }
0x8c: {  	s17 =	sshll.u32 s0, $0xA;
	s2 =	sadd.s32 s3, s2  }
0x8d: {  	s2 =	sadd.s32 s2, s17  }
0x8e: {  	[smem:$0x3FBE] =	sst s2  }
0x8f: {  	_ = 	snop  }
0x90: {  	(tm) =	ssettm $0x1  }
0x91: {  	s18 =	sld [smem:$0x3FFB];
	_ =	sdelay $0x3  }
0x92: {  	_ =	strace s18  }
0x93: {  	s2 =	sld [smem:$0x3FFC];
	_ =	sdelay $0x3  }
0x94: {  	_ =	strace s2  }
0x95: {  	s2 =	sld [smem:$0x3FFD];
	_ =	sdelay $0x3  }
0x96: {  	_ =	strace s2  }
0x97: {  	_ =	strace $0x8FFFFFFF  }
0x98: {  	s19 =	sld [smem:$0x3FDB];
	_ =	sdelay $0x1  }
0x99: {  	s20 =	simm.s32 $_scs_section_size  }
0x9a: {  	s4 =	simm.s32 $_size__tile_overlayer_lowered;
	s5 =	simm.s32 $_tile_overlayer_lowered  }
0x9b: {  	s6 =	simm.s32 $0x1BFF;
	s21 =	sshll.u32 s5, $0x1;
	s3 =	sadd.s32 s20, s19  }
0x9c: {  	s22 =	simm.s32 $0x0;
	s4 =	sshll.u32 s4, $0x1;
	s5 =	sadd.s32 s21, s3  }
0x9d: {  	[timem:s22], [sflag:s6] =	dma.local [hbm:s5], s4  }
0x9e: {  	_ =	swait.ge [sflag:s6], s4  }
0x9f: {  	s4 =	ssub.s32 $0x0, s4;
	[sflag:s6] =	ssyncset.done $0x0  }
0xa0: {  	[sflag:s6] =	ssyncadd.s32 s4;
	_ =	sdelay $0x1  }
0xa1: {  	s23 =	simm.s32 $0x1B8B  }
0xa2: {  	_ =	swait.ge [sflag:s23], $0x1  }
0xa3: {  	[sflag:s23] =	ssyncset.done $0x0  }
0xa4: {  	[sflag:s23] =	ssyncadd.s32 $0xFFFFFFFF  }
0xa5: {  	s4 =	sld [smem:$0x0]  }
0xa6: {  	s5 =	sand.u32 $0xFFFFFFFE, s1  }
0xa7: {  	p0 =	sne.s32 s1, s5  }
0xa8: {  	s5 =	sshll.u32 @p0 s5, $0xE  }
0xa9: {  	s5 =	sadd.s32 @p0 $0x11B8D, s5;
	s6 =	sshll.u32 @p0 s4, $0x11  }
0xaa: {  	s5 =	sor.u32 @p0 s6, s5  }
0xab: {  	[sflag:s5] =	ssyncadd.remote.s32 @p0 $0x1;
	_ =	sdelay $0x1  }
0xac: {  	s5 =	simm.s32 @p0 $0x1B8D  }
0xad: {  	_ =	swait.eq @p0 [sflag:s5], $0x1  }
0xae: {  	[sflag:s5] =	ssyncadd.s32 @p0 $0xFFFFFFFF  }
0xaf: {  	s6 =	sshll.u32 @!p0 s1, $0xE  }
0xb0: {  	s6 =	sor.u32 @!p0 $0x4000, s6;
	s5 =	simm.s32 @!p0 $0x1B8D  }
0xb1: {  	s4 =	sshll.u32 @!p0 s4, $0x11;
	s6 =	sadd.s32 @!p0 $0x11B8D, s6;
	_ =	swait.eq @!p0 [sflag:s5], $0x1  }
0xb2: {  	s4 =	sor.u32 @!p0 s4, s6;
	[sflag:s5] =	ssyncadd.s32 @!p0 $0xFFFFFFFF  }
0xb3: {  	s25 =	simm.s32 $0x1B8E;
	s24 =	sld [smem:$0x3FFE];
	[sflag:s4] =	ssyncadd.remote.s32 @!p0 $0x1  }
0xb4: {  	s26 =	simm.s32 $execute0_lowered;
	[smem:$0x3FD2] =	sst s25  }
0xb5: {  	s5 =	sshll.u32 s26, $0x1;
	_ =	strace $0x80000049;
	[dreg:$0x1] =	wrdreg $0xFFFFFFFF  }
0xb6: {  	s28 =	simm.s32 $_size_execute0_lowered;
	s3 =	sadd.s32 s3, s5;
	[dreg:$0x0] =	wrdreg $0x0  }
0xb7: {  	s5 =	sshll.u32 s28, $0x1;
	[dreg:$0x2] =	wrdreg s3  }
0xb8: {  	[dreg:$0x3] =	wrdreg s5  }
0xb9: {  	[dreg:$0x4] =	wrdreg $0xC0  }
0xba: {  	_ =	task [dreg:s22], $0x5FFFF  }
0xbb: {  	[dreg:$0x1] =	wrdreg $0xFFFFFFFF  }
0xbc: {  	[dreg:$0x0] =	wrdreg $0x60  }
0xbd: {  	[dreg:$0x2] =	wrdreg s24  }
0xbe: {  	[dreg:$0x3] =	wrdreg $0x41000  }
0xbf: {  	[dreg:$0x4] =	wrdreg $0x9  }
0xc0: {  	_ =	task.clear_ibuf [dreg:s22], $0x5FFFF;
	_ =	strace $0x90000049  }
0xc1: {  	s29 =	simm.s32 $0x9;
	_ =	strace $0x8000004B  }
0xc2: {  	_ =	swait.ge [sflag:s29], $0x1  }
0xc3: {  	[sflag:s29] =	ssyncadd.s32 $0xFFFFFFFF  }
0xc4: {  	_ =	strace $0x9000004B  }
0xc5: {  	_ =	sfence  }
0xc6: {  	s30 =	sld [smem:$0x0];
	_ =	sdelay $0x2  }
0xc7: {  	s31 =	sshll.u32 s1, $0xD;
	s1 =	sshrl.u32 s1, $0x2  }
0xc8: {  	s4 =	sand.u32 $0x4000, s31;
	s1 =	sadd.s32 s1, s30  }
0xc9: {  	s0 =	sor.u32 s4, s0;
	s1 =	sshll.u32 s1, $0x11  }
0xca: {  	s0 =	sor.u32 s1, s0  }
0xcb: {  	s0 =	sadd.s32 $0x8F2B, s0  }
0xcc: {  	[sflag:s0] =	ssyncadd.remote.s32 $0x1  }
0xcd: {  	_ =	sfence.sel $0xFFFF  }
0xce: {  	[dreg:$0x0] =	wrdreg $0xFFFFFFFF;
	(pc) =	sbr.abs _section_cstart, $3  }
0xcf: {  	[dreg:$0x1] =	wrdreg $0xFFFFFFFF  }
0xd0: {  	_ =	task.clear_ibuf [dreg:s22], $0x2FFFF;
	_ =	strace $0x9FFFFFFF  }
0xd1: {  	(tm) =	ssettm $0x7FFFFFFF  }
tec
execute0_lowered:
.L_overlay_start_1:
0x0: {  	(tag) =	ssettag $0x1  }
0x1: {  	s2 =	srdreg.scid;
	s9 =	stileid.u32  }
0x2: {  	s1 =	rddreg [dreg:$0x0];
	s2 =	sand.u32 $0x1, s2;
	s5 =	smul.u32 $0x500, s9  }
0x3: {  	s0 =	simm.s32 $0x0;
	s6 =	sor.u32 $0x10, s9;
	s4 =	smul.u32 $0x27100, s2  }
0x4: {  	[smem:$0x7FF] =	sst s0;
	s10 =	sor.u32 $0x30, s9;
	s8 =	smul.u32 $0x500, s6  }
0x5: {  	s7 =	sadd.s32 $0x3200, s1;
	s13 =	sor.u32 $0x40, s9;
	s12 =	smul.u32 $0x500, s10  }
0x6: {  	s20 =	sor.u32 $0x20, s9;
	s24 =	sor.u32 $0x50, s9;
	s15 =	smul.u32 $0x500, s13  }
0x7: {  	s25 =	sor.u32 $0x60, s9;
	s26 =	sor.u32 $0x70, s9;
	s16 =	smul.u32 $0x500, s24  }
0x8: {  	s3 =	sshll.u32 s2, $0x9;
	s11 =	ssub.s32 $0x2, s2;
	s17 =	smul.u32 $0x500, s25  }
0x9: {  	s18 =	smul.u32 $0x500, s26;
	s2 =	sshll.u32 s2, $0x4;
	s21 =	sadd.s32 s7, s5  }
0xa: {  	s3 =	sadd.s32 s3, s1;
	[dreg:$0x3] =	wrdreg s21;
	s22 =	sadd.s32 s7, s8  }
0xb: {  	s1 =	sadd.s32 s4, s1;
	s19 =	sadd.s32 s7, s12;
	[dreg:$0x4] =	wrdreg s22  }
0xc: {  	s4 =	smul.u32 $0x500, s20;
	s21 =	sadd.s32 s7, s15;
	[dreg:$0x6] =	wrdreg s19  }
0xd: {  	s10 =	smul.u32 $0xA000, s10;
	[dreg:$0x7] =	wrdreg s21;
	s22 =	sadd.s32 s7, s16  }
0xe: {  	s1 =	sadd.s32 $0x78600, s1;
	s23 =	sadd.s32 s7, s4;
	[dreg:$0x8] =	wrdreg s22  }
0xf: {  	p0 =	sgt.u32 s26, $0x7C;
	s5 =	sadd.s32 s1, s5;
	[dreg:$0x5] =	wrdreg s23  }
0x10: {  	s14 =	sshrl.u32 s11, $0x1;
	s8 =	sadd.s32 s1, s8;
	[dreg:$0xb] =	wrdreg s5  }
0x11: {  	s11 =	ssub.s32 s11, s14;
	s4 =	sadd.s32 s1, s4;
	[dreg:$0xc] =	wrdreg s8  }
0x12: {  	s14 =	sadd.s32 s1, s12;
	s19 =	sadd.s32 s1, s15;
	[dreg:$0xd] =	wrdreg s4  }
0x13: {  	s21 =	sadd.s32 s1, s16;
	s22 =	sadd.s32 s1, s17;
	[dreg:$0xe] =	wrdreg s14  }
0x14: {  	s1 =	sadd.s32 s1, s18;
	s12 =	sshll.u32 s9, $0x6;
	[dreg:$0xf] =	wrdreg s19  }
0x15: {  	s15 =	smul.u32 $0xA000, s26;
	s23 =	sadd.s32 s7, s17;
	[dreg:$0x10] =	wrdreg s21  }
0x16: {  	s7 =	sadd.s32 s7, s18;
	[dreg:$0x11] =	wrdreg s22;
	s8 =	smul.u32 $0xA000, s20  }
0x17: {  	[dreg:$0x12] =	wrdreg s1;
	s20 =	smax.u32 s11, $0x1;
	s11 =	smul.u32 $0xA000, s13  }
0x18: {  	s19 =	rddreg [dreg:$0x1];
	s5 =	sshll.u32 s9, $0x5;
	s13 =	smul.u32 $0xA000, s24  }
0x19: {  	s22 =	sor.u32 $0x1C01, s12;
	s14 =	smul.u32 $0xA000, s25;
	[dreg:$0x9] =	wrdreg s23  }
0x1a: {  	[dreg:$0xa] =	wrdreg s7;
	s23 =	smul.u32 $0xA000, s9;
	s3 =	sadd.s32 s5, s3  }
0x1b: {  	s7 =	smul.u32 $0xA000, s6;
	s18 =	sshrl.u32 s15, $0x2;
	_ =	strace $0x8000004A  }
0x1c: {  	s5 =	sshrl.u32 s8, $0x2;
	s6 =	sshrl.u32 s11, $0x2;
	s16 =	sshrl.u32 s13, $0x2  }
0x1d: {  	s17 =	sshrl.u32 s14, $0x2;
	s30 =	sadd.s32 s18, s19;
	s31 =	sadd.s32 $0x274200, s3  }
0x1e: {  	s13 =	sor.u32 s2, s9;
	s1 =	sshrl.u32 s23, $0x2;
	s4 =	sshrl.u32 s7, $0x2  }
0x1f: {  	s24 =	sadd.s32 s5, s19;
	s26 =	sadd.s32 s6, s19;
	s28 =	sadd.s32 s16, s19  }
0x20: {  	s29 =	sadd.s32 s17, s19;
	s21 =	sadd.s32 s1, s19;
	s1 =	sshrl.u32 s10, $0x2  }
0x21: {  	v0 =	vimm.f32 $1.000000000e+00;
	s23 =	sadd.s32 s4, s19;
	s25 =	sadd.s32 s1, s19;
	s1 =	simm.s32 $0x1  }
.LBB2_1:
0x22: {  	s2 =	simm.s32 $0x0;
	s3 =	simm.s32 $0x200  }
.LBB2_2:
0x23: {  	p1 =	sne.s32 s3, $0xFE00;
	[tilespmem:s2+$0x170] =	vst v0  }
0x24: {  	[tilespmem:s2+$0x100] =	vst v0  }
0x25: {  	[tilespmem:s2+$0x110] =	vst v0  }
.Ltmp0:
0x26: {  	[tilespmem:s2+$0x120] =	vst v0;
	(pc) =	sbr.rel @p1 .LBB2_2-.Ltmp0, $4  }
0x27: {  	[tilespmem:s2+$0x130] =	vst v0  }
0x28: {  	[tilespmem:s2+$0x140] =	vst v0  }
0x29: {  	[tilespmem:s2+$0x150] =	vst v0  }
0x2a: {  	[tilespmem:s2+$0x160] =	vst v0;
	s2 =	sshra.s32 s3, $0x2;
	s3 =	sadd.s32 $0x200, s3  }
0x2b: {  	[tilespmem:s2+$0x170] =	vst v0  }
0x2c: {  	[tilespmem:s2+$0x100] =	vst v0  }
0x2d: {  	[tilespmem:s2+$0x110] =	vst v0  }
0x2e: {  	[tilespmem:s2+$0x120] =	vst v0  }
0x2f: {  	[tilespmem:s2+$0x130] =	vst v0  }
0x30: {  	[tilespmem:s2+$0x140] =	vst v0  }
0x31: {  	[tilespmem:s2+$0x150] =	vst v0  }
0x32: {  	[tilespmem:s2+$0x160] =	vst v0;
	s2 =	sshrl.u32 s21, $0x3;
	s3 =	rddreg [dreg:$0x3]  }
0x33: {  	[spmem:s2], [sflag:s22] =	dma.local [hbm:s3], $0x500  }
0x34: {  	_ =	swait.ge [sflag:s1], $0x500  }
0x35: {  	[sflag:s1] =	ssyncset.done $0x0  }
0x36: {  	s3 =	sshrl.u32 s23, $0x3;
	s4 =	rddreg [dreg:$0x4];
	[sflag:s1] =	ssyncadd.s32 $0xFFFFFB00  }
0x37: {  	[spmem:s3], [sflag:s22] =	dma.local [hbm:s4], $0x500  }
0x38: {  	_ =	swait.ge [sflag:s1], $0x500  }
0x39: {  	[sflag:s1] =	ssyncset.done $0x0  }
0x3a: {  	s4 =	sshrl.u32 s24, $0x3;
	s5 =	rddreg [dreg:$0x5];
	[sflag:s1] =	ssyncadd.s32 $0xFFFFFB00  }
0x3b: {  	[spmem:s4], [sflag:s22] =	dma.local [hbm:s5], $0x500  }
0x3c: {  	_ =	swait.ge [sflag:s1], $0x500  }
0x3d: {  	[sflag:s1] =	ssyncset.done $0x0  }
0x3e: {  	s5 =	sshrl.u32 s25, $0x3;
	s6 =	rddreg [dreg:$0x6];
	[sflag:s1] =	ssyncadd.s32 $0xFFFFFB00  }
0x3f: {  	[spmem:s5], [sflag:s22] =	dma.local [hbm:s6], $0x500  }
0x40: {  	_ =	swait.ge [sflag:s1], $0x500  }
0x41: {  	[sflag:s1] =	ssyncset.done $0x0  }
0x42: {  	s6 =	sshrl.u32 s26, $0x3;
	s7 =	rddreg [dreg:$0x7];
	[sflag:s1] =	ssyncadd.s32 $0xFFFFFB00  }
0x43: {  	[spmem:s6], [sflag:s22] =	dma.local [hbm:s7], $0x500  }
0x44: {  	_ =	swait.ge [sflag:s1], $0x500  }
0x45: {  	[sflag:s1] =	ssyncset.done $0x0  }
0x46: {  	s7 =	sshrl.u32 s28, $0x3;
	s8 =	rddreg [dreg:$0x8];
	[sflag:s1] =	ssyncadd.s32 $0xFFFFFB00  }
0x47: {  	[spmem:s7], [sflag:s22] =	dma.local [hbm:s8], $0x500  }
0x48: {  	_ =	swait.ge [sflag:s1], $0x500  }
0x49: {  	[sflag:s1] =	ssyncset.done $0x0  }
0x4a: {  	s8 =	sshrl.u32 s29, $0x3;
	s9 =	rddreg [dreg:$0x9];
	[sflag:s1] =	ssyncadd.s32 $0xFFFFFB00  }
0x4b: {  	[spmem:s8], [sflag:s22] =	dma.local [hbm:s9], $0x500  }
0x4c: {  	_ =	swait.ge [sflag:s1], $0x500  }
0x4d: {  	[sflag:s1] =	ssyncset.done $0x0  }
0x4e: {  	s9 =	sshrl.u32 @!p0 s30, $0x3;
	s10 =	rddreg [dreg:$0xa];
	[sflag:s1] =	ssyncadd.s32 $0xFFFFFB00  }
0x4f: {  	[spmem:s9], [sflag:s22] =	dma.local @!p0 [hbm:s10], $0x500  }
0x50: {  	s10 =	simm.s32 @!p0 $0x1  }
0x51: {  	_ =	swait.ge @!p0 [sflag:s10], $0x500  }
0x52: {  	s11 =	sadd.s32 $0x0, s13;
	[sflag:s10] =	ssyncset.done @!p0 $0x0  }
0x53: {  	p1 =	sgt.u32 s11, $0x270;
	[sflag:s10] =	ssyncadd.s32 @!p0 $0xFFFFFB00  }
0x54: {  	s11 =	simm.s32 @!p1 $0x2;
	s10 =	simm.s32 @!p1 $0x0;
	[bflag:$0x0] =	sbarrier.arrive $0xFFFF  }
0x55: {  	[tilespmem:s10], [sflag:$0x2] =	stream.linear.gather @!p1 [hbm4b:s31+s10], $0x100, $0x38;
	[tilespmem:$0x17980] =	vst v63  }
0x56: {  	_ =	swait.ge @!p1 [sflag:s11], $0x100  }
0x57: {  	[sflag:s11] =	ssyncset.done @!p1 $0x0;
	p1 =	por p1, p1  }
0x58: {  	[sflag:s11] =	ssyncadd.s32 @!p1 $0xFFFFFF00;
	s14 =	simm.s32 @!p1 $0x80;
	s15 =	simm.s32 @!p1 $0x100  }
0x59: {  	[spmem:s19] =	stream.indirect.scatter.add.f32 @!p1 [tilespmem:s15], [sflag:$0x2], $0x80, s10, s14, $0xb8;
	[tilespmem:$0x17980] =	vst v63  }
0x5a: {  	_ =	swait.ge @!p1 [sflag:s11], $0x4000  }
0x5b: {  	[sflag:s11] =	ssyncset.done @!p1 $0x0  }
0x5c: {  	s18 =	sadd.s32 $0x20, s13;
	s12 =	simm.s32 @!p1 $0x1;
	[sflag:s11] =	ssyncadd.s32 @!p1 $0xFFFFC000  }
0x5d: {  	[spmem:s19] =	stream.indirect.scatter.add.f32 @!p1 [tilespmem:s15], [sflag:$0x1], $0x80, s14, s14, $0xb8;
	[tilespmem:$0x17980] =	vst v63  }
0x5e: {  	p2 =	sgt.u32 s18, $0x270;
	_ =	swait.ge @!p1 [sflag:s12], $0x4000  }
0x5f: {  	s10 =	simm.s32 $0x40;
	s11 =	sadd.s32 $0x400, s31;
	[sflag:s12] =	ssyncset.done @!p1 $0x0  }
.LBB2_4:
0x60: {  	s14 =	simm.s32 @!p2 $0x0;
	s15 =	simm.s32 @!p2 $0x2;
	[sflag:s12] =	ssyncadd.s32 @!p1 $0xFFFFC000  }
0x61: {  	[tilespmem:s14], [sflag:$0x2] =	stream.linear.gather @!p2 [hbm4b:s11+s14], $0x100, $0x38;
	[tilespmem:$0x17980] =	vst v63  }
0x62: {  	s16 =	smov.u32 s10;
	s10 =	sadd.s32 $0x20, s10;
	_ =	swait.ge @!p2 [sflag:s15], $0x100  }
0x63: {  	p1 =	por p2, p2;
	p3 =	sne.s32 s10, $0x280;
	[sflag:s15] =	ssyncset.done @!p2 $0x0  }
0x64: {  	s17 =	simm.s32 @!p1 $0x80;
	s18 =	simm.s32 @!p1 $0x100;
	[sflag:s15] =	ssyncadd.s32 @!p1 $0xFFFFFF00  }
0x65: {  	[spmem:s19] =	stream.indirect.scatter.add.f32 @!p1 [tilespmem:s18], [sflag:$0x2], $0x80, s14, s17, $0xb8;
	[tilespmem:$0x17980] =	vst v63  }
0x66: {  	_ =	swait.ge @!p1 [sflag:s15], $0x4000  }
.Ltmp1:
0x67: {  	[sflag:s15] =	ssyncset.done @!p1 $0x0;
	(pc) =	sbr.rel @p3 .LBB2_4-.Ltmp1, $4  }
0x68: {  	s12 =	simm.s32 @!p1 $0x1;
	[sflag:s15] =	ssyncadd.s32 @!p1 $0xFFFFC000  }
0x69: {  	[spmem:s19] =	stream.indirect.scatter.add.f32 @!p1 [tilespmem:s18], [sflag:$0x1], $0x80, s17, s17, $0xb8;
	[tilespmem:$0x17980] =	vst v63  }
0x6a: {  	s14 =	sadd.s32 s16, s13;
	_ =	swait.ge @!p1 [sflag:s12], $0x4000  }
0x6b: {  	s11 =	sadd.s32 $0x400, s11;
	p2 =	sgt.u32 s14, $0x270;
	[sflag:s12] =	ssyncset.done @!p1 $0x0  }
0x6c: {  	s10 =	simm.s32 @!p2 $0x0;
	s14 =	simm.s32 @!p2 $0x2;
	[sflag:s12] =	ssyncadd.s32 @!p1 $0xFFFFC000  }
0x6d: {  	[tilespmem:s10], [sflag:$0x2] =	stream.linear.gather @!p2 [hbm4b:s11+s10], $0x100, $0x38;
	[tilespmem:$0x17980] =	vst v63  }
0x6e: {  	_ =	swait.ge @!p2 [sflag:s14], $0x100  }
0x6f: {  	p1 =	por p2, p2;
	[sflag:s14] =	ssyncset.done @!p2 $0x0  }
0x70: {  	s11 =	simm.s32 @!p1 $0x80;
	s12 =	simm.s32 @!p1 $0x100;
	[sflag:s14] =	ssyncadd.s32 @!p1 $0xFFFFFF00  }
0x71: {  	[spmem:s19] =	stream.indirect.scatter.add.f32 @!p1 [tilespmem:s12], [sflag:$0x2], $0x80, s10, s11, $0xb8;
	[tilespmem:$0x17980] =	vst v63  }
0x72: {  	_ =	swait.ge @!p1 [sflag:s14], $0x4000  }
0x73: {  	[sflag:s14] =	ssyncset.done @!p1 $0x0  }
0x74: {  	s10 =	simm.s32 @!p1 $0x1;
	[sflag:s14] =	ssyncadd.s32 @!p1 $0xFFFFC000  }
0x75: {  	[spmem:s19] =	stream.indirect.scatter.add.f32 @!p1 [tilespmem:s12], [sflag:$0x1], $0x80, s11, s11, $0xb8;
	[tilespmem:$0x17980] =	vst v63  }
0x76: {  	_ =	swait.ge @!p1 [sflag:s10], $0x4000  }
0x77: {  	[sflag:s10] =	ssyncset.done @!p1 $0x0  }
0x78: {  	[sflag:s10] =	ssyncadd.s32 @!p1 $0xFFFFC000  }
0x79: {  	[bflag:$0x0] =	sbarrier.arrive $0xFFFF  }
0x7a: {  	s11 =	rddreg [dreg:$0xb]  }
0x7b: {  	[hbm:s11], [sflag:s22] =	dma.local [spmem:s2], $0x500  }
0x7c: {  	_ =	swait.ge [sflag:s1], $0x500  }
0x7d: {  	[sflag:s1] =	ssyncset.done $0x0  }
0x7e: {  	s12 =	rddreg [dreg:$0xc];
	[sflag:s1] =	ssyncadd.s32 $0xFFFFFB00  }
0x7f: {  	[hbm:s12], [sflag:s22] =	dma.local [spmem:s3], $0x500  }
0x80: {  	_ =	swait.ge [sflag:s1], $0x500  }
0x81: {  	[sflag:s1] =	ssyncset.done $0x0  }
0x82: {  	s14 =	rddreg [dreg:$0xd];
	[sflag:s1] =	ssyncadd.s32 $0xFFFFFB00  }
0x83: {  	[hbm:s14], [sflag:s22] =	dma.local [spmem:s4], $0x500  }
0x84: {  	_ =	swait.ge [sflag:s1], $0x500  }
0x85: {  	[sflag:s1] =	ssyncset.done $0x0  }
0x86: {  	s15 =	rddreg [dreg:$0xe];
	[sflag:s1] =	ssyncadd.s32 $0xFFFFFB00  }
0x87: {  	[hbm:s15], [sflag:s22] =	dma.local [spmem:s5], $0x500  }
0x88: {  	_ =	swait.ge [sflag:s1], $0x500  }
0x89: {  	[sflag:s1] =	ssyncset.done $0x0  }
0x8a: {  	s16 =	rddreg [dreg:$0xf];
	[sflag:s1] =	ssyncadd.s32 $0xFFFFFB00  }
0x8b: {  	[hbm:s16], [sflag:s22] =	dma.local [spmem:s6], $0x500  }
0x8c: {  	_ =	swait.ge [sflag:s1], $0x500  }
0x8d: {  	[sflag:s1] =	ssyncset.done $0x0  }
0x8e: {  	s17 =	rddreg [dreg:$0x10];
	[sflag:s1] =	ssyncadd.s32 $0xFFFFFB00  }
0x8f: {  	[hbm:s17], [sflag:s22] =	dma.local [spmem:s7], $0x500  }
0x90: {  	_ =	swait.ge [sflag:s1], $0x500  }
0x91: {  	[sflag:s1] =	ssyncset.done $0x0  }
0x92: {  	s18 =	rddreg [dreg:$0x11];
	[sflag:s1] =	ssyncadd.s32 $0xFFFFFB00  }
0x93: {  	[hbm:s18], [sflag:s22] =	dma.local [spmem:s8], $0x500  }
0x94: {  	_ =	swait.ge [sflag:s1], $0x500  }
0x95: {  	s0 =	sadd.s32 $0x1, s0;
	[sflag:s1] =	ssyncset.done $0x0  }
0x96: {  	p1 =	sne.s32 s0, s20;
	s2 =	rddreg [dreg:$0x12];
	[sflag:s1] =	ssyncadd.s32 $0xFFFFFB00  }
0x97: {  	[hbm:s2], [sflag:s22] =	dma.local @!p0 [spmem:s9], $0x500  }
.Ltmp2:
0x98: {  	_ = 	snop;
	(pc) =	sbr.rel @p1 .LBB2_1-.Ltmp2, $4  }
0x99: {  	s2 =	simm.s32 @!p0 $0x1  }
0x9a: {  	_ =	swait.ge @!p0 [sflag:s2], $0x500  }
0x9b: {  	[sflag:s2] =	ssyncset.done @!p0 $0x0  }
0x9c: {  	[sflag:s2] =	ssyncadd.s32 @!p0 $0xFFFFFB00  }
0x9d: {  	_ =	sfence.sel $0x180000  }
0x9e: {  	[bflag:$0x0] =	sbarrier.arrive $0xFFFF  }
0x9f: {  	_ =	strace $0x9000004A  }
0xa0: {  	s0 =	stileid.u32;
	[bflag:$0x2] =	sbarrier.arrive $0xFFFF  }
0xa1: {  	p0 =	sne.s32 s0, $0x0;
	s0 =	rddreg [dreg:$0x2]  }
0xa2: {  	s0 =	sadd.s32 @!p0 $0x100000, s0  }
0xa3: {  	[sflag:s0] =	ssyncadd.tile.s32 @!p0 $0x1;
	_ =	shalt  }
.Lfunc_end2:
_tile_overlayer_lowered:
.L_overlay_start_2:
0xa4: {  	(tag) =	ssettag $0x2  }
0xa5: {  	s0 =	rddreg [dreg:$0x0];
	s2 =	stileid.u32  }
0xa6: {  	s1 =	rddreg [dreg:$0x1];
	p0 =	sne.s32 s2, $0x0  }
0xa7: {  	s3 =	rddreg [dreg:$0x2];
	[bflag:$0x3] =	sbarrier.arrive $0xFFFF;
	s2 =	simm.s32 @!p0 $0x1C01  }
0xa8: {  	[timem:s3], [sflag:s2] =	dma.local @!p0 [hbm:s0], s1  }
0xa9: {  	s0 =	simm.s32 @!p0 $0x1  }
0xaa: {  	_ =	swait.ge @!p0 [sflag:s0], s1  }
0xab: {  	s1 =	ssub.s32 @!p0 $0x0, s1;
	[sflag:s0] =	ssyncset.done @!p0 $0x0  }
0xac: {  	[sflag:s0] =	ssyncadd.s32 @!p0 s1  }
0xad: {  	[bflag:$0x3] =	sbarrier.arrive $0xFFFF  }
0xae: {  	_ =	shalt  }

</sc_bundles>
